<compile_context>
chip_gen: v7x
topology: tpu7x:2x2x1
jax: 0.10.2.dev20260603
libtpu: 0.0.44.dev20260713+nightly
codegen_flags: <defaults>
</compile_context>

<pallas_src>
import functools

import jax
import jax.numpy as jnp
from jax import lax
from jax.experimental import pallas as pl
from jax.experimental.pallas import tpu as pltpu
from jax.experimental.pallas import tpu_sc as plsc

NC = 2
NS = 16
NW = NC * NS
LANES = 16

_GDN = lax.GatherDimensionNumbers(
    offset_dims=(), collapsed_slice_dims=(0,), start_index_map=(0,))


def _shuffle(v, idx):
    return lax.gather(v, idx[:, None], _GDN, (1,),
                      mode=lax.GatherScatterMode.PROMISE_IN_BOUNDS)


def _matmul_kernel(x_ref, w_ref, o_ref):
    o_ref[...] = jnp.dot(x_ref[...], w_ref[...],
                         preferred_element_type=jnp.float32)


def _matmul(x, w):
    n, d_in = x.shape
    d_out = w.shape[1]
    blk = 2048
    grid = (n // blk,)
    return pl.pallas_call(
        _matmul_kernel,
        grid=grid,
        in_specs=[
            pl.BlockSpec((blk, d_in), lambda i: (i, 0)),
            pl.BlockSpec((d_in, d_out), lambda i: (0, 0)),
        ],
        out_specs=pl.BlockSpec((blk, d_out), lambda i: (i, 0)),
        out_shape=jax.ShapeDtypeStruct((n, d_out), jnp.float32),
    )(x, w)


def _sc_combine(partials, aw16):
    _, n_pad, dm = partials.shape
    rows_per_w = n_pad // NW
    cb = 80
    ksl = dm // LANES
    mesh = plsc.VectorSubcoreMesh(core_axis_name="c", subcore_axis_name="s")

    @functools.partial(
        pl.kernel,
        mesh=mesh,
        out_type=jax.ShapeDtypeStruct((n_pad, dm), jnp.float32),
        scratch_types=[
            pltpu.VMEM((cb, dm), jnp.float32),
            pltpu.VMEM((cb, dm), jnp.float32),
            pltpu.VMEM((LANES,), jnp.float32),
        ],
    )
    def k2(p_hbm, aw_hbm, o_hbm, b0_v, b1_v, aw_v):
        cid = lax.axis_index("c")
        sid = lax.axis_index("s")
        wid = cid * NS + sid
        wbase = wid * rows_per_w
        pltpu.sync_copy(aw_hbm, aw_v)
        wv = aw_v[pl.ds(0, LANES)]

        def blk(i, carry):
            rbase = pl.multiple_of(wbase + i * cb, 8)
            pltpu.sync_copy(p_hbm.at[0, pl.ds(rbase, cb)], b0_v)
            pltpu.sync_copy(p_hbm.at[1, pl.ds(rbase, cb)], b1_v)

            def row(r, rcarry):
                for k in range(ksl):
                    sl = pl.ds(k * LANES, LANES)
                    b0_v[r, sl] = (b0_v[r, sl] + b1_v[r, sl]) * wv
                return rcarry
            lax.fori_loop(0, cb, row, 0)
            pltpu.sync_copy(b0_v, o_hbm.at[pl.ds(rbase, cb)])
            return carry
        lax.fori_loop(0, rows_per_w // cb, blk, 0)

    return k2(partials, aw16)


def _sc_edge(xp, src, dst, n_chunks, bsz):
    n_pad, dm = xp.shape
    e_per_w = n_chunks * bsz
    rows_per_tile = n_pad // NS
    ksl = dm // LANES
    ngrp = bsz // LANES

    mesh = plsc.VectorSubcoreMesh(core_axis_name="c", subcore_axis_name="s")

    assert n_chunks % 2 == 1

    @functools.partial(
        pl.kernel,
        mesh=mesh,
        out_type=jax.ShapeDtypeStruct((NC, n_pad, dm), jnp.float32),
        scratch_types=[
            pltpu.VMEM((bsz,), jnp.int32),
            pltpu.VMEM((bsz,), jnp.int32),
            pltpu.VMEM((bsz,), jnp.int32),
            pltpu.VMEM((bsz,), jnp.int32),
            pltpu.VMEM((bsz, dm), jnp.float32),
            pltpu.VMEM((bsz, dm), jnp.float32),
            pltpu.VMEM((bsz, dm), jnp.float32),
            pltpu.VMEM((bsz, dm), jnp.float32),
            pltpu.VMEM_SHARED((n_pad, dm), jnp.float32),
            pltpu.SemaphoreType.DMA,
            pltpu.SemaphoreType.DMA,
            pltpu.SemaphoreType.DMA,
            pltpu.SemaphoreType.DMA,
            pltpu.SemaphoreType.DMA,
            pltpu.SemaphoreType.DMA,
            pltpu.SemaphoreType.DMA,
            pltpu.SemaphoreType.DMA,
        ],
    )
    def k1(xp_hbm, src_hbm, dst_hbm, acc_hbm,
           sidx_v0, sidx_v1, didx_v0, didx_v1,
           srows_v0, srows_v1, drows_v0, drows_v1, acc_sh,
           sgs0, sgs1, sgd0, sgd1, sw0, sw1, si, sj):
        cid = lax.axis_index("c")
        sid = lax.axis_index("s")
        wid = cid * NS + sid
        tbase = sid * rows_per_tile
        lane = lax.iota(jnp.int32, LANES)
        sidx = (sidx_v0, sidx_v1)
        didx = (didx_v0, didx_v1)
        srows = (srows_v0, srows_v1)
        drows = (drows_v0, drows_v1)
        sgs = (sgs0, sgs1)
        sgd = (sgd0, sgd1)
        sw = (sw0, sw1)

        def zrow(r, carry):
            for k in range(ksl):
                srows_v0[r, pl.ds(k * LANES, LANES)] = jnp.zeros(
                    (LANES,), jnp.float32)
            return carry
        lax.fori_loop(0, bsz, zrow, 0)
        for i in range(rows_per_tile // bsz):
            pltpu.sync_copy(srows_v0, acc_sh.at[pl.ds(tbase + i * bsz, bsz)])
        plsc.subcore_barrier()

        def start_idx(j, b):
            ebase = wid * e_per_w + j * bsz
            pltpu.make_async_copy(
                src_hbm.at[pl.ds(ebase, bsz)], sidx[b], si).start()
            pltpu.make_async_copy(
                dst_hbm.at[pl.ds(ebase, bsz)], didx[b], sj).start()

        def wait_idx(b):
            pltpu.make_async_copy(
                src_hbm.at[pl.ds(0, bsz)], sidx[b], si).wait()
            pltpu.make_async_copy(
                dst_hbm.at[pl.ds(0, bsz)], didx[b], sj).wait()

        def start_gather(b):
            pltpu.make_async_copy(xp_hbm.at[sidx[b]], srows[b], sgs[b]).start()
            pltpu.make_async_copy(xp_hbm.at[didx[b]], drows[b], sgd[b]).start()

        def wait_gather(b):
            pltpu.make_async_copy(xp_hbm.at[sidx[b]], srows[b], sgs[b]).wait()
            pltpu.make_async_copy(xp_hbm.at[didx[b]], drows[b], sgd[b]).wait()

        def start_scatter(b):
            pltpu.make_async_copy(
                srows[b], acc_sh.at[didx[b]], sw[b]).start(add=True)

        def wait_scatter(b):
            pltpu.make_async_copy(srows[b], acc_sh.at[didx[b]], sw[b]).wait()

        def compute(b):
            sr = srows[b]
            dr = drows[b]

            @plsc.parallel_loop(0, bsz, 1, unroll=2)
            def edge(e):
                svecs = []
                p = jnp.zeros((LANES,), jnp.float32)
                for k in range(ksl):
                    s = sr[e, pl.ds(k * LANES, LANES)]
                    d = dr[e, pl.ds(k * LANES, LANES)]
                    svecs.append(s)
                    p = p + s * d
                for sh in (8, 4, 2, 1):
                    p = p + _shuffle(p, jnp.bitwise_xor(lane, sh))
                for k in range(ksl):
                    sr[e, pl.ds(k * LANES, LANES)] = svecs[k] * p

        start_idx(0, 0)
        wait_idx(0)
        start_gather(0)

        def step(j, b, first):
            wait_gather(b)
            if not first:
                wait_scatter(1 - b)
            start_idx(j + 1, 1 - b)
            wait_idx(1 - b)
            start_gather(1 - b)
            compute(b)
            start_scatter(b)

        def pair(jj, carry):
            j = jj * 2
            step(j, 0, False)
            step(j + 1, 1, False)
            return carry

        step(0, 0, True)
        step(1, 1, False)
        lax.fori_loop(1, (n_chunks - 1) // 2, pair, 0)

        wait_gather(0)
        wait_scatter(1)
        compute(0)
        start_scatter(0)
        wait_scatter(0)

        plsc.subcore_barrier()
        pltpu.sync_copy(acc_sh.at[pl.ds(tbase, rows_per_tile)],
                        acc_hbm.at[cid, pl.ds(tbase, rows_per_tile)])

    return k1(xp, src, dst)


def kernel(X, edge_index, weights, attention_w):
    n, d_in = X.shape
    e = edge_index.shape[1]
    e_per_w = e // NW
    bsz = 80
    n_chunks = e_per_w // bsz
    n_pad = ((n + 2559) // 2560) * 2560

    x_pad = jnp.pad(X, ((0, n_pad - n), (0, 0)))
    xp = _matmul(x_pad, weights)

    partials = _sc_edge(xp, edge_index[0], edge_index[1], n_chunks, bsz)
    aw16 = jnp.full((LANES,), attention_w[0, 0], jnp.float32)
    return _sc_combine(partials, aw16)[:n]

# --- scband reference (transcript-rebuilt; emitter-appended) ---
"""Pipeline reference for scband-agnnconv-57767310131236 (READ-ONLY COPY).

The authoritative reference and input builder live on the scoring server;
editing this copy changes nothing except your own understanding.
"""

import jax, jax.numpy as jnp
import numpy as np

N_NODES = 10000
N_EDGES = 320000
D_IN = 128
D_OUT = 128


def setup_inputs(seed: int = 0) -> dict:
    key = jax.random.key(seed)
    k1, k2, k3, k4 = jax.random.split(key, 4)
    X = jax.random.normal(k1, (N_NODES, D_IN), dtype=jnp.float32)
    edge_index = jax.random.randint(k2, (2, N_EDGES), 0, N_NODES, dtype=jnp.int32)
    stdv = 1.0 / np.sqrt(D_OUT)
    weights = jax.random.uniform(k3, (D_IN, D_OUT), dtype=jnp.float32, minval=-stdv, maxval=stdv)
    attention_w = jax.random.normal(k4, (1, 1), dtype=jnp.float32)
    return {"X": X, "edge_index": edge_index, "weights": weights, "attention_w": attention_w}


def reference(X, edge_index, weights, attention_w):
    # AGNNConv forward (n_heads = 1):
    #   X' = X @ W
    #   SDDMM: e_ij = <X'_src, X'_dst> per edge
    #   a_ij = e_ij * attention_w
    #   SpMM: out_dst = sum_src a_ij * X'_src
    src = edge_index[0]
    dst = edge_index[1]
    X_prime = X @ weights  # [N, D_OUT]
    # SDDMM: per-edge dot products (gather both endpoints)
    edge_feature = jnp.sum(jnp.take(X_prime, src, axis=0) * jnp.take(X_prime, dst, axis=0), axis=-1)  # [E]
    # scale by scalar attention weight (n_heads == 1)
    edge_attentions = edge_feature * attention_w[0, 0]  # [E]
    # SpMM: weighted scatter-add of source features into destination rows
    out = jnp.zeros_like(X_prime).at[dst].add(edge_attentions[:, None] * jnp.take(X_prime, src, axis=0))
    return out

if __name__ == "__main__":
    import jax
    _d = setup_inputs()
    print(jax.jit(kernel)(*tuple(_d.values())))

</pallas_src>

<mosaic_0001>
#map = affine_map<(d0, d1) -> (0, 0)>
#map1 = affine_map<(d0, d1) -> (0)>
#map2 = affine_map<(d0, d1) -> (0, 0, 0)>
module attributes {stable_mosaic.version = 14 : i64} {
  func.func @k1(%arg0: i32, %arg1: i32, %arg2: memref<10240x128xf32, #tpu.memory_space<hbm>>, %arg3: memref<320000xi32, #tpu.memory_space<hbm>>, %arg4: memref<320000xi32, #tpu.memory_space<hbm>>, %arg5: memref<2x10240x128xf32, #tpu.memory_space<hbm>>, %arg6: memref<80xi32, #tpu.memory_space<vmem>>, %arg7: memref<80xi32, #tpu.memory_space<vmem>>, %arg8: memref<80xi32, #tpu.memory_space<vmem>>, %arg9: memref<80xi32, #tpu.memory_space<vmem>>, %arg10: memref<80x128xf32, #tpu.memory_space<vmem>>, %arg11: memref<80x128xf32, #tpu.memory_space<vmem>>, %arg12: memref<80x128xf32, #tpu.memory_space<vmem>>, %arg13: memref<80x128xf32, #tpu.memory_space<vmem>>, %arg14: memref<10240x128xf32, #tpu.memory_space<vmem_shared>>, %arg15: memref<!tpu.dma_semaphore, #tpu.memory_space<semaphore_mem>>, %arg16: memref<!tpu.dma_semaphore, #tpu.memory_space<semaphore_mem>>, %arg17: memref<!tpu.dma_semaphore, #tpu.memory_space<semaphore_mem>>, %arg18: memref<!tpu.dma_semaphore, #tpu.memory_space<semaphore_mem>>, %arg19: memref<!tpu.dma_semaphore, #tpu.memory_space<semaphore_mem>>, %arg20: memref<!tpu.dma_semaphore, #tpu.memory_space<semaphore_mem>>, %arg21: memref<!tpu.dma_semaphore, #tpu.memory_space<semaphore_mem>>, %arg22: memref<!tpu.dma_semaphore, #tpu.memory_space<semaphore_mem>>) attributes {dimension_semantics = [#tpu.dimension_semantics<core_parallel>, #tpu.dimension_semantics<subcore_parallel>], iteration_bounds = array<i64: 2, 16>, scalar_prefetch = 0 : i64, scratch_operands = 17 : i64, tpu.core_type = #tpu.core_type<sc_vector_subcore>, window_params = [{transform_indices = #map}, {transform_indices = #map1}, {transform_indices = #map1}, {transform_indices = #map2}]} {
    %mul3A = arith.constant 16 : i32
    %mul3A_0 = arith.muli %arg0, %mul3A : i32
    %add3A = arith.addi %mul3A_0, %arg1 : i32
    %mul3A_1 = arith.constant 640 : i32
    %mul3A_2 = arith.muli %arg1, %mul3A_1 : i32
    %iota3A = tpu.iota {dimensions = array<i32: 0>} : vector<16xi32>
    %scan3A = arith.constant 0 : i32
    %scan3A_3 = arith.constant 0 : i32
    %scan3A_4 = arith.constant 80 : i32
    %scan3A_5 = arith.addi %scan3A_3, %scan3A_4 : i32
    %scan3A_6 = arith.constant 1 : i32
    scf.for %scan3A_139 = %scan3A_3 to %scan3A_5 step %scan3A_6  : i32 {
      %broadcast_in_dim3A = arith.constant 0.000000e+00 : f32
      %broadcast_in_dim3A_140 = vector.broadcast %broadcast_in_dim3A : f32 to vector<16xf32>
      %swap3A = arith.index_cast %scan3A_139 : i32 to index
      %swap3A_141 = arith.constant 0 : index
      %swap3A_142 = tpu.vector_load %arg10[%swap3A, %swap3A_141] {strides = array<i32>} : memref<80x128xf32, #tpu.memory_space<vmem>>, vector<1x16xf32>,
      %swap3A_143 = vector.shape_cast %swap3A_142 : vector<1x16xf32> to vector<16xf32>
      %swap3A_144 = vector.shape_cast %broadcast_in_dim3A_140 : vector<16xf32> to vector<1x16xf32>
      tpu.vector_store %arg10[%swap3A, %swap3A_141], %swap3A_144 {strides = array<i32>} : memref<80x128xf32, #tpu.memory_space<vmem>>, vector<1x16xf32>,
      %broadcast_in_dim3A_145 = arith.constant 0.000000e+00 : f32
      %broadcast_in_dim3A_146 = vector.broadcast %broadcast_in_dim3A_145 : f32 to vector<16xf32>
      %swap3A_147 = arith.index_cast %scan3A_139 : i32 to index
      %swap3A_148 = arith.constant 16 : index
      %swap3A_149 = tpu.vector_load %arg10[%swap3A_147, %swap3A_148] {strides = array<i32>} : memref<80x128xf32, #tpu.memory_space<vmem>>, vector<1x16xf32>,
      %swap3A_150 = vector.shape_cast %swap3A_149 : vector<1x16xf32> to vector<16xf32>
      %swap3A_151 = vector.shape_cast %broadcast_in_dim3A_146 : vector<16xf32> to vector<1x16xf32>
      tpu.vector_store %arg10[%swap3A_147, %swap3A_148], %swap3A_151 {strides = array<i32>} : memref<80x128xf32, #tpu.memory_space<vmem>>, vector<1x16xf32>,
      %broadcast_in_dim3A_152 = arith.constant 0.000000e+00 : f32
      %broadcast_in_dim3A_153 = vector.broadcast %broadcast_in_dim3A_152 : f32 to vector<16xf32>
      %swap3A_154 = arith.index_cast %scan3A_139 : i32 to index
      %swap3A_155 = arith.constant 32 : index
      %swap3A_156 = tpu.vector_load %arg10[%swap3A_154, %swap3A_155] {strides = array<i32>} : memref<80x128xf32, #tpu.memory_space<vmem>>, vector<1x16xf32>,
      %swap3A_157 = vector.shape_cast %swap3A_156 : vector<1x16xf32> to vector<16xf32>
      %swap3A_158 = vector.shape_cast %broadcast_in_dim3A_153 : vector<16xf32> to vector<1x16xf32>
      tpu.vector_store %arg10[%swap3A_154, %swap3A_155], %swap3A_158 {strides = array<i32>} : memref<80x128xf32, #tpu.memory_space<vmem>>, vector<1x16xf32>,
      %broadcast_in_dim3A_159 = arith.constant 0.000000e+00 : f32
      %broadcast_in_dim3A_160 = vector.broadcast %broadcast_in_dim3A_159 : f32 to vector<16xf32>
      %swap3A_161 = arith.index_cast %scan3A_139 : i32 to index
      %swap3A_162 = arith.constant 48 : index
      %swap3A_163 = tpu.vector_load %arg10[%swap3A_161, %swap3A_162] {strides = array<i32>} : memref<80x128xf32, #tpu.memory_space<vmem>>, vector<1x16xf32>,
      %swap3A_164 = vector.shape_cast %swap3A_163 : vector<1x16xf32> to vector<16xf32>
      %swap3A_165 = vector.shape_cast %broadcast_in_dim3A_160 : vector<16xf32> to vector<1x16xf32>
      tpu.vector_store %arg10[%swap3A_161, %swap3A_162], %swap3A_165 {strides = array<i32>} : memref<80x128xf32, #tpu.memory_space<vmem>>, vector<1x16xf32>,
      %broadcast_in_dim3A_166 = arith.constant 0.000000e+00 : f32
      %broadcast_in_dim3A_167 = vector.broadcast %broadcast_in_dim3A_166 : f32 to vector<16xf32>
      %swap3A_168 = arith.index_cast %scan3A_139 : i32 to index
      %swap3A_169 = arith.constant 64 : index
      %swap3A_170 = tpu.vector_load %arg10[%swap3A_168, %swap3A_169] {strides = array<i32>} : memref<80x128xf32, #tpu.memory_space<vmem>>, vector<1x16xf32>,
      %swap3A_171 = vector.shape_cast %swap3A_170 : vector<1x16xf32> to vector<16xf32>
      %swap3A_172 = vector.shape_cast %broadcast_in_dim3A_167 : vector<16xf32> to vector<1x16xf32>
      tpu.vector_store %arg10[%swap3A_168, %swap3A_169], %swap3A_172 {strides = array<i32>} : memref<80x128xf32, #tpu.memory_space<vmem>>, vector<1x16xf32>,
      %broadcast_in_dim3A_173 = arith.constant 0.000000e+00 : f32
      %broadcast_in_dim3A_174 = vector.broadcast %broadcast_in_dim3A_173 : f32 to vector<16xf32>
      %swap3A_175 = arith.index_cast %scan3A_139 : i32 to index
      %swap3A_176 = arith.constant 80 : index
      %swap3A_177 = tpu.vector_load %arg10[%swap3A_175, %swap3A_176] {strides = array<i32>} : memref<80x128xf32, #tpu.memory_space<vmem>>, vector<1x16xf32>,
      %swap3A_178 = vector.shape_cast %swap3A_177 : vector<1x16xf32> to vector<16xf32>
      %swap3A_179 = vector.shape_cast %broadcast_in_dim3A_174 : vector<16xf32> to vector<1x16xf32>
      tpu.vector_store %arg10[%swap3A_175, %swap3A_176], %swap3A_179 {strides = array<i32>} : memref<80x128xf32, #tpu.memory_space<vmem>>, vector<1x16xf32>,
      %broadcast_in_dim3A_180 = arith.constant 0.000000e+00 : f32
      %broadcast_in_dim3A_181 = vector.broadcast %broadcast_in_dim3A_180 : f32 to vector<16xf32>
      %swap3A_182 = arith.index_cast %scan3A_139 : i32 to index
      %swap3A_183 = arith.constant 96 : index
      %swap3A_184 = tpu.vector_load %arg10[%swap3A_182, %swap3A_183] {strides = array<i32>} : memref<80x128xf32, #tpu.memory_space<vmem>>, vector<1x16xf32>,
      %swap3A_185 = vector.shape_cast %swap3A_184 : vector<1x16xf32> to vector<16xf32>
      %swap3A_186 = vector.shape_cast %broadcast_in_dim3A_181 : vector<16xf32> to vector<1x16xf32>
      tpu.vector_store %arg10[%swap3A_182, %swap3A_183], %swap3A_186 {strides = array<i32>} : memref<80x128xf32, #tpu.memory_space<vmem>>, vector<1x16xf32>,
      %broadcast_in_dim3A_187 = arith.constant 0.000000e+00 : f32
      %broadcast_in_dim3A_188 = vector.broadcast %broadcast_in_dim3A_187 : f32 to vector<16xf32>
      %swap3A_189 = arith.index_cast %scan3A_139 : i32 to index
      %swap3A_190 = arith.constant 112 : index
      %swap3A_191 = tpu.vector_load %arg10[%swap3A_189, %swap3A_190] {strides = array<i32>} : memref<80x128xf32, #tpu.memory_space<vmem>>, vector<1x16xf32>,
      %swap3A_192 = vector.shape_cast %swap3A_191 : vector<1x16xf32> to vector<16xf32>
      %swap3A_193 = vector.shape_cast %broadcast_in_dim3A_188 : vector<16xf32> to vector<1x16xf32>
      tpu.vector_store %arg10[%swap3A_189, %swap3A_190], %swap3A_193 {strides = array<i32>} : memref<80x128xf32, #tpu.memory_space<vmem>>, vector<1x16xf32>,
    }
    %scan3A_7 = arith.constant 80 : i32
    %add3A_8 = arith.constant 0 : i32
    %add3A_9 = arith.addi %mul3A_2, %add3A_8 : i32
    "tpu.region"() ({
      %run_scoped3A = tpu.sem_alloc : memref<!tpu.dma_semaphore, #tpu.memory_space<semaphore_mem>>
      %dma_start3A_139 = arith.constant 0 : i32
      %dma_start3A_140 = tpu.memref_slice %arg14[%add3A_9, %dma_start3A_139] : memref<10240x128xf32, #tpu.memory_space<vmem_shared>> -> memref<80x128xf32, #tpu.memory_space<vmem_shared>>
      %dma_start3A_141 = arith.constant 0 : i32
      %dma_start3A_142 = tpu.memref_slice %arg14[%add3A_9, %dma_start3A_141] : memref<10240x128xf32, #tpu.memory_space<vmem_shared>> -> memref<80x128xf32, #tpu.memory_space<vmem_shared>>
      tpu.enqueue_dma source(%arg10 : memref<80x128xf32, #tpu.memory_space<vmem>>) target(%dma_start3A_142 : memref<80x128xf32, #tpu.memory_space<vmem_shared>>) target_semaphore(%run_scoped3A : memref<!tpu.dma_semaphore, #tpu.memory_space<semaphore_mem>>)
      %dma_wait3A_143 = arith.constant 0 : i32
      %dma_wait3A_144 = tpu.memref_slice %arg14[%add3A_9, %dma_wait3A_143] : memref<10240x128xf32, #tpu.memory_space<vmem_shared>> -> memref<80x128xf32, #tpu.memory_space<vmem_shared>>
      %dma_wait3A_145 = arith.constant 0 : i32
      %dma_wait3A_146 = tpu.memref_slice %arg14[%add3A_9, %dma_wait3A_145] : memref<10240x128xf32, #tpu.memory_space<vmem_shared>> -> memref<80x128xf32, #tpu.memory_space<vmem_shared>>
      tpu.wait_dma2 semaphore(%run_scoped3A : memref<!tpu.dma_semaphore, #tpu.memory_space<semaphore_mem>>) src(%arg10 : memref<80x128xf32, #tpu.memory_space<vmem>>) dst(%dma_wait3A_146 : memref<80x128xf32, #tpu.memory_space<vmem_shared>>)
      tpu.yield
    }) : () -> ()
    %add3A_10 = arith.constant 80 : i32
    %add3A_11 = arith.addi %mul3A_2, %add3A_10 : i32
    "tpu.region"() ({
      %run_scoped3A = tpu.sem_alloc : memref<!tpu.dma_semaphore, #tpu.memory_space<semaphore_mem>>
      %dma_start3A_139 = arith.constant 0 : i32
      %dma_start3A_140 = tpu.memref_slice %arg14[%add3A_11, %dma_start3A_139] : memref<10240x128xf32, #tpu.memory_space<vmem_shared>> -> memref<80x128xf32, #tpu.memory_space<vmem_shared>>
      %dma_start3A_141 = arith.constant 0 : i32
      %dma_start3A_142 = tpu.memref_slice %arg14[%add3A_11, %dma_start3A_141] : memref<10240x128xf32, #tpu.memory_space<vmem_shared>> -> memref<80x128xf32, #tpu.memory_space<vmem_shared>>
      tpu.enqueue_dma source(%arg10 : memref<80x128xf32, #tpu.memory_space<vmem>>) target(%dma_start3A_142 : memref<80x128xf32, #tpu.memory_space<vmem_shared>>) target_semaphore(%run_scoped3A : memref<!tpu.dma_semaphore, #tpu.memory_space<semaphore_mem>>)
      %dma_wait3A_143 = arith.constant 0 : i32
      %dma_wait3A_144 = tpu.memref_slice %arg14[%add3A_11, %dma_wait3A_143] : memref<10240x128xf32, #tpu.memory_space<vmem_shared>> -> memref<80x128xf32, #tpu.memory_space<vmem_shared>>
      %dma_wait3A_145 = arith.constant 0 : i32
      %dma_wait3A_146 = tpu.memref_slice %arg14[%add3A_11, %dma_wait3A_145] : memref<10240x128xf32, #tpu.memory_space<vmem_shared>> -> memref<80x128xf32, #tpu.memory_space<vmem_shared>>
      tpu.wait_dma2 semaphore(%run_scoped3A : memref<!tpu.dma_semaphore, #tpu.memory_space<semaphore_mem>>) src(%arg10 : memref<80x128xf32, #tpu.memory_space<vmem>>) dst(%dma_wait3A_146 : memref<80x128xf32, #tpu.memory_space<vmem_shared>>)
      tpu.yield
    }) : () -> ()
    %add3A_12 = arith.constant 160 : i32
    %add3A_13 = arith.addi %mul3A_2, %add3A_12 : i32
    "tpu.region"() ({
      %run_scoped3A = tpu.sem_alloc : memref<!tpu.dma_semaphore, #tpu.memory_space<semaphore_mem>>
      %dma_start3A_139 = arith.constant 0 : i32
      %dma_start3A_140 = tpu.memref_slice %arg14[%add3A_13, %dma_start3A_139] : memref<10240x128xf32, #tpu.memory_space<vmem_shared>> -> memref<80x128xf32, #tpu.memory_space<vmem_shared>>
      %dma_start3A_141 = arith.constant 0 : i32
      %dma_start3A_142 = tpu.memref_slice %arg14[%add3A_13, %dma_start3A_141] : memref<10240x128xf32, #tpu.memory_space<vmem_shared>> -> memref<80x128xf32, #tpu.memory_space<vmem_shared>>
      tpu.enqueue_dma source(%arg10 : memref<80x128xf32, #tpu.memory_space<vmem>>) target(%dma_start3A_142 : memref<80x128xf32, #tpu.memory_space<vmem_shared>>) target_semaphore(%run_scoped3A : memref<!tpu.dma_semaphore, #tpu.memory_space<semaphore_mem>>)
      %dma_wait3A_143 = arith.constant 0 : i32
      %dma_wait3A_144 = tpu.memref_slice %arg14[%add3A_13, %dma_wait3A_143] : memref<10240x128xf32, #tpu.memory_space<vmem_shared>> -> memref<80x128xf32, #tpu.memory_space<vmem_shared>>
      %dma_wait3A_145 = arith.constant 0 : i32
      %dma_wait3A_146 = tpu.memref_slice %arg14[%add3A_13, %dma_wait3A_145] : memref<10240x128xf32, #tpu.memory_space<vmem_shared>> -> memref<80x128xf32, #tpu.memory_space<vmem_shared>>
      tpu.wait_dma2 semaphore(%run_scoped3A : memref<!tpu.dma_semaphore, #tpu.memory_space<semaphore_mem>>) src(%arg10 : memref<80x128xf32, #tpu.memory_space<vmem>>) dst(%dma_wait3A_146 : memref<80x128xf32, #tpu.memory_space<vmem_shared>>)
      tpu.yield
    }) : () -> ()
    %add3A_14 = arith.constant 240 : i32
    %add3A_15 = arith.addi %mul3A_2, %add3A_14 : i32
    "tpu.region"() ({
      %run_scoped3A = tpu.sem_alloc : memref<!tpu.dma_semaphore, #tpu.memory_space<semaphore_mem>>
      %dma_start3A_139 = arith.constant 0 : i32
      %dma_start3A_140 = tpu.memref_slice %arg14[%add3A_15, %dma_start3A_139] : memref<10240x128xf32, #tpu.memory_space<vmem_shared>> -> memref<80x128xf32, #tpu.memory_space<vmem_shared>>
      %dma_start3A_141 = arith.constant 0 : i32
      %dma_start3A_142 = tpu.memref_slice %arg14[%add3A_15, %dma_start3A_141] : memref<10240x128xf32, #tpu.memory_space<vmem_shared>> -> memref<80x128xf32, #tpu.memory_space<vmem_shared>>
      tpu.enqueue_dma source(%arg10 : memref<80x128xf32, #tpu.memory_space<vmem>>) target(%dma_start3A_142 : memref<80x128xf32, #tpu.memory_space<vmem_shared>>) target_semaphore(%run_scoped3A : memref<!tpu.dma_semaphore, #tpu.memory_space<semaphore_mem>>)
      %dma_wait3A_143 = arith.constant 0 : i32
      %dma_wait3A_144 = tpu.memref_slice %arg14[%add3A_15, %dma_wait3A_143] : memref<10240x128xf32, #tpu.memory_space<vmem_shared>> -> memref<80x128xf32, #tpu.memory_space<vmem_shared>>
      %dma_wait3A_145 = arith.constant 0 : i32
      %dma_wait3A_146 = tpu.memref_slice %arg14[%add3A_15, %dma_wait3A_145] : memref<10240x128xf32, #tpu.memory_space<vmem_shared>> -> memref<80x128xf32, #tpu.memory_space<vmem_shared>>
      tpu.wait_dma2 semaphore(%run_scoped3A : memref<!tpu.dma_semaphore, #tpu.memory_space<semaphore_mem>>) src(%arg10 : memref<80x128xf32, #tpu.memory_space<vmem>>) dst(%dma_wait3A_146 : memref<80x128xf32, #tpu.memory_space<vmem_shared>>)
      tpu.yield
    }) : () -> ()
    %add3A_16 = arith.constant 320 : i32
    %add3A_17 = arith.addi %mul3A_2, %add3A_16 : i32
    "tpu.region"() ({
      %run_scoped3A = tpu.sem_alloc : memref<!tpu.dma_semaphore, #tpu.memory_space<semaphore_mem>>
      %dma_start3A_139 = arith.constant 0 : i32
      %dma_start3A_140 = tpu.memref_slice %arg14[%add3A_17, %dma_start3A_139] : memref<10240x128xf32, #tpu.memory_space<vmem_shared>> -> memref<80x128xf32, #tpu.memory_space<vmem_shared>>
      %dma_start3A_141 = arith.constant 0 : i32
      %dma_start3A_142 = tpu.memref_slice %arg14[%add3A_17, %dma_start3A_141] : memref<10240x128xf32, #tpu.memory_space<vmem_shared>> -> memref<80x128xf32, #tpu.memory_space<vmem_shared>>
      tpu.enqueue_dma source(%arg10 : memref<80x128xf32, #tpu.memory_space<vmem>>) target(%dma_start3A_142 : memref<80x128xf32, #tpu.memory_space<vmem_shared>>) target_semaphore(%run_scoped3A : memref<!tpu.dma_semaphore, #tpu.memory_space<semaphore_mem>>)
      %dma_wait3A_143 = arith.constant 0 : i32
      %dma_wait3A_144 = tpu.memref_slice %arg14[%add3A_17, %dma_wait3A_143] : memref<10240x128xf32, #tpu.memory_space<vmem_shared>> -> memref<80x128xf32, #tpu.memory_space<vmem_shared>>
      %dma_wait3A_145 = arith.constant 0 : i32
      %dma_wait3A_146 = tpu.memref_slice %arg14[%add3A_17, %dma_wait3A_145] : memref<10240x128xf32, #tpu.memory_space<vmem_shared>> -> memref<80x128xf32, #tpu.memory_space<vmem_shared>>
      tpu.wait_dma2 semaphore(%run_scoped3A : memref<!tpu.dma_semaphore, #tpu.memory_space<semaphore_mem>>) src(%arg10 : memref<80x128xf32, #tpu.memory_space<vmem>>) dst(%dma_wait3A_146 : memref<80x128xf32, #tpu.memory_space<vmem_shared>>)
      tpu.yield
    }) : () -> ()
    %add3A_18 = arith.constant 400 : i32
    %add3A_19 = arith.addi %mul3A_2, %add3A_18 : i32
    "tpu.region"() ({
      %run_scoped3A = tpu.sem_alloc : memref<!tpu.dma_semaphore, #tpu.memory_space<semaphore_mem>>
      %dma_start3A_139 = arith.constant 0 : i32
      %dma_start3A_140 = tpu.memref_slice %arg14[%add3A_19, %dma_start3A_139] : memref<10240x128xf32, #tpu.memory_space<vmem_shared>> -> memref<80x128xf32, #tpu.memory_space<vmem_shared>>
      %dma_start3A_141 = arith.constant 0 : i32
      %dma_start3A_142 = tpu.memref_slice %arg14[%add3A_19, %dma_start3A_141] : memref<10240x128xf32, #tpu.memory_space<vmem_shared>> -> memref<80x128xf32, #tpu.memory_space<vmem_shared>>
      tpu.enqueue_dma source(%arg10 : memref<80x128xf32, #tpu.memory_space<vmem>>) target(%dma_start3A_142 : memref<80x128xf32, #tpu.memory_space<vmem_shared>>) target_semaphore(%run_scoped3A : memref<!tpu.dma_semaphore, #tpu.memory_space<semaphore_mem>>)
      %dma_wait3A_143 = arith.constant 0 : i32
      %dma_wait3A_144 = tpu.memref_slice %arg14[%add3A_19, %dma_wait3A_143] : memref<10240x128xf32, #tpu.memory_space<vmem_shared>> -> memref<80x128xf32, #tpu.memory_space<vmem_shared>>
      %dma_wait3A_145 = arith.constant 0 : i32
      %dma_wait3A_146 = tpu.memref_slice %arg14[%add3A_19, %dma_wait3A_145] : memref<10240x128xf32, #tpu.memory_space<vmem_shared>> -> memref<80x128xf32, #tpu.memory_space<vmem_shared>>
      tpu.wait_dma2 semaphore(%run_scoped3A : memref<!tpu.dma_semaphore, #tpu.memory_space<semaphore_mem>>) src(%arg10 : memref<80x128xf32, #tpu.memory_space<vmem>>) dst(%dma_wait3A_146 : memref<80x128xf32, #tpu.memory_space<vmem_shared>>)
      tpu.yield
    }) : () -> ()
    %add3A_20 = arith.constant 480 : i32
    %add3A_21 = arith.addi %mul3A_2, %add3A_20 : i32
    "tpu.region"() ({
      %run_scoped3A = tpu.sem_alloc : memref<!tpu.dma_semaphore, #tpu.memory_space<semaphore_mem>>
      %dma_start3A_139 = arith.constant 0 : i32
      %dma_start3A_140 = tpu.memref_slice %arg14[%add3A_21, %dma_start3A_139] : memref<10240x128xf32, #tpu.memory_space<vmem_shared>> -> memref<80x128xf32, #tpu.memory_space<vmem_shared>>
      %dma_start3A_141 = arith.constant 0 : i32
      %dma_start3A_142 = tpu.memref_slice %arg14[%add3A_21, %dma_start3A_141] : memref<10240x128xf32, #tpu.memory_space<vmem_shared>> -> memref<80x128xf32, #tpu.memory_space<vmem_shared>>
      tpu.enqueue_dma source(%arg10 : memref<80x128xf32, #tpu.memory_space<vmem>>) target(%dma_start3A_142 : memref<80x128xf32, #tpu.memory_space<vmem_shared>>) target_semaphore(%run_scoped3A : memref<!tpu.dma_semaphore, #tpu.memory_space<semaphore_mem>>)
      %dma_wait3A_143 = arith.constant 0 : i32
      %dma_wait3A_144 = tpu.memref_slice %arg14[%add3A_21, %dma_wait3A_143] : memref<10240x128xf32, #tpu.memory_space<vmem_shared>> -> memref<80x128xf32, #tpu.memory_space<vmem_shared>>
      %dma_wait3A_145 = arith.constant 0 : i32
      %dma_wait3A_146 = tpu.memref_slice %arg14[%add3A_21, %dma_wait3A_145] : memref<10240x128xf32, #tpu.memory_space<vmem_shared>> -> memref<80x128xf32, #tpu.memory_space<vmem_shared>>
      tpu.wait_dma2 semaphore(%run_scoped3A : memref<!tpu.dma_semaphore, #tpu.memory_space<semaphore_mem>>) src(%arg10 : memref<80x128xf32, #tpu.memory_space<vmem>>) dst(%dma_wait3A_146 : memref<80x128xf32, #tpu.memory_space<vmem_shared>>)
      tpu.yield
    }) : () -> ()
    %add3A_22 = arith.constant 560 : i32
    %add3A_23 = arith.addi %mul3A_2, %add3A_22 : i32
    "tpu.region"() ({
      %run_scoped3A = tpu.sem_alloc : memref<!tpu.dma_semaphore, #tpu.memory_space<semaphore_mem>>
      %dma_start3A_139 = arith.constant 0 : i32
      %dma_start3A_140 = tpu.memref_slice %arg14[%add3A_23, %dma_start3A_139] : memref<10240x128xf32, #tpu.memory_space<vmem_shared>> -> memref<80x128xf32, #tpu.memory_space<vmem_shared>>
      %dma_start3A_141 = arith.constant 0 : i32
      %dma_start3A_142 = tpu.memref_slice %arg14[%add3A_23, %dma_start3A_141] : memref<10240x128xf32, #tpu.memory_space<vmem_shared>> -> memref<80x128xf32, #tpu.memory_space<vmem_shared>>
      tpu.enqueue_dma source(%arg10 : memref<80x128xf32, #tpu.memory_space<vmem>>) target(%dma_start3A_142 : memref<80x128xf32, #tpu.memory_space<vmem_shared>>) target_semaphore(%run_scoped3A : memref<!tpu.dma_semaphore, #tpu.memory_space<semaphore_mem>>)
      %dma_wait3A_143 = arith.constant 0 : i32
      %dma_wait3A_144 = tpu.memref_slice %arg14[%add3A_23, %dma_wait3A_143] : memref<10240x128xf32, #tpu.memory_space<vmem_shared>> -> memref<80x128xf32, #tpu.memory_space<vmem_shared>>
      %dma_wait3A_145 = arith.constant 0 : i32
      %dma_wait3A_146 = tpu.memref_slice %arg14[%add3A_23, %dma_wait3A_145] : memref<10240x128xf32, #tpu.memory_space<vmem_shared>> -> memref<80x128xf32, #tpu.memory_space<vmem_shared>>
      tpu.wait_dma2 semaphore(%run_scoped3A : memref<!tpu.dma_semaphore, #tpu.memory_space<semaphore_mem>>) src(%arg10 : memref<80x128xf32, #tpu.memory_space<vmem>>) dst(%dma_wait3A_146 : memref<80x128xf32, #tpu.memory_space<vmem_shared>>)
      tpu.yield
    }) : () -> ()
    %barrier3A = arith.constant 0 : index
    tpu.barrier barrier_id(%barrier3A)
    %mul3A_24 = arith.constant 10000 : i32
    %mul3A_25 = arith.muli %add3A, %mul3A_24 : i32
    %add3A_26 = arith.constant 0 : i32
    %add3A_27 = arith.addi %mul3A_25, %add3A_26 : i32
    %dma_start3A = tpu.memref_slice %arg3[%add3A_27] : memref<320000xi32, #tpu.memory_space<hbm>> -> memref<80xi32, #tpu.memory_space<hbm>>
    %dma_start3A_28 = tpu.memref_slice %arg3[%add3A_27] : memref<320000xi32, #tpu.memory_space<hbm>> -> memref<80xi32, #tpu.memory_space<hbm>>
    tpu.enqueue_dma source(%dma_start3A_28 : memref<80xi32, #tpu.memory_space<hbm>>) target(%arg6 : memref<80xi32, #tpu.memory_space<vmem>>) target_semaphore(%arg21 : memref<!tpu.dma_semaphore, #tpu.memory_space<semaphore_mem>>)
    %dma_start3A_29 = tpu.memref_slice %arg4[%add3A_27] : memref<320000xi32, #tpu.memory_space<hbm>> -> memref<80xi32, #tpu.memory_space<hbm>>
    %dma_start3A_30 = tpu.memref_slice %arg4[%add3A_27] : memref<320000xi32, #tpu.memory_space<hbm>> -> memref<80xi32, #tpu.memory_space<hbm>>
    tpu.enqueue_dma source(%dma_start3A_30 : memref<80xi32, #tpu.memory_space<hbm>>) target(%arg8 : memref<80xi32, #tpu.memory_space<vmem>>) target_semaphore(%arg22 : memref<!tpu.dma_semaphore, #tpu.memory_space<semaphore_mem>>)
    %dma_wait3A = arith.constant 0 : i32
    %dma_wait3A_31 = tpu.memref_slice %arg3[%dma_wait3A] : memref<320000xi32, #tpu.memory_space<hbm>> -> memref<80xi32, #tpu.memory_space<hbm>>
    %dma_wait3A_32 = arith.constant 0 : i32
    %dma_wait3A_33 = tpu.memref_slice %arg3[%dma_wait3A_32] : memref<320000xi32, #tpu.memory_space<hbm>> -> memref<80xi32, #tpu.memory_space<hbm>>
    tpu.wait_dma2 semaphore(%arg21 : memref<!tpu.dma_semaphore, #tpu.memory_space<semaphore_mem>>) src(%dma_wait3A_33 : memref<80xi32, #tpu.memory_space<hbm>>) dst(%arg6 : memref<80xi32, #tpu.memory_space<vmem>>)
    %dma_wait3A_34 = arith.constant 0 : i32
    %dma_wait3A_35 = tpu.memref_slice %arg4[%dma_wait3A_34] : memref<320000xi32, #tpu.memory_space<hbm>> -> memref<80xi32, #tpu.memory_space<hbm>>
    %dma_wait3A_36 = arith.constant 0 : i32
    %dma_wait3A_37 = tpu.memref_slice %arg4[%dma_wait3A_36] : memref<320000xi32, #tpu.memory_space<hbm>> -> memref<80xi32, #tpu.memory_space<hbm>>
    tpu.wait_dma2 semaphore(%arg22 : memref<!tpu.dma_semaphore, #tpu.memory_space<semaphore_mem>>) src(%dma_wait3A_37 : memref<80xi32, #tpu.memory_space<hbm>>) dst(%arg8 : memref<80xi32, #tpu.memory_space<vmem>>)
    %dma_start3A_38 = arith.constant 0 : i32
    %dma_start3A_39 = arith.constant 0 : i32
    %dma_start3A_40 = tpu.memref_slice %arg2[%dma_start3A_38, %dma_start3A_39] : memref<10240x128xf32, #tpu.memory_space<hbm>> -> memref<10240x128xf32, #tpu.memory_space<hbm>>
    tpu.enqueue_indirect_dma source(%dma_start3A_40 : memref<10240x128xf32, #tpu.memory_space<hbm>>) target(%arg10 : memref<80x128xf32, #tpu.memory_space<vmem>>) offsets(%arg6 : memref<80xi32, #tpu.memory_space<vmem>>) semaphore(%arg15 : memref<!tpu.dma_semaphore, #tpu.memory_space<semaphore_mem>>)
    %dma_start3A_41 = arith.constant 0 : i32
    %dma_start3A_42 = arith.constant 0 : i32
    %dma_start3A_43 = tpu.memref_slice %arg2[%dma_start3A_41, %dma_start3A_42] : memref<10240x128xf32, #tpu.memory_space<hbm>> -> memref<10240x128xf32, #tpu.memory_space<hbm>>
    tpu.enqueue_indirect_dma source(%dma_start3A_43 : memref<10240x128xf32, #tpu.memory_space<hbm>>) target(%arg12 : memref<80x128xf32, #tpu.memory_space<vmem>>) offsets(%arg8 : memref<80xi32, #tpu.memory_space<vmem>>) semaphore(%arg17 : memref<!tpu.dma_semaphore, #tpu.memory_space<semaphore_mem>>)
    %dma_wait3A_44 = arith.constant 0 : i32
    %dma_wait3A_45 = arith.constant 0 : i32
    %dma_wait3A_46 = tpu.memref_slice %arg2[%dma_wait3A_44, %dma_wait3A_45] : memref<10240x128xf32, #tpu.memory_space<hbm>> -> memref<10240x128xf32, #tpu.memory_space<hbm>>
    tpu.wait_indirect_dma semaphore(%arg15 : memref<!tpu.dma_semaphore, #tpu.memory_space<semaphore_mem>>) src(%dma_wait3A_46 : memref<10240x128xf32, #tpu.memory_space<hbm>>) dst(%arg10 : memref<80x128xf32, #tpu.memory_space<vmem>>)
    %dma_wait3A_47 = arith.constant 0 : i32
    %dma_wait3A_48 = arith.constant 0 : i32
    %dma_wait3A_49 = tpu.memref_slice %arg2[%dma_wait3A_47, %dma_wait3A_48] : memref<10240x128xf32, #tpu.memory_space<hbm>> -> memref<10240x128xf32, #tpu.memory_space<hbm>>
    tpu.wait_indirect_dma semaphore(%arg17 : memref<!tpu.dma_semaphore, #tpu.memory_space<semaphore_mem>>) src(%dma_wait3A_49 : memref<10240x128xf32, #tpu.memory_space<hbm>>) dst(%arg12 : memref<80x128xf32, #tpu.memory_space<vmem>>)
    %mul3A_50 = arith.constant 10000 : i32
    %mul3A_51 = arith.muli %add3A, %mul3A_50 : i32
    %add3A_52 = arith.constant 80 : i32
    %add3A_53 = arith.addi %mul3A_51, %add3A_52 : i32
    %dma_start3A_54 = tpu.memref_slice %arg3[%add3A_53] : memref<320000xi32, #tpu.memory_space<hbm>> -> memref<80xi32, #tpu.memory_space<hbm>>
    %dma_start3A_55 = tpu.memref_slice %arg3[%add3A_53] : memref<320000xi32, #tpu.memory_space<hbm>> -> memref<80xi32, #tpu.memory_space<hbm>>
    tpu.enqueue_dma source(%dma_start3A_55 : memref<80xi32, #tpu.memory_space<hbm>>) target(%arg7 : memref<80xi32, #tpu.memory_space<vmem>>) target_semaphore(%arg21 : memref<!tpu.dma_semaphore, #tpu.memory_space<semaphore_mem>>)
    %dma_start3A_56 = tpu.memref_slice %arg4[%add3A_53] : memref<320000xi32, #tpu.memory_space<hbm>> -> memref<80xi32, #tpu.memory_space<hbm>>
    %dma_start3A_57 = tpu.memref_slice %arg4[%add3A_53] : memref<320000xi32, #tpu.memory_space<hbm>> -> memref<80xi32, #tpu.memory_space<hbm>>
    tpu.enqueue_dma source(%dma_start3A_57 : memref<80xi32, #tpu.memory_space<hbm>>) target(%arg9 : memref<80xi32, #tpu.memory_space<vmem>>) target_semaphore(%arg22 : memref<!tpu.dma_semaphore, #tpu.memory_space<semaphore_mem>>)
    %dma_wait3A_58 = arith.constant 0 : i32
    %dma_wait3A_59 = tpu.memref_slice %arg3[%dma_wait3A_58] : memref<320000xi32, #tpu.memory_space<hbm>> -> memref<80xi32, #tpu.memory_space<hbm>>
    %dma_wait3A_60 = arith.constant 0 : i32
    %dma_wait3A_61 = tpu.memref_slice %arg3[%dma_wait3A_60] : memref<320000xi32, #tpu.memory_space<hbm>> -> memref<80xi32, #tpu.memory_space<hbm>>
    tpu.wait_dma2 semaphore(%arg21 : memref<!tpu.dma_semaphore, #tpu.memory_space<semaphore_mem>>) src(%dma_wait3A_61 : memref<80xi32, #tpu.memory_space<hbm>>) dst(%arg7 : memref<80xi32, #tpu.memory_space<vmem>>)
    %dma_wait3A_62 = arith.constant 0 : i32
    %dma_wait3A_63 = tpu.memref_slice %arg4[%dma_wait3A_62] : memref<320000xi32, #tpu.memory_space<hbm>> -> memref<80xi32, #tpu.memory_space<hbm>>
    %dma_wait3A_64 = arith.constant 0 : i32
    %dma_wait3A_65 = tpu.memref_slice %arg4[%dma_wait3A_64] : memref<320000xi32, #tpu.memory_space<hbm>> -> memref<80xi32, #tpu.memory_space<hbm>>
    tpu.wait_dma2 semaphore(%arg22 : memref<!tpu.dma_semaphore, #tpu.memory_space<semaphore_mem>>) src(%dma_wait3A_65 : memref<80xi32, #tpu.memory_space<hbm>>) dst(%arg9 : memref<80xi32, #tpu.memory_space<vmem>>)
    %dma_start3A_66 = arith.constant 0 : i32
    %dma_start3A_67 = arith.constant 0 : i32
    %dma_start3A_68 = tpu.memref_slice %arg2[%dma_start3A_66, %dma_start3A_67] : memref<10240x128xf32, #tpu.memory_space<hbm>> -> memref<10240x128xf32, #tpu.memory_space<hbm>>
    tpu.enqueue_indirect_dma source(%dma_start3A_68 : memref<10240x128xf32, #tpu.memory_space<hbm>>) target(%arg11 : memref<80x128xf32, #tpu.memory_space<vmem>>) offsets(%arg7 : memref<80xi32, #tpu.memory_space<vmem>>) semaphore(%arg16 : memref<!tpu.dma_semaphore, #tpu.memory_space<semaphore_mem>>)
    %dma_start3A_69 = arith.constant 0 : i32
    %dma_start3A_70 = arith.constant 0 : i32
    %dma_start3A_71 = tpu.memref_slice %arg2[%dma_start3A_69, %dma_start3A_70] : memref<10240x128xf32, #tpu.memory_space<hbm>> -> memref<10240x128xf32, #tpu.memory_space<hbm>>
    tpu.enqueue_indirect_dma source(%dma_start3A_71 : memref<10240x128xf32, #tpu.memory_space<hbm>>) target(%arg13 : memref<80x128xf32, #tpu.memory_space<vmem>>) offsets(%arg9 : memref<80xi32, #tpu.memory_space<vmem>>) semaphore(%arg18 : memref<!tpu.dma_semaphore, #tpu.memory_space<semaphore_mem>>)
    %parallel_loop3A = arith.constant 0 : i32
    %parallel_loop3A_72 = arith.constant 80 : i32
    %parallel_loop3A_73 = arith.constant 1 : i32
    scf.for %parallel_loop3A_139 = %parallel_loop3A to %parallel_loop3A_72 step %parallel_loop3A_73  : i32 {
      %parallel_loop3A_140 = arith.constant 0.000000e+00 : f32
      %parallel_loop3A_141 = vector.broadcast %parallel_loop3A_140 : f32 to vector<16xf32>
      %parallel_loop3A_142 = arith.index_cast %parallel_loop3A_139 : i32 to index
      %parallel_loop3A_143 = arith.constant 0 : index
      %parallel_loop3A_144 = tpu.vector_load %arg10[%parallel_loop3A_142, %parallel_loop3A_143] {strides = array<i32>} : memref<80x128xf32, #tpu.memory_space<vmem>>, vector<1x16xf32>,
      %parallel_loop3A_145 = vector.shape_cast %parallel_loop3A_144 : vector<1x16xf32> to vector<16xf32>
      %parallel_loop3A_146 = arith.index_cast %parallel_loop3A_139 : i32 to index
      %parallel_loop3A_147 = arith.constant 0 : index
      %parallel_loop3A_148 = tpu.vector_load %arg12[%parallel_loop3A_146, %parallel_loop3A_147] {strides = array<i32>} : memref<80x128xf32, #tpu.memory_space<vmem>>, vector<1x16xf32>,
      %parallel_loop3A_149 = vector.shape_cast %parallel_loop3A_148 : vector<1x16xf32> to vector<16xf32>
      %parallel_loop3A_150 = arith.mulf %parallel_loop3A_145, %parallel_loop3A_149 : vector<16xf32>
      %parallel_loop3A_151 = arith.addf %parallel_loop3A_141, %parallel_loop3A_150 : vector<16xf32>
      %parallel_loop3A_152 = arith.index_cast %parallel_loop3A_139 : i32 to index
      %parallel_loop3A_153 = arith.constant 16 : index
      %parallel_loop3A_154 = tpu.vector_load %arg10[%parallel_loop3A_152, %parallel_loop3A_153] {strides = array<i32>} : memref<80x128xf32, #tpu.memory_space<vmem>>, vector<1x16xf32>,
      %parallel_loop3A_155 = vector.shape_cast %parallel_loop3A_154 : vector<1x16xf32> to vector<16xf32>
      %parallel_loop3A_156 = arith.index_cast %parallel_loop3A_139 : i32 to index
      %parallel_loop3A_157 = arith.constant 16 : index
      %parallel_loop3A_158 = tpu.vector_load %arg12[%parallel_loop3A_156, %parallel_loop3A_157] {strides = array<i32>} : memref<80x128xf32, #tpu.memory_space<vmem>>, vector<1x16xf32>,
      %parallel_loop3A_159 = vector.shape_cast %parallel_loop3A_158 : vector<1x16xf32> to vector<16xf32>
      %parallel_loop3A_160 = arith.mulf %parallel_loop3A_155, %parallel_loop3A_159 : vector<16xf32>
      %parallel_loop3A_161 = arith.addf %parallel_loop3A_151, %parallel_loop3A_160 : vector<16xf32>
      %parallel_loop3A_162 = arith.index_cast %parallel_loop3A_139 : i32 to index
      %parallel_loop3A_163 = arith.constant 32 : index
      %parallel_loop3A_164 = tpu.vector_load %arg10[%parallel_loop3A_162, %parallel_loop3A_163] {strides = array<i32>} : memref<80x128xf32, #tpu.memory_space<vmem>>, vector<1x16xf32>,
      %parallel_loop3A_165 = vector.shape_cast %parallel_loop3A_164 : vector<1x16xf32> to vector<16xf32>
      %parallel_loop3A_166 = arith.index_cast %parallel_loop3A_139 : i32 to index
      %parallel_loop3A_167 = arith.constant 32 : index
      %parallel_loop3A_168 = tpu.vector_load %arg12[%parallel_loop3A_166, %parallel_loop3A_167] {strides = array<i32>} : memref<80x128xf32, #tpu.memory_space<vmem>>, vector<1x16xf32>,
      %parallel_loop3A_169 = vector.shape_cast %parallel_loop3A_168 : vector<1x16xf32> to vector<16xf32>
      %parallel_loop3A_170 = arith.mulf %parallel_loop3A_165, %parallel_loop3A_169 : vector<16xf32>
      %parallel_loop3A_171 = arith.addf %parallel_loop3A_161, %parallel_loop3A_170 : vector<16xf32>
      %parallel_loop3A_172 = arith.index_cast %parallel_loop3A_139 : i32 to index
      %parallel_loop3A_173 = arith.constant 48 : index
      %parallel_loop3A_174 = tpu.vector_load %arg10[%parallel_loop3A_172, %parallel_loop3A_173] {strides = array<i32>} : memref<80x128xf32, #tpu.memory_space<vmem>>, vector<1x16xf32>,
      %parallel_loop3A_175 = vector.shape_cast %parallel_loop3A_174 : vector<1x16xf32> to vector<16xf32>
      %parallel_loop3A_176 = arith.index_cast %parallel_loop3A_139 : i32 to index
      %parallel_loop3A_177 = arith.constant 48 : index
      %parallel_loop3A_178 = tpu.vector_load %arg12[%parallel_loop3A_176, %parallel_loop3A_177] {strides = array<i32>} : memref<80x128xf32, #tpu.memory_space<vmem>>, vector<1x16xf32>,
      %parallel_loop3A_179 = vector.shape_cast %parallel_loop3A_178 : vector<1x16xf32> to vector<16xf32>
      %parallel_loop3A_180 = arith.mulf %parallel_loop3A_175, %parallel_loop3A_179 : vector<16xf32>
      %parallel_loop3A_181 = arith.addf %parallel_loop3A_171, %parallel_loop3A_180 : vector<16xf32>
      %parallel_loop3A_182 = arith.index_cast %parallel_loop3A_139 : i32 to index
      %parallel_loop3A_183 = arith.constant 64 : index
      %parallel_loop3A_184 = tpu.vector_load %arg10[%parallel_loop3A_182, %parallel_loop3A_183] {strides = array<i32>} : memref<80x128xf32, #tpu.memory_space<vmem>>, vector<1x16xf32>,
      %parallel_loop3A_185 = vector.shape_cast %parallel_loop3A_184 : vector<1x16xf32> to vector<16xf32>
      %parallel_loop3A_186 = arith.index_cast %parallel_loop3A_139 : i32 to index
      %parallel_loop3A_187 = arith.constant 64 : index
      %parallel_loop3A_188 = tpu.vector_load %arg12[%parallel_loop3A_186, %parallel_loop3A_187] {strides = array<i32>} : memref<80x128xf32, #tpu.memory_space<vmem>>, vector<1x16xf32>,
      %parallel_loop3A_189 = vector.shape_cast %parallel_loop3A_188 : vector<1x16xf32> to vector<16xf32>
      %parallel_loop3A_190 = arith.mulf %parallel_loop3A_185, %parallel_loop3A_189 : vector<16xf32>
      %parallel_loop3A_191 = arith.addf %parallel_loop3A_181, %parallel_loop3A_190 : vector<16xf32>
      %parallel_loop3A_192 = arith.index_cast %parallel_loop3A_139 : i32 to index
      %parallel_loop3A_193 = arith.constant 80 : index
      %parallel_loop3A_194 = tpu.vector_load %arg10[%parallel_loop3A_192, %parallel_loop3A_193] {strides = array<i32>} : memref<80x128xf32, #tpu.memory_space<vmem>>, vector<1x16xf32>,
      %parallel_loop3A_195 = vector.shape_cast %parallel_loop3A_194 : vector<1x16xf32> to vector<16xf32>
      %parallel_loop3A_196 = arith.index_cast %parallel_loop3A_139 : i32 to index
      %parallel_loop3A_197 = arith.constant 80 : index
      %parallel_loop3A_198 = tpu.vector_load %arg12[%parallel_loop3A_196, %parallel_loop3A_197] {strides = array<i32>} : memref<80x128xf32, #tpu.memory_space<vmem>>, vector<1x16xf32>,
      %parallel_loop3A_199 = vector.shape_cast %parallel_loop3A_198 : vector<1x16xf32> to vector<16xf32>
      %parallel_loop3A_200 = arith.mulf %parallel_loop3A_195, %parallel_loop3A_199 : vector<16xf32>
      %parallel_loop3A_201 = arith.addf %parallel_loop3A_191, %parallel_loop3A_200 : vector<16xf32>
      %parallel_loop3A_202 = arith.index_cast %parallel_loop3A_139 : i32 to index
      %parallel_loop3A_203 = arith.constant 96 : index
      %parallel_loop3A_204 = tpu.vector_load %arg10[%parallel_loop3A_202, %parallel_loop3A_203] {strides = array<i32>} : memref<80x128xf32, #tpu.memory_space<vmem>>, vector<1x16xf32>,
      %parallel_loop3A_205 = vector.shape_cast %parallel_loop3A_204 : vector<1x16xf32> to vector<16xf32>
      %parallel_loop3A_206 = arith.index_cast %parallel_loop3A_139 : i32 to index
      %parallel_loop3A_207 = arith.constant 96 : index
      %parallel_loop3A_208 = tpu.vector_load %arg12[%parallel_loop3A_206, %parallel_loop3A_207] {strides = array<i32>} : memref<80x128xf32, #tpu.memory_space<vmem>>, vector<1x16xf32>,
      %parallel_loop3A_209 = vector.shape_cast %parallel_loop3A_208 : vector<1x16xf32> to vector<16xf32>
      %parallel_loop3A_210 = arith.mulf %parallel_loop3A_205, %parallel_loop3A_209 : vector<16xf32>
      %parallel_loop3A_211 = arith.addf %parallel_loop3A_201, %parallel_loop3A_210 : vector<16xf32>
      %parallel_loop3A_212 = arith.index_cast %parallel_loop3A_139 : i32 to index
      %parallel_loop3A_213 = arith.constant 112 : index
      %parallel_loop3A_214 = tpu.vector_load %arg10[%parallel_loop3A_212, %parallel_loop3A_213] {strides = array<i32>} : memref<80x128xf32, #tpu.memory_space<vmem>>, vector<1x16xf32>,
      %parallel_loop3A_215 = vector.shape_cast %parallel_loop3A_214 : vector<1x16xf32> to vector<16xf32>
      %parallel_loop3A_216 = arith.index_cast %parallel_loop3A_139 : i32 to index
      %parallel_loop3A_217 = arith.constant 112 : index
      %parallel_loop3A_218 = tpu.vector_load %arg12[%parallel_loop3A_216, %parallel_loop3A_217] {strides = array<i32>} : memref<80x128xf32, #tpu.memory_space<vmem>>, vector<1x16xf32>,
      %parallel_loop3A_219 = vector.shape_cast %parallel_loop3A_218 : vector<1x16xf32> to vector<16xf32>
      %parallel_loop3A_220 = arith.mulf %parallel_loop3A_215, %parallel_loop3A_219 : vector<16xf32>
      %parallel_loop3A_221 = arith.addf %parallel_loop3A_211, %parallel_loop3A_220 : vector<16xf32>
      %parallel_loop3A_222 = arith.constant 8 : i32
      %parallel_loop3A_223 = vector.broadcast %parallel_loop3A_222 : i32 to vector<16xi32>
      %parallel_loop3A_224 = arith.xori %iota3A, %parallel_loop3A_223 : vector<16xi32>
      %parallel_loop3A_225 = vector.shape_cast %parallel_loop3A_224 : vector<16xi32> to vector<16x1xi32>
      %parallel_loop3A_226 = vector.shape_cast %parallel_loop3A_225 : vector<16x1xi32> to vector<16xi32>
      %parallel_loop3A_227 = tpu.dynamic_gather %parallel_loop3A_221[%parallel_loop3A_226] in [0] : vector<16xf32>, vector<16xi32> -> vector<16xf32>
      %parallel_loop3A_228 = arith.addf %parallel_loop3A_221, %parallel_loop3A_227 : vector<16xf32>
      %parallel_loop3A_229 = arith.constant 4 : i32
      %parallel_loop3A_230 = vector.broadcast %parallel_loop3A_229 : i32 to vector<16xi32>
      %parallel_loop3A_231 = arith.xori %iota3A, %parallel_loop3A_230 : vector<16xi32>
      %parallel_loop3A_232 = vector.shape_cast %parallel_loop3A_231 : vector<16xi32> to vector<16x1xi32>
      %parallel_loop3A_233 = vector.shape_cast %parallel_loop3A_232 : vector<16x1xi32> to vector<16xi32>
      %parallel_loop3A_234 = tpu.dynamic_gather %parallel_loop3A_228[%parallel_loop3A_233] in [0] : vector<16xf32>, vector<16xi32> -> vector<16xf32>
      %parallel_loop3A_235 = arith.addf %parallel_loop3A_228, %parallel_loop3A_234 : vector<16xf32>
      %parallel_loop3A_236 = arith.constant 2 : i32
      %parallel_loop3A_237 = vector.broadcast %parallel_loop3A_236 : i32 to vector<16xi32>
      %parallel_loop3A_238 = arith.xori %iota3A, %parallel_loop3A_237 : vector<16xi32>
      %parallel_loop3A_239 = vector.shape_cast %parallel_loop3A_238 : vector<16xi32> to vector<16x1xi32>
      %parallel_loop3A_240 = vector.shape_cast %parallel_loop3A_239 : vector<16x1xi32> to vector<16xi32>
      %parallel_loop3A_241 = tpu.dynamic_gather %parallel_loop3A_235[%parallel_loop3A_240] in [0] : vector<16xf32>, vector<16xi32> -> vector<16xf32>
      %parallel_loop3A_242 = arith.addf %parallel_loop3A_235, %parallel_loop3A_241 : vector<16xf32>
      %parallel_loop3A_243 = arith.constant 1 : i32
      %parallel_loop3A_244 = vector.broadcast %parallel_loop3A_243 : i32 to vector<16xi32>
      %parallel_loop3A_245 = arith.xori %iota3A, %parallel_loop3A_244 : vector<16xi32>
      %parallel_loop3A_246 = vector.shape_cast %parallel_loop3A_245 : vector<16xi32> to vector<16x1xi32>
      %parallel_loop3A_247 = vector.shape_cast %parallel_loop3A_246 : vector<16x1xi32> to vector<16xi32>
      %parallel_loop3A_248 = tpu.dynamic_gather %parallel_loop3A_242[%parallel_loop3A_247] in [0] : vector<16xf32>, vector<16xi32> -> vector<16xf32>
      %parallel_loop3A_249 = arith.addf %parallel_loop3A_242, %parallel_loop3A_248 : vector<16xf32>
      %parallel_loop3A_250 = arith.mulf %parallel_loop3A_145, %parallel_loop3A_249 : vector<16xf32>
      %parallel_loop3A_251 = arith.index_cast %parallel_loop3A_139 : i32 to index
      %parallel_loop3A_252 = arith.constant 0 : index
      %parallel_loop3A_253 = tpu.vector_load %arg10[%parallel_loop3A_251, %parallel_loop3A_252] {strides = array<i32>} : memref<80x128xf32, #tpu.memory_space<vmem>>, vector<1x16xf32>,
      %parallel_loop3A_254 = vector.shape_cast %parallel_loop3A_253 : vector<1x16xf32> to vector<16xf32>
      %parallel_loop3A_255 = vector.shape_cast %parallel_loop3A_250 : vector<16xf32> to vector<1x16xf32>
      tpu.vector_store %arg10[%parallel_loop3A_251, %parallel_loop3A_252], %parallel_loop3A_255 {strides = array<i32>} : memref<80x128xf32, #tpu.memory_space<vmem>>, vector<1x16xf32>,
      %parallel_loop3A_256 = arith.mulf %parallel_loop3A_155, %parallel_loop3A_249 : vector<16xf32>
      %parallel_loop3A_257 = arith.index_cast %parallel_loop3A_139 : i32 to index
      %parallel_loop3A_258 = arith.constant 16 : index
      %parallel_loop3A_259 = tpu.vector_load %arg10[%parallel_loop3A_257, %parallel_loop3A_258] {strides = array<i32>} : memref<80x128xf32, #tpu.memory_space<vmem>>, vector<1x16xf32>,
      %parallel_loop3A_260 = vector.shape_cast %parallel_loop3A_259 : vector<1x16xf32> to vector<16xf32>
      %parallel_loop3A_261 = vector.shape_cast %parallel_loop3A_256 : vector<16xf32> to vector<1x16xf32>
      tpu.vector_store %arg10[%parallel_loop3A_257, %parallel_loop3A_258], %parallel_loop3A_261 {strides = array<i32>} : memref<80x128xf32, #tpu.memory_space<vmem>>, vector<1x16xf32>,
      %parallel_loop3A_262 = arith.mulf %parallel_loop3A_165, %parallel_loop3A_249 : vector<16xf32>
      %parallel_loop3A_263 = arith.index_cast %parallel_loop3A_139 : i32 to index
      %parallel_loop3A_264 = arith.constant 32 : index
      %parallel_loop3A_265 = tpu.vector_load %arg10[%parallel_loop3A_263, %parallel_loop3A_264] {strides = array<i32>} : memref<80x128xf32, #tpu.memory_space<vmem>>, vector<1x16xf32>,
      %parallel_loop3A_266 = vector.shape_cast %parallel_loop3A_265 : vector<1x16xf32> to vector<16xf32>
      %parallel_loop3A_267 = vector.shape_cast %parallel_loop3A_262 : vector<16xf32> to vector<1x16xf32>
      tpu.vector_store %arg10[%parallel_loop3A_263, %parallel_loop3A_264], %parallel_loop3A_267 {strides = array<i32>} : memref<80x128xf32, #tpu.memory_space<vmem>>, vector<1x16xf32>,
      %parallel_loop3A_268 = arith.mulf %parallel_loop3A_175, %parallel_loop3A_249 : vector<16xf32>
      %parallel_loop3A_269 = arith.index_cast %parallel_loop3A_139 : i32 to index
      %parallel_loop3A_270 = arith.constant 48 : index
      %parallel_loop3A_271 = tpu.vector_load %arg10[%parallel_loop3A_269, %parallel_loop3A_270] {strides = array<i32>} : memref<80x128xf32, #tpu.memory_space<vmem>>, vector<1x16xf32>,
      %parallel_loop3A_272 = vector.shape_cast %parallel_loop3A_271 : vector<1x16xf32> to vector<16xf32>
      %parallel_loop3A_273 = vector.shape_cast %parallel_loop3A_268 : vector<16xf32> to vector<1x16xf32>
      tpu.vector_store %arg10[%parallel_loop3A_269, %parallel_loop3A_270], %parallel_loop3A_273 {strides = array<i32>} : memref<80x128xf32, #tpu.memory_space<vmem>>, vector<1x16xf32>,
      %parallel_loop3A_274 = arith.mulf %parallel_loop3A_185, %parallel_loop3A_249 : vector<16xf32>
      %parallel_loop3A_275 = arith.index_cast %parallel_loop3A_139 : i32 to index
      %parallel_loop3A_276 = arith.constant 64 : index
      %parallel_loop3A_277 = tpu.vector_load %arg10[%parallel_loop3A_275, %parallel_loop3A_276] {strides = array<i32>} : memref<80x128xf32, #tpu.memory_space<vmem>>, vector<1x16xf32>,
      %parallel_loop3A_278 = vector.shape_cast %parallel_loop3A_277 : vector<1x16xf32> to vector<16xf32>
      %parallel_loop3A_279 = vector.shape_cast %parallel_loop3A_274 : vector<16xf32> to vector<1x16xf32>
      tpu.vector_store %arg10[%parallel_loop3A_275, %parallel_loop3A_276], %parallel_loop3A_279 {strides = array<i32>} : memref<80x128xf32, #tpu.memory_space<vmem>>, vector<1x16xf32>,
      %parallel_loop3A_280 = arith.mulf %parallel_loop3A_195, %parallel_loop3A_249 : vector<16xf32>
      %parallel_loop3A_281 = arith.index_cast %parallel_loop3A_139 : i32 to index
      %parallel_loop3A_282 = arith.constant 80 : index
      %parallel_loop3A_283 = tpu.vector_load %arg10[%parallel_loop3A_281, %parallel_loop3A_282] {strides = array<i32>} : memref<80x128xf32, #tpu.memory_space<vmem>>, vector<1x16xf32>,
      %parallel_loop3A_284 = vector.shape_cast %parallel_loop3A_283 : vector<1x16xf32> to vector<16xf32>
      %parallel_loop3A_285 = vector.shape_cast %parallel_loop3A_280 : vector<16xf32> to vector<1x16xf32>
      tpu.vector_store %arg10[%parallel_loop3A_281, %parallel_loop3A_282], %parallel_loop3A_285 {strides = array<i32>} : memref<80x128xf32, #tpu.memory_space<vmem>>, vector<1x16xf32>,
      %parallel_loop3A_286 = arith.mulf %parallel_loop3A_205, %parallel_loop3A_249 : vector<16xf32>
      %parallel_loop3A_287 = arith.index_cast %parallel_loop3A_139 : i32 to index
      %parallel_loop3A_288 = arith.constant 96 : index
      %parallel_loop3A_289 = tpu.vector_load %arg10[%parallel_loop3A_287, %parallel_loop3A_288] {strides = array<i32>} : memref<80x128xf32, #tpu.memory_space<vmem>>, vector<1x16xf32>,
      %parallel_loop3A_290 = vector.shape_cast %parallel_loop3A_289 : vector<1x16xf32> to vector<16xf32>
      %parallel_loop3A_291 = vector.shape_cast %parallel_loop3A_286 : vector<16xf32> to vector<1x16xf32>
      tpu.vector_store %arg10[%parallel_loop3A_287, %parallel_loop3A_288], %parallel_loop3A_291 {strides = array<i32>} : memref<80x128xf32, #tpu.memory_space<vmem>>, vector<1x16xf32>,
      %parallel_loop3A_292 = arith.mulf %parallel_loop3A_215, %parallel_loop3A_249 : vector<16xf32>
      %parallel_loop3A_293 = arith.index_cast %parallel_loop3A_139 : i32 to index
      %parallel_loop3A_294 = arith.constant 112 : index
      %parallel_loop3A_295 = tpu.vector_load %arg10[%parallel_loop3A_293, %parallel_loop3A_294] {strides = array<i32>} : memref<80x128xf32, #tpu.memory_space<vmem>>, vector<1x16xf32>,
      %parallel_loop3A_296 = vector.shape_cast %parallel_loop3A_295 : vector<1x16xf32> to vector<16xf32>
      %parallel_loop3A_297 = vector.shape_cast %parallel_loop3A_292 : vector<16xf32> to vector<1x16xf32>
      tpu.vector_store %arg10[%parallel_loop3A_293, %parallel_loop3A_294], %parallel_loop3A_297 {strides = array<i32>} : memref<80x128xf32, #tpu.memory_space<vmem>>, vector<1x16xf32>,
    } {sc.loop_unroll_factor = 2 : i64, sc.parallel_access}
    %dma_start3A_74 = arith.constant 0 : i32
    %dma_start3A_75 = arith.constant 0 : i32
    %dma_start3A_76 = tpu.memref_slice %arg14[%dma_start3A_74, %dma_start3A_75] : memref<10240x128xf32, #tpu.memory_space<vmem_shared>> -> memref<10240x128xf32, #tpu.memory_space<vmem_shared>>
    tpu.enqueue_indirect_dma source(%arg10 : memref<80x128xf32, #tpu.memory_space<vmem>>) target(%dma_start3A_76 : memref<10240x128xf32, #tpu.memory_space<vmem_shared>>) offsets(%arg8 : memref<80xi32, #tpu.memory_space<vmem>>) semaphore(%arg19 : memref<!tpu.dma_semaphore, #tpu.memory_space<semaphore_mem>>) {add = true}
    %dma_wait3A_77 = arith.constant 0 : i32
    %dma_wait3A_78 = arith.constant 0 : i32
    %dma_wait3A_79 = tpu.memref_slice %arg2[%dma_wait3A_77, %dma_wait3A_78] : memref<10240x128xf32, #tpu.memory_space<hbm>> -> memref<10240x128xf32, #tpu.memory_space<hbm>>
    tpu.wait_indirect_dma semaphore(%arg16 : memref<!tpu.dma_semaphore, #tpu.memory_space<semaphore_mem>>) src(%dma_wait3A_79 : memref<10240x128xf32, #tpu.memory_space<hbm>>) dst(%arg11 : memref<80x128xf32, #tpu.memory_space<vmem>>)
    %dma_wait3A_80 = arith.constant 0 : i32
    %dma_wait3A_81 = arith.constant 0 : i32
    %dma_wait3A_82 = tpu.memref_slice %arg2[%dma_wait3A_80, %dma_wait3A_81] : memref<10240x128xf32, #tpu.memory_space<hbm>> -> memref<10240x128xf32, #tpu.memory_space<hbm>>
    tpu.wait_indirect_dma semaphore(%arg18 : memref<!tpu.dma_semaphore, #tpu.memory_space<semaphore_mem>>) src(%dma_wait3A_82 : memref<10240x128xf32, #tpu.memory_space<hbm>>) dst(%arg13 : memref<80x128xf32, #tpu.memory_space<vmem>>)
    %dma_wait3A_83 = arith.constant 0 : i32
    %dma_wait3A_84 = arith.constant 0 : i32
    %dma_wait3A_85 = tpu.memref_slice %arg14[%dma_wait3A_83, %dma_wait3A_84] : memref<10240x128xf32, #tpu.memory_space<vmem_shared>> -> memref<10240x128xf32, #tpu.memory_space<vmem_shared>>
    tpu.wait_indirect_dma semaphore(%arg19 : memref<!tpu.dma_semaphore, #tpu.memory_space<semaphore_mem>>) src(%arg10 : memref<80x128xf32, #tpu.memory_space<vmem>>) dst(%dma_wait3A_85 : memref<10240x128xf32, #tpu.memory_space<vmem_shared>>)
    %mul3A_86 = arith.constant 10000 : i32
    %mul3A_87 = arith.muli %add3A, %mul3A_86 : i32
    %add3A_88 = arith.constant 160 : i32
    %add3A_89 = arith.addi %mul3A_87, %add3A_88 : i32
    %dma_start3A_90 = tpu.memref_slice %arg3[%add3A_89] : memref<320000xi32, #tpu.memory_space<hbm>> -> memref<80xi32, #tpu.memory_space<hbm>>
    %dma_start3A_91 = tpu.memref_slice %arg3[%add3A_89] : memref<320000xi32, #tpu.memory_space<hbm>> -> memref<80xi32, #tpu.memory_space<hbm>>
    tpu.enqueue_dma source(%dma_start3A_91 : memref<80xi32, #tpu.memory_space<hbm>>) target(%arg6 : memref<80xi32, #tpu.memory_space<vmem>>) target_semaphore(%arg21 : memref<!tpu.dma_semaphore, #tpu.memory_space<semaphore_mem>>)
    %dma_start3A_92 = tpu.memref_slice %arg4[%add3A_89] : memref<320000xi32, #tpu.memory_space<hbm>> -> memref<80xi32, #tpu.memory_space<hbm>>
    %dma_start3A_93 = tpu.memref_slice %arg4[%add3A_89] : memref<320000xi32, #tpu.memory_space<hbm>> -> memref<80xi32, #tpu.memory_space<hbm>>
    tpu.enqueue_dma source(%dma_start3A_93 : memref<80xi32, #tpu.memory_space<hbm>>) target(%arg8 : memref<80xi32, #tpu.memory_space<vmem>>) target_semaphore(%arg22 : memref<!tpu.dma_semaphore, #tpu.memory_space<semaphore_mem>>)
    %dma_wait3A_94 = arith.constant 0 : i32
    %dma_wait3A_95 = tpu.memref_slice %arg3[%dma_wait3A_94] : memref<320000xi32, #tpu.memory_space<hbm>> -> memref<80xi32, #tpu.memory_space<hbm>>
    %dma_wait3A_96 = arith.constant 0 : i32
    %dma_wait3A_97 = tpu.memref_slice %arg3[%dma_wait3A_96] : memref<320000xi32, #tpu.memory_space<hbm>> -> memref<80xi32, #tpu.memory_space<hbm>>
    tpu.wait_dma2 semaphore(%arg21 : memref<!tpu.dma_semaphore, #tpu.memory_space<semaphore_mem>>) src(%dma_wait3A_97 : memref<80xi32, #tpu.memory_space<hbm>>) dst(%arg6 : memref<80xi32, #tpu.memory_space<vmem>>)
    %dma_wait3A_98 = arith.constant 0 : i32
    %dma_wait3A_99 = tpu.memref_slice %arg4[%dma_wait3A_98] : memref<320000xi32, #tpu.memory_space<hbm>> -> memref<80xi32, #tpu.memory_space<hbm>>
    %dma_wait3A_100 = arith.constant 0 : i32
    %dma_wait3A_101 = tpu.memref_slice %arg4[%dma_wait3A_100] : memref<320000xi32, #tpu.memory_space<hbm>> -> memref<80xi32, #tpu.memory_space<hbm>>
    tpu.wait_dma2 semaphore(%arg22 : memref<!tpu.dma_semaphore, #tpu.memory_space<semaphore_mem>>) src(%dma_wait3A_101 : memref<80xi32, #tpu.memory_space<hbm>>) dst(%arg8 : memref<80xi32, #tpu.memory_space<vmem>>)
    %dma_start3A_102 = arith.constant 0 : i32
    %dma_start3A_103 = arith.constant 0 : i32
    %dma_start3A_104 = tpu.memref_slice %arg2[%dma_start3A_102, %dma_start3A_103] : memref<10240x128xf32, #tpu.memory_space<hbm>> -> memref<10240x128xf32, #tpu.memory_space<hbm>>
    tpu.enqueue_indirect_dma source(%dma_start3A_104 : memref<10240x128xf32, #tpu.memory_space<hbm>>) target(%arg10 : memref<80x128xf32, #tpu.memory_space<vmem>>) offsets(%arg6 : memref<80xi32, #tpu.memory_space<vmem>>) semaphore(%arg15 : memref<!tpu.dma_semaphore, #tpu.memory_space<semaphore_mem>>)
    %dma_start3A_105 = arith.constant 0 : i32
    %dma_start3A_106 = arith.constant 0 : i32
    %dma_start3A_107 = tpu.memref_slice %arg2[%dma_start3A_105, %dma_start3A_106] : memref<10240x128xf32, #tpu.memory_space<hbm>> -> memref<10240x128xf32, #tpu.memory_space<hbm>>
    tpu.enqueue_indirect_dma source(%dma_start3A_107 : memref<10240x128xf32, #tpu.memory_space<hbm>>) target(%arg12 : memref<80x128xf32, #tpu.memory_space<vmem>>) offsets(%arg8 : memref<80xi32, #tpu.memory_space<vmem>>) semaphore(%arg17 : memref<!tpu.dma_semaphore, #tpu.memory_space<semaphore_mem>>)
    %parallel_loop3A_108 = arith.constant 0 : i32
    %parallel_loop3A_109 = arith.constant 80 : i32
    %parallel_loop3A_110 = arith.constant 1 : i32
    scf.for %parallel_loop3A_139 = %parallel_loop3A_108 to %parallel_loop3A_109 step %parallel_loop3A_110  : i32 {
      %parallel_loop3A_140 = arith.constant 0.000000e+00 : f32
      %parallel_loop3A_141 = vector.broadcast %parallel_loop3A_140 : f32 to vector<16xf32>
      %parallel_loop3A_142 = arith.index_cast %parallel_loop3A_139 : i32 to index
      %parallel_loop3A_143 = arith.constant 0 : index
      %parallel_loop3A_144 = tpu.vector_load %arg11[%parallel_loop3A_142, %parallel_loop3A_143] {strides = array<i32>} : memref<80x128xf32, #tpu.memory_space<vmem>>, vector<1x16xf32>,
      %parallel_loop3A_145 = vector.shape_cast %parallel_loop3A_144 : vector<1x16xf32> to vector<16xf32>
      %parallel_loop3A_146 = arith.index_cast %parallel_loop3A_139 : i32 to index
      %parallel_loop3A_147 = arith.constant 0 : index
      %parallel_loop3A_148 = tpu.vector_load %arg13[%parallel_loop3A_146, %parallel_loop3A_147] {strides = array<i32>} : memref<80x128xf32, #tpu.memory_space<vmem>>, vector<1x16xf32>,
      %parallel_loop3A_149 = vector.shape_cast %parallel_loop3A_148 : vector<1x16xf32> to vector<16xf32>
      %parallel_loop3A_150 = arith.mulf %parallel_loop3A_145, %parallel_loop3A_149 : vector<16xf32>
      %parallel_loop3A_151 = arith.addf %parallel_loop3A_141, %parallel_loop3A_150 : vector<16xf32>
      %parallel_loop3A_152 = arith.index_cast %parallel_loop3A_139 : i32 to index
      %parallel_loop3A_153 = arith.constant 16 : index
      %parallel_loop3A_154 = tpu.vector_load %arg11[%parallel_loop3A_152, %parallel_loop3A_153] {strides = array<i32>} : memref<80x128xf32, #tpu.memory_space<vmem>>, vector<1x16xf32>,
      %parallel_loop3A_155 = vector.shape_cast %parallel_loop3A_154 : vector<1x16xf32> to vector<16xf32>
      %parallel_loop3A_156 = arith.index_cast %parallel_loop3A_139 : i32 to index
      %parallel_loop3A_157 = arith.constant 16 : index
      %parallel_loop3A_158 = tpu.vector_load %arg13[%parallel_loop3A_156, %parallel_loop3A_157] {strides = array<i32>} : memref<80x128xf32, #tpu.memory_space<vmem>>, vector<1x16xf32>,
      %parallel_loop3A_159 = vector.shape_cast %parallel_loop3A_158 : vector<1x16xf32> to vector<16xf32>
      %parallel_loop3A_160 = arith.mulf %parallel_loop3A_155, %parallel_loop3A_159 : vector<16xf32>
      %parallel_loop3A_161 = arith.addf %parallel_loop3A_151, %parallel_loop3A_160 : vector<16xf32>
      %parallel_loop3A_162 = arith.index_cast %parallel_loop3A_139 : i32 to index
      %parallel_loop3A_163 = arith.constant 32 : index
      %parallel_loop3A_164 = tpu.vector_load %arg11[%parallel_loop3A_162, %parallel_loop3A_163] {strides = array<i32>} : memref<80x128xf32, #tpu.memory_space<vmem>>, vector<1x16xf32>,
      %parallel_loop3A_165 = vector.shape_cast %parallel_loop3A_164 : vector<1x16xf32> to vector<16xf32>
      %parallel_loop3A_166 = arith.index_cast %parallel_loop3A_139 : i32 to index
      %parallel_loop3A_167 = arith.constant 32 : index
      %parallel_loop3A_168 = tpu.vector_load %arg13[%parallel_loop3A_166, %parallel_loop3A_167] {strides = array<i32>} : memref<80x128xf32, #tpu.memory_space<vmem>>, vector<1x16xf32>,
      %parallel_loop3A_169 = vector.shape_cast %parallel_loop3A_168 : vector<1x16xf32> to vector<16xf32>
      %parallel_loop3A_170 = arith.mulf %parallel_loop3A_165, %parallel_loop3A_169 : vector<16xf32>
      %parallel_loop3A_171 = arith.addf %parallel_loop3A_161, %parallel_loop3A_170 : vector<16xf32>
      %parallel_loop3A_172 = arith.index_cast %parallel_loop3A_139 : i32 to index
      %parallel_loop3A_173 = arith.constant 48 : index
      %parallel_loop3A_174 = tpu.vector_load %arg11[%parallel_loop3A_172, %parallel_loop3A_173] {strides = array<i32>} : memref<80x128xf32, #tpu.memory_space<vmem>>, vector<1x16xf32>,
      %parallel_loop3A_175 = vector.shape_cast %parallel_loop3A_174 : vector<1x16xf32> to vector<16xf32>
      %parallel_loop3A_176 = arith.index_cast %parallel_loop3A_139 : i32 to index
      %parallel_loop3A_177 = arith.constant 48 : index
      %parallel_loop3A_178 = tpu.vector_load %arg13[%parallel_loop3A_176, %parallel_loop3A_177] {strides = array<i32>} : memref<80x128xf32, #tpu.memory_space<vmem>>, vector<1x16xf32>,
      %parallel_loop3A_179 = vector.shape_cast %parallel_loop3A_178 : vector<1x16xf32> to vector<16xf32>
      %parallel_loop3A_180 = arith.mulf %parallel_loop3A_175, %parallel_loop3A_179 : vector<16xf32>
      %parallel_loop3A_181 = arith.addf %parallel_loop3A_171, %parallel_loop3A_180 : vector<16xf32>
      %parallel_loop3A_182 = arith.index_cast %parallel_loop3A_139 : i32 to index
      %parallel_loop3A_183 = arith.constant 64 : index
      %parallel_loop3A_184 = tpu.vector_load %arg11[%parallel_loop3A_182, %parallel_loop3A_183] {strides = array<i32>} : memref<80x128xf32, #tpu.memory_space<vmem>>, vector<1x16xf32>,
      %parallel_loop3A_185 = vector.shape_cast %parallel_loop3A_184 : vector<1x16xf32> to vector<16xf32>
      %parallel_loop3A_186 = arith.index_cast %parallel_loop3A_139 : i32 to index
      %parallel_loop3A_187 = arith.constant 64 : index
      %parallel_loop3A_188 = tpu.vector_load %arg13[%parallel_loop3A_186, %parallel_loop3A_187] {strides = array<i32>} : memref<80x128xf32, #tpu.memory_space<vmem>>, vector<1x16xf32>,
      %parallel_loop3A_189 = vector.shape_cast %parallel_loop3A_188 : vector<1x16xf32> to vector<16xf32>
      %parallel_loop3A_190 = arith.mulf %parallel_loop3A_185, %parallel_loop3A_189 : vector<16xf32>
      %parallel_loop3A_191 = arith.addf %parallel_loop3A_181, %parallel_loop3A_190 : vector<16xf32>
      %parallel_loop3A_192 = arith.index_cast %parallel_loop3A_139 : i32 to index
      %parallel_loop3A_193 = arith.constant 80 : index
      %parallel_loop3A_194 = tpu.vector_load %arg11[%parallel_loop3A_192, %parallel_loop3A_193] {strides = array<i32>} : memref<80x128xf32, #tpu.memory_space<vmem>>, vector<1x16xf32>,
      %parallel_loop3A_195 = vector.shape_cast %parallel_loop3A_194 : vector<1x16xf32> to vector<16xf32>
      %parallel_loop3A_196 = arith.index_cast %parallel_loop3A_139 : i32 to index
      %parallel_loop3A_197 = arith.constant 80 : index
      %parallel_loop3A_198 = tpu.vector_load %arg13[%parallel_loop3A_196, %parallel_loop3A_197] {strides = array<i32>} : memref<80x128xf32, #tpu.memory_space<vmem>>, vector<1x16xf32>,
      %parallel_loop3A_199 = vector.shape_cast %parallel_loop3A_198 : vector<1x16xf32> to vector<16xf32>
      %parallel_loop3A_200 = arith.mulf %parallel_loop3A_195, %parallel_loop3A_199 : vector<16xf32>
      %parallel_loop3A_201 = arith.addf %parallel_loop3A_191, %parallel_loop3A_200 : vector<16xf32>
      %parallel_loop3A_202 = arith.index_cast %parallel_loop3A_139 : i32 to index
      %parallel_loop3A_203 = arith.constant 96 : index
      %parallel_loop3A_204 = tpu.vector_load %arg11[%parallel_loop3A_202, %parallel_loop3A_203] {strides = array<i32>} : memref<80x128xf32, #tpu.memory_space<vmem>>, vector<1x16xf32>,
      %parallel_loop3A_205 = vector.shape_cast %parallel_loop3A_204 : vector<1x16xf32> to vector<16xf32>
      %parallel_loop3A_206 = arith.index_cast %parallel_loop3A_139 : i32 to index
      %parallel_loop3A_207 = arith.constant 96 : index
      %parallel_loop3A_208 = tpu.vector_load %arg13[%parallel_loop3A_206, %parallel_loop3A_207] {strides = array<i32>} : memref<80x128xf32, #tpu.memory_space<vmem>>, vector<1x16xf32>,
      %parallel_loop3A_209 = vector.shape_cast %parallel_loop3A_208 : vector<1x16xf32> to vector<16xf32>
      %parallel_loop3A_210 = arith.mulf %parallel_loop3A_205, %parallel_loop3A_209 : vector<16xf32>
      %parallel_loop3A_211 = arith.addf %parallel_loop3A_201, %parallel_loop3A_210 : vector<16xf32>
      %parallel_loop3A_212 = arith.index_cast %parallel_loop3A_139 : i32 to index
      %parallel_loop3A_213 = arith.constant 112 : index
      %parallel_loop3A_214 = tpu.vector_load %arg11[%parallel_loop3A_212, %parallel_loop3A_213] {strides = array<i32>} : memref<80x128xf32, #tpu.memory_space<vmem>>, vector<1x16xf32>,
      %parallel_loop3A_215 = vector.shape_cast %parallel_loop3A_214 : vector<1x16xf32> to vector<16xf32>
      %parallel_loop3A_216 = arith.index_cast %parallel_loop3A_139 : i32 to index
      %parallel_loop3A_217 = arith.constant 112 : index
      %parallel_loop3A_218 = tpu.vector_load %arg13[%parallel_loop3A_216, %parallel_loop3A_217] {strides = array<i32>} : memref<80x128xf32, #tpu.memory_space<vmem>>, vector<1x16xf32>,
      %parallel_loop3A_219 = vector.shape_cast %parallel_loop3A_218 : vector<1x16xf32> to vector<16xf32>
      %parallel_loop3A_220 = arith.mulf %parallel_loop3A_215, %parallel_loop3A_219 : vector<16xf32>
      %parallel_loop3A_221 = arith.addf %parallel_loop3A_211, %parallel_loop3A_220 : vector<16xf32>
      %parallel_loop3A_222 = arith.constant 8 : i32
      %parallel_loop3A_223 = vector.broadcast %parallel_loop3A_222 : i32 to vector<16xi32>
      %parallel_loop3A_224 = arith.xori %iota3A, %parallel_loop3A_223 : vector<16xi32>
      %parallel_loop3A_225 = vector.shape_cast %parallel_loop3A_224 : vector<16xi32> to vector<16x1xi32>
      %parallel_loop3A_226 = vector.shape_cast %parallel_loop3A_225 : vector<16x1xi32> to vector<16xi32>
      %parallel_loop3A_227 = tpu.dynamic_gather %parallel_loop3A_221[%parallel_loop3A_226] in [0] : vector<16xf32>, vector<16xi32> -> vector<16xf32>
      %parallel_loop3A_228 = arith.addf %parallel_loop3A_221, %parallel_loop3A_227 : vector<16xf32>
      %parallel_loop3A_229 = arith.constant 4 : i32
      %parallel_loop3A_230 = vector.broadcast %parallel_loop3A_229 : i32 to vector<16xi32>
      %parallel_loop3A_231 = arith.xori %iota3A, %parallel_loop3A_230 : vector<16xi32>
      %parallel_loop3A_232 = vector.shape_cast %parallel_loop3A_231 : vector<16xi32> to vector<16x1xi32>
      %parallel_loop3A_233 = vector.shape_cast %parallel_loop3A_232 : vector<16x1xi32> to vector<16xi32>
      %parallel_loop3A_234 = tpu.dynamic_gather %parallel_loop3A_228[%parallel_loop3A_233] in [0] : vector<16xf32>, vector<16xi32> -> vector<16xf32>
      %parallel_loop3A_235 = arith.addf %parallel_loop3A_228, %parallel_loop3A_234 : vector<16xf32>
      %parallel_loop3A_236 = arith.constant 2 : i32
      %parallel_loop3A_237 = vector.broadcast %parallel_loop3A_236 : i32 to vector<16xi32>
      %parallel_loop3A_238 = arith.xori %iota3A, %parallel_loop3A_237 : vector<16xi32>
      %parallel_loop3A_239 = vector.shape_cast %parallel_loop3A_238 : vector<16xi32> to vector<16x1xi32>
      %parallel_loop3A_240 = vector.shape_cast %parallel_loop3A_239 : vector<16x1xi32> to vector<16xi32>
      %parallel_loop3A_241 = tpu.dynamic_gather %parallel_loop3A_235[%parallel_loop3A_240] in [0] : vector<16xf32>, vector<16xi32> -> vector<16xf32>
      %parallel_loop3A_242 = arith.addf %parallel_loop3A_235, %parallel_loop3A_241 : vector<16xf32>
      %parallel_loop3A_243 = arith.constant 1 : i32
      %parallel_loop3A_244 = vector.broadcast %parallel_loop3A_243 : i32 to vector<16xi32>
      %parallel_loop3A_245 = arith.xori %iota3A, %parallel_loop3A_244 : vector<16xi32>
      %parallel_loop3A_246 = vector.shape_cast %parallel_loop3A_245 : vector<16xi32> to vector<16x1xi32>
      %parallel_loop3A_247 = vector.shape_cast %parallel_loop3A_246 : vector<16x1xi32> to vector<16xi32>
      %parallel_loop3A_248 = tpu.dynamic_gather %parallel_loop3A_242[%parallel_loop3A_247] in [0] : vector<16xf32>, vector<16xi32> -> vector<16xf32>
      %parallel_loop3A_249 = arith.addf %parallel_loop3A_242, %parallel_loop3A_248 : vector<16xf32>
      %parallel_loop3A_250 = arith.mulf %parallel_loop3A_145, %parallel_loop3A_249 : vector<16xf32>
      %parallel_loop3A_251 = arith.index_cast %parallel_loop3A_139 : i32 to index
      %parallel_loop3A_252 = arith.constant 0 : index
      %parallel_loop3A_253 = tpu.vector_load %arg11[%parallel_loop3A_251, %parallel_loop3A_252] {strides = array<i32>} : memref<80x128xf32, #tpu.memory_space<vmem>>, vector<1x16xf32>,
      %parallel_loop3A_254 = vector.shape_cast %parallel_loop3A_253 : vector<1x16xf32> to vector<16xf32>
      %parallel_loop3A_255 = vector.shape_cast %parallel_loop3A_250 : vector<16xf32> to vector<1x16xf32>
      tpu.vector_store %arg11[%parallel_loop3A_251, %parallel_loop3A_252], %parallel_loop3A_255 {strides = array<i32>} : memref<80x128xf32, #tpu.memory_space<vmem>>, vector<1x16xf32>,
      %parallel_loop3A_256 = arith.mulf %parallel_loop3A_155, %parallel_loop3A_249 : vector<16xf32>
      %parallel_loop3A_257 = arith.index_cast %parallel_loop3A_139 : i32 to index
      %parallel_loop3A_258 = arith.constant 16 : index
      %parallel_loop3A_259 = tpu.vector_load %arg11[%parallel_loop3A_257, %parallel_loop3A_258] {strides = array<i32>} : memref<80x128xf32, #tpu.memory_space<vmem>>, vector<1x16xf32>,
      %parallel_loop3A_260 = vector.shape_cast %parallel_loop3A_259 : vector<1x16xf32> to vector<16xf32>
      %parallel_loop3A_261 = vector.shape_cast %parallel_loop3A_256 : vector<16xf32> to vector<1x16xf32>
      tpu.vector_store %arg11[%parallel_loop3A_257, %parallel_loop3A_258], %parallel_loop3A_261 {strides = array<i32>} : memref<80x128xf32, #tpu.memory_space<vmem>>, vector<1x16xf32>,
      %parallel_loop3A_262 = arith.mulf %parallel_loop3A_165, %parallel_loop3A_249 : vector<16xf32>
      %parallel_loop3A_263 = arith.index_cast %parallel_loop3A_139 : i32 to index
      %parallel_loop3A_264 = arith.constant 32 : index
      %parallel_loop3A_265 = tpu.vector_load %arg11[%parallel_loop3A_263, %parallel_loop3A_264] {strides = array<i32>} : memref<80x128xf32, #tpu.memory_space<vmem>>, vector<1x16xf32>,
      %parallel_loop3A_266 = vector.shape_cast %parallel_loop3A_265 : vector<1x16xf32> to vector<16xf32>
      %parallel_loop3A_267 = vector.shape_cast %parallel_loop3A_262 : vector<16xf32> to vector<1x16xf32>
      tpu.vector_store %arg11[%parallel_loop3A_263, %parallel_loop3A_264], %parallel_loop3A_267 {strides = array<i32>} : memref<80x128xf32, #tpu.memory_space<vmem>>, vector<1x16xf32>,
      %parallel_loop3A_268 = arith.mulf %parallel_loop3A_175, %parallel_loop3A_249 : vector<16xf32>
      %parallel_loop3A_269 = arith.index_cast %parallel_loop3A_139 : i32 to index
      %parallel_loop3A_270 = arith.constant 48 : index
      %parallel_loop3A_271 = tpu.vector_load %arg11[%parallel_loop3A_269, %parallel_loop3A_270] {strides = array<i32>} : memref<80x128xf32, #tpu.memory_space<vmem>>, vector<1x16xf32>,
      %parallel_loop3A_272 = vector.shape_cast %parallel_loop3A_271 : vector<1x16xf32> to vector<16xf32>
      %parallel_loop3A_273 = vector.shape_cast %parallel_loop3A_268 : vector<16xf32> to vector<1x16xf32>
      tpu.vector_store %arg11[%parallel_loop3A_269, %parallel_loop3A_270], %parallel_loop3A_273 {strides = array<i32>} : memref<80x128xf32, #tpu.memory_space<vmem>>, vector<1x16xf32>,
      %parallel_loop3A_274 = arith.mulf %parallel_loop3A_185, %parallel_loop3A_249 : vector<16xf32>
      %parallel_loop3A_275 = arith.index_cast %parallel_loop3A_139 : i32 to index
      %parallel_loop3A_276 = arith.constant 64 : index
      %parallel_loop3A_277 = tpu.vector_load %arg11[%parallel_loop3A_275, %parallel_loop3A_276] {strides = array<i32>} : memref<80x128xf32, #tpu.memory_space<vmem>>, vector<1x16xf32>,
      %parallel_loop3A_278 = vector.shape_cast %parallel_loop3A_277 : vector<1x16xf32> to vector<16xf32>
      %parallel_loop3A_279 = vector.shape_cast %parallel_loop3A_274 : vector<16xf32> to vector<1x16xf32>
      tpu.vector_store %arg11[%parallel_loop3A_275, %parallel_loop3A_276], %parallel_loop3A_279 {strides = array<i32>} : memref<80x128xf32, #tpu.memory_space<vmem>>, vector<1x16xf32>,
      %parallel_loop3A_280 = arith.mulf %parallel_loop3A_195, %parallel_loop3A_249 : vector<16xf32>
      %parallel_loop3A_281 = arith.index_cast %parallel_loop3A_139 : i32 to index
      %parallel_loop3A_282 = arith.constant 80 : index
      %parallel_loop3A_283 = tpu.vector_load %arg11[%parallel_loop3A_281, %parallel_loop3A_282] {strides = array<i32>} : memref<80x128xf32, #tpu.memory_space<vmem>>, vector<1x16xf32>,
      %parallel_loop3A_284 = vector.shape_cast %parallel_loop3A_283 : vector<1x16xf32> to vector<16xf32>
      %parallel_loop3A_285 = vector.shape_cast %parallel_loop3A_280 : vector<16xf32> to vector<1x16xf32>
      tpu.vector_store %arg11[%parallel_loop3A_281, %parallel_loop3A_282], %parallel_loop3A_285 {strides = array<i32>} : memref<80x128xf32, #tpu.memory_space<vmem>>, vector<1x16xf32>,
      %parallel_loop3A_286 = arith.mulf %parallel_loop3A_205, %parallel_loop3A_249 : vector<16xf32>
      %parallel_loop3A_287 = arith.index_cast %parallel_loop3A_139 : i32 to index
      %parallel_loop3A_288 = arith.constant 96 : index
      %parallel_loop3A_289 = tpu.vector_load %arg11[%parallel_loop3A_287, %parallel_loop3A_288] {strides = array<i32>} : memref<80x128xf32, #tpu.memory_space<vmem>>, vector<1x16xf32>,
      %parallel_loop3A_290 = vector.shape_cast %parallel_loop3A_289 : vector<1x16xf32> to vector<16xf32>
      %parallel_loop3A_291 = vector.shape_cast %parallel_loop3A_286 : vector<16xf32> to vector<1x16xf32>
      tpu.vector_store %arg11[%parallel_loop3A_287, %parallel_loop3A_288], %parallel_loop3A_291 {strides = array<i32>} : memref<80x128xf32, #tpu.memory_space<vmem>>, vector<1x16xf32>,
      %parallel_loop3A_292 = arith.mulf %parallel_loop3A_215, %parallel_loop3A_249 : vector<16xf32>
      %parallel_loop3A_293 = arith.index_cast %parallel_loop3A_139 : i32 to index
      %parallel_loop3A_294 = arith.constant 112 : index
      %parallel_loop3A_295 = tpu.vector_load %arg11[%parallel_loop3A_293, %parallel_loop3A_294] {strides = array<i32>} : memref<80x128xf32, #tpu.memory_space<vmem>>, vector<1x16xf32>,
      %parallel_loop3A_296 = vector.shape_cast %parallel_loop3A_295 : vector<1x16xf32> to vector<16xf32>
      %parallel_loop3A_297 = vector.shape_cast %parallel_loop3A_292 : vector<16xf32> to vector<1x16xf32>
      tpu.vector_store %arg11[%parallel_loop3A_293, %parallel_loop3A_294], %parallel_loop3A_297 {strides = array<i32>} : memref<80x128xf32, #tpu.memory_space<vmem>>, vector<1x16xf32>,
    } {sc.loop_unroll_factor = 2 : i64, sc.parallel_access}
    %dma_start3A_111 = arith.constant 0 : i32
    %dma_start3A_112 = arith.constant 0 : i32
    %dma_start3A_113 = tpu.memref_slice %arg14[%dma_start3A_111, %dma_start3A_112] : memref<10240x128xf32, #tpu.memory_space<vmem_shared>> -> memref<10240x128xf32, #tpu.memory_space<vmem_shared>>
    tpu.enqueue_indirect_dma source(%arg11 : memref<80x128xf32, #tpu.memory_space<vmem>>) target(%dma_start3A_113 : memref<10240x128xf32, #tpu.memory_space<vmem_shared>>) offsets(%arg9 : memref<80xi32, #tpu.memory_space<vmem>>) semaphore(%arg20 : memref<!tpu.dma_semaphore, #tpu.memory_space<semaphore_mem>>) {add = true}
    %scan3A_114 = arith.constant 0 : i32
    %scan3A_115 = arith.constant 1 : i32
    %scan3A_116 = arith.constant 61 : i32
    %scan3A_117 = arith.addi %scan3A_115, %scan3A_116 : i32
    %scan3A_118 = arith.constant 1 : i32
    scf.for %scan3A_139 = %scan3A_115 to %scan3A_117 step %scan3A_118  : i32 {
      %mul3A_140 = arith.constant 2 : i32
      %mul3A_141 = arith.muli %scan3A_139, %mul3A_140 : i32
      %dma_wait3A_142 = arith.constant 0 : i32
      %dma_wait3A_143 = arith.constant 0 : i32
      %dma_wait3A_144 = tpu.memref_slice %arg2[%dma_wait3A_142, %dma_wait3A_143] : memref<10240x128xf32, #tpu.memory_space<hbm>> -> memref<10240x128xf32, #tpu.memory_space<hbm>>
      tpu.wait_indirect_dma semaphore(%arg15 : memref<!tpu.dma_semaphore, #tpu.memory_space<semaphore_mem>>) src(%dma_wait3A_144 : memref<10240x128xf32, #tpu.memory_space<hbm>>) dst(%arg10 : memref<80x128xf32, #tpu.memory_space<vmem>>)
      %dma_wait3A_145 = arith.constant 0 : i32
      %dma_wait3A_146 = arith.constant 0 : i32
      %dma_wait3A_147 = tpu.memref_slice %arg2[%dma_wait3A_145, %dma_wait3A_146] : memref<10240x128xf32, #tpu.memory_space<hbm>> -> memref<10240x128xf32, #tpu.memory_space<hbm>>
      tpu.wait_indirect_dma semaphore(%arg17 : memref<!tpu.dma_semaphore, #tpu.memory_space<semaphore_mem>>) src(%dma_wait3A_147 : memref<10240x128xf32, #tpu.memory_space<hbm>>) dst(%arg12 : memref<80x128xf32, #tpu.memory_space<vmem>>)
      %dma_wait3A_148 = arith.constant 0 : i32
      %dma_wait3A_149 = arith.constant 0 : i32
      %dma_wait3A_150 = tpu.memref_slice %arg14[%dma_wait3A_148, %dma_wait3A_149] : memref<10240x128xf32, #tpu.memory_space<vmem_shared>> -> memref<10240x128xf32, #tpu.memory_space<vmem_shared>>
      tpu.wait_indirect_dma semaphore(%arg20 : memref<!tpu.dma_semaphore, #tpu.memory_space<semaphore_mem>>) src(%arg11 : memref<80x128xf32, #tpu.memory_space<vmem>>) dst(%dma_wait3A_150 : memref<10240x128xf32, #tpu.memory_space<vmem_shared>>)
      %add3A_151 = arith.constant 1 : i32
      %add3A_152 = arith.addi %mul3A_141, %add3A_151 : i32
      %mul3A_153 = arith.constant 10000 : i32
      %mul3A_154 = arith.muli %add3A, %mul3A_153 : i32
      %mul3A_155 = arith.constant 80 : i32
      %mul3A_156 = arith.muli %add3A_152, %mul3A_155 : i32
      %add3A_157 = arith.addi %mul3A_154, %mul3A_156 : i32
      %dma_start3A_158 = tpu.memref_slice %arg3[%add3A_157] : memref<320000xi32, #tpu.memory_space<hbm>> -> memref<80xi32, #tpu.memory_space<hbm>>
      %dma_start3A_159 = tpu.memref_slice %arg3[%add3A_157] : memref<320000xi32, #tpu.memory_space<hbm>> -> memref<80xi32, #tpu.memory_space<hbm>>
      tpu.enqueue_dma source(%dma_start3A_159 : memref<80xi32, #tpu.memory_space<hbm>>) target(%arg7 : memref<80xi32, #tpu.memory_space<vmem>>) target_semaphore(%arg21 : memref<!tpu.dma_semaphore, #tpu.memory_space<semaphore_mem>>)
      %dma_start3A_160 = tpu.memref_slice %arg4[%add3A_157] : memref<320000xi32, #tpu.memory_space<hbm>> -> memref<80xi32, #tpu.memory_space<hbm>>
      %dma_start3A_161 = tpu.memref_slice %arg4[%add3A_157] : memref<320000xi32, #tpu.memory_space<hbm>> -> memref<80xi32, #tpu.memory_space<hbm>>
      tpu.enqueue_dma source(%dma_start3A_161 : memref<80xi32, #tpu.memory_space<hbm>>) target(%arg9 : memref<80xi32, #tpu.memory_space<vmem>>) target_semaphore(%arg22 : memref<!tpu.dma_semaphore, #tpu.memory_space<semaphore_mem>>)
      %dma_wait3A_162 = arith.constant 0 : i32
      %dma_wait3A_163 = tpu.memref_slice %arg3[%dma_wait3A_162] : memref<320000xi32, #tpu.memory_space<hbm>> -> memref<80xi32, #tpu.memory_space<hbm>>
      %dma_wait3A_164 = arith.constant 0 : i32
      %dma_wait3A_165 = tpu.memref_slice %arg3[%dma_wait3A_164] : memref<320000xi32, #tpu.memory_space<hbm>> -> memref<80xi32, #tpu.memory_space<hbm>>
      tpu.wait_dma2 semaphore(%arg21 : memref<!tpu.dma_semaphore, #tpu.memory_space<semaphore_mem>>) src(%dma_wait3A_165 : memref<80xi32, #tpu.memory_space<hbm>>) dst(%arg7 : memref<80xi32, #tpu.memory_space<vmem>>)
      %dma_wait3A_166 = arith.constant 0 : i32
      %dma_wait3A_167 = tpu.memref_slice %arg4[%dma_wait3A_166] : memref<320000xi32, #tpu.memory_space<hbm>> -> memref<80xi32, #tpu.memory_space<hbm>>
      %dma_wait3A_168 = arith.constant 0 : i32
      %dma_wait3A_169 = tpu.memref_slice %arg4[%dma_wait3A_168] : memref<320000xi32, #tpu.memory_space<hbm>> -> memref<80xi32, #tpu.memory_space<hbm>>
      tpu.wait_dma2 semaphore(%arg22 : memref<!tpu.dma_semaphore, #tpu.memory_space<semaphore_mem>>) src(%dma_wait3A_169 : memref<80xi32, #tpu.memory_space<hbm>>) dst(%arg9 : memref<80xi32, #tpu.memory_space<vmem>>)
      %dma_start3A_170 = arith.constant 0 : i32
      %dma_start3A_171 = arith.constant 0 : i32
      %dma_start3A_172 = tpu.memref_slice %arg2[%dma_start3A_170, %dma_start3A_171] : memref<10240x128xf32, #tpu.memory_space<hbm>> -> memref<10240x128xf32, #tpu.memory_space<hbm>>
      tpu.enqueue_indirect_dma source(%dma_start3A_172 : memref<10240x128xf32, #tpu.memory_space<hbm>>) target(%arg11 : memref<80x128xf32, #tpu.memory_space<vmem>>) offsets(%arg7 : memref<80xi32, #tpu.memory_space<vmem>>) semaphore(%arg16 : memref<!tpu.dma_semaphore, #tpu.memory_space<semaphore_mem>>)
      %dma_start3A_173 = arith.constant 0 : i32
      %dma_start3A_174 = arith.constant 0 : i32
      %dma_start3A_175 = tpu.memref_slice %arg2[%dma_start3A_173, %dma_start3A_174] : memref<10240x128xf32, #tpu.memory_space<hbm>> -> memref<10240x128xf32, #tpu.memory_space<hbm>>
      tpu.enqueue_indirect_dma source(%dma_start3A_175 : memref<10240x128xf32, #tpu.memory_space<hbm>>) target(%arg13 : memref<80x128xf32, #tpu.memory_space<vmem>>) offsets(%arg9 : memref<80xi32, #tpu.memory_space<vmem>>) semaphore(%arg18 : memref<!tpu.dma_semaphore, #tpu.memory_space<semaphore_mem>>)
      %parallel_loop3A_176 = arith.constant 0 : i32
      %parallel_loop3A_177 = arith.constant 80 : i32
      %parallel_loop3A_178 = arith.constant 1 : i32
      scf.for %parallel_loop3A_224 = %parallel_loop3A_176 to %parallel_loop3A_177 step %parallel_loop3A_178  : i32 {
        %parallel_loop3A_225 = arith.constant 0.000000e+00 : f32
        %parallel_loop3A_226 = vector.broadcast %parallel_loop3A_225 : f32 to vector<16xf32>
        %parallel_loop3A_227 = arith.index_cast %parallel_loop3A_224 : i32 to index
        %parallel_loop3A_228 = arith.constant 0 : index
        %parallel_loop3A_229 = tpu.vector_load %arg10[%parallel_loop3A_227, %parallel_loop3A_228] {strides = array<i32>} : memref<80x128xf32, #tpu.memory_space<vmem>>, vector<1x16xf32>,
        %parallel_loop3A_230 = vector.shape_cast %parallel_loop3A_229 : vector<1x16xf32> to vector<16xf32>
        %parallel_loop3A_231 = arith.index_cast %parallel_loop3A_224 : i32 to index
        %parallel_loop3A_232 = arith.constant 0 : index
        %parallel_loop3A_233 = tpu.vector_load %arg12[%parallel_loop3A_231, %parallel_loop3A_232] {strides = array<i32>} : memref<80x128xf32, #tpu.memory_space<vmem>>, vector<1x16xf32>,
        %parallel_loop3A_234 = vector.shape_cast %parallel_loop3A_233 : vector<1x16xf32> to vector<16xf32>
        %parallel_loop3A_235 = arith.mulf %parallel_loop3A_230, %parallel_loop3A_234 : vector<16xf32>
        %parallel_loop3A_236 = arith.addf %parallel_loop3A_226, %parallel_loop3A_235 : vector<16xf32>
        %parallel_loop3A_237 = arith.index_cast %parallel_loop3A_224 : i32 to index
        %parallel_loop3A_238 = arith.constant 16 : index
        %parallel_loop3A_239 = tpu.vector_load %arg10[%parallel_loop3A_237, %parallel_loop3A_238] {strides = array<i32>} : memref<80x128xf32, #tpu.memory_space<vmem>>, vector<1x16xf32>,
        %parallel_loop3A_240 = vector.shape_cast %parallel_loop3A_239 : vector<1x16xf32> to vector<16xf32>
        %parallel_loop3A_241 = arith.index_cast %parallel_loop3A_224 : i32 to index
        %parallel_loop3A_242 = arith.constant 16 : index
        %parallel_loop3A_243 = tpu.vector_load %arg12[%parallel_loop3A_241, %parallel_loop3A_242] {strides = array<i32>} : memref<80x128xf32, #tpu.memory_space<vmem>>, vector<1x16xf32>,
        %parallel_loop3A_244 = vector.shape_cast %parallel_loop3A_243 : vector<1x16xf32> to vector<16xf32>
        %parallel_loop3A_245 = arith.mulf %parallel_loop3A_240, %parallel_loop3A_244 : vector<16xf32>
        %parallel_loop3A_246 = arith.addf %parallel_loop3A_236, %parallel_loop3A_245 : vector<16xf32>
        %parallel_loop3A_247 = arith.index_cast %parallel_loop3A_224 : i32 to index
        %parallel_loop3A_248 = arith.constant 32 : index
        %parallel_loop3A_249 = tpu.vector_load %arg10[%parallel_loop3A_247, %parallel_loop3A_248] {strides = array<i32>} : memref<80x128xf32, #tpu.memory_space<vmem>>, vector<1x16xf32>,
        %parallel_loop3A_250 = vector.shape_cast %parallel_loop3A_249 : vector<1x16xf32> to vector<16xf32>
        %parallel_loop3A_251 = arith.index_cast %parallel_loop3A_224 : i32 to index
        %parallel_loop3A_252 = arith.constant 32 : index
        %parallel_loop3A_253 = tpu.vector_load %arg12[%parallel_loop3A_251, %parallel_loop3A_252] {strides = array<i32>} : memref<80x128xf32, #tpu.memory_space<vmem>>, vector<1x16xf32>,
        %parallel_loop3A_254 = vector.shape_cast %parallel_loop3A_253 : vector<1x16xf32> to vector<16xf32>
        %parallel_loop3A_255 = arith.mulf %parallel_loop3A_250, %parallel_loop3A_254 : vector<16xf32>
        %parallel_loop3A_256 = arith.addf %parallel_loop3A_246, %parallel_loop3A_255 : vector<16xf32>
        %parallel_loop3A_257 = arith.index_cast %parallel_loop3A_224 : i32 to index
        %parallel_loop3A_258 = arith.constant 48 : index
        %parallel_loop3A_259 = tpu.vector_load %arg10[%parallel_loop3A_257, %parallel_loop3A_258] {strides = array<i32>} : memref<80x128xf32, #tpu.memory_space<vmem>>, vector<1x16xf32>,
        %parallel_loop3A_260 = vector.shape_cast %parallel_loop3A_259 : vector<1x16xf32> to vector<16xf32>
        %parallel_loop3A_261 = arith.index_cast %parallel_loop3A_224 : i32 to index
        %parallel_loop3A_262 = arith.constant 48 : index
        %parallel_loop3A_263 = tpu.vector_load %arg12[%parallel_loop3A_261, %parallel_loop3A_262] {strides = array<i32>} : memref<80x128xf32, #tpu.memory_space<vmem>>, vector<1x16xf32>,
        %parallel_loop3A_264 = vector.shape_cast %parallel_loop3A_263 : vector<1x16xf32> to vector<16xf32>
        %parallel_loop3A_265 = arith.mulf %parallel_loop3A_260, %parallel_loop3A_264 : vector<16xf32>
        %parallel_loop3A_266 = arith.addf %parallel_loop3A_256, %parallel_loop3A_265 : vector<16xf32>
        %parallel_loop3A_267 = arith.index_cast %parallel_loop3A_224 : i32 to index
        %parallel_loop3A_268 = arith.constant 64 : index
        %parallel_loop3A_269 = tpu.vector_load %arg10[%parallel_loop3A_267, %parallel_loop3A_268] {strides = array<i32>} : memref<80x128xf32, #tpu.memory_space<vmem>>, vector<1x16xf32>,
        %parallel_loop3A_270 = vector.shape_cast %parallel_loop3A_269 : vector<1x16xf32> to vector<16xf32>
        %parallel_loop3A_271 = arith.index_cast %parallel_loop3A_224 : i32 to index
        %parallel_loop3A_272 = arith.constant 64 : index
        %parallel_loop3A_273 = tpu.vector_load %arg12[%parallel_loop3A_271, %parallel_loop3A_272] {strides = array<i32>} : memref<80x128xf32, #tpu.memory_space<vmem>>, vector<1x16xf32>,
        %parallel_loop3A_274 = vector.shape_cast %parallel_loop3A_273 : vector<1x16xf32> to vector<16xf32>
        %parallel_loop3A_275 = arith.mulf %parallel_loop3A_270, %parallel_loop3A_274 : vector<16xf32>
        %parallel_loop3A_276 = arith.addf %parallel_loop3A_266, %parallel_loop3A_275 : vector<16xf32>
        %parallel_loop3A_277 = arith.index_cast %parallel_loop3A_224 : i32 to index
        %parallel_loop3A_278 = arith.constant 80 : index
        %parallel_loop3A_279 = tpu.vector_load %arg10[%parallel_loop3A_277, %parallel_loop3A_278] {strides = array<i32>} : memref<80x128xf32, #tpu.memory_space<vmem>>, vector<1x16xf32>,
        %parallel_loop3A_280 = vector.shape_cast %parallel_loop3A_279 : vector<1x16xf32> to vector<16xf32>
        %parallel_loop3A_281 = arith.index_cast %parallel_loop3A_224 : i32 to index
        %parallel_loop3A_282 = arith.constant 80 : index
        %parallel_loop3A_283 = tpu.vector_load %arg12[%parallel_loop3A_281, %parallel_loop3A_282] {strides = array<i32>} : memref<80x128xf32, #tpu.memory_space<vmem>>, vector<1x16xf32>,
        %parallel_loop3A_284 = vector.shape_cast %parallel_loop3A_283 : vector<1x16xf32> to vector<16xf32>
        %parallel_loop3A_285 = arith.mulf %parallel_loop3A_280, %parallel_loop3A_284 : vector<16xf32>
        %parallel_loop3A_286 = arith.addf %parallel_loop3A_276, %parallel_loop3A_285 : vector<16xf32>
        %parallel_loop3A_287 = arith.index_cast %parallel_loop3A_224 : i32 to index
        %parallel_loop3A_288 = arith.constant 96 : index
        %parallel_loop3A_289 = tpu.vector_load %arg10[%parallel_loop3A_287, %parallel_loop3A_288] {strides = array<i32>} : memref<80x128xf32, #tpu.memory_space<vmem>>, vector<1x16xf32>,
        %parallel_loop3A_290 = vector.shape_cast %parallel_loop3A_289 : vector<1x16xf32> to vector<16xf32>
        %parallel_loop3A_291 = arith.index_cast %parallel_loop3A_224 : i32 to index
        %parallel_loop3A_292 = arith.constant 96 : index
        %parallel_loop3A_293 = tpu.vector_load %arg12[%parallel_loop3A_291, %parallel_loop3A_292] {strides = array<i32>} : memref<80x128xf32, #tpu.memory_space<vmem>>, vector<1x16xf32>,
        %parallel_loop3A_294 = vector.shape_cast %parallel_loop3A_293 : vector<1x16xf32> to vector<16xf32>
        %parallel_loop3A_295 = arith.mulf %parallel_loop3A_290, %parallel_loop3A_294 : vector<16xf32>
        %parallel_loop3A_296 = arith.addf %parallel_loop3A_286, %parallel_loop3A_295 : vector<16xf32>
        %parallel_loop3A_297 = arith.index_cast %parallel_loop3A_224 : i32 to index
        %parallel_loop3A_298 = arith.constant 112 : index
        %parallel_loop3A_299 = tpu.vector_load %arg10[%parallel_loop3A_297, %parallel_loop3A_298] {strides = array<i32>} : memref<80x128xf32, #tpu.memory_space<vmem>>, vector<1x16xf32>,
        %parallel_loop3A_300 = vector.shape_cast %parallel_loop3A_299 : vector<1x16xf32> to vector<16xf32>
        %parallel_loop3A_301 = arith.index_cast %parallel_loop3A_224 : i32 to index
        %parallel_loop3A_302 = arith.constant 112 : index
        %parallel_loop3A_303 = tpu.vector_load %arg12[%parallel_loop3A_301, %parallel_loop3A_302] {strides = array<i32>} : memref<80x128xf32, #tpu.memory_space<vmem>>, vector<1x16xf32>,
        %parallel_loop3A_304 = vector.shape_cast %parallel_loop3A_303 : vector<1x16xf32> to vector<16xf32>
        %parallel_loop3A_305 = arith.mulf %parallel_loop3A_300, %parallel_loop3A_304 : vector<16xf32>
        %parallel_loop3A_306 = arith.addf %parallel_loop3A_296, %parallel_loop3A_305 : vector<16xf32>
        %parallel_loop3A_307 = arith.constant 8 : i32
        %parallel_loop3A_308 = vector.broadcast %parallel_loop3A_307 : i32 to vector<16xi32>
        %parallel_loop3A_309 = arith.xori %iota3A, %parallel_loop3A_308 : vector<16xi32>
        %parallel_loop3A_310 = vector.shape_cast %parallel_loop3A_309 : vector<16xi32> to vector<16x1xi32>
        %parallel_loop3A_311 = vector.shape_cast %parallel_loop3A_310 : vector<16x1xi32> to vector<16xi32>
        %parallel_loop3A_312 = tpu.dynamic_gather %parallel_loop3A_306[%parallel_loop3A_311] in [0] : vector<16xf32>, vector<16xi32> -> vector<16xf32>
        %parallel_loop3A_313 = arith.addf %parallel_loop3A_306, %parallel_loop3A_312 : vector<16xf32>
        %parallel_loop3A_314 = arith.constant 4 : i32
        %parallel_loop3A_315 = vector.broadcast %parallel_loop3A_314 : i32 to vector<16xi32>
        %parallel_loop3A_316 = arith.xori %iota3A, %parallel_loop3A_315 : vector<16xi32>
        %parallel_loop3A_317 = vector.shape_cast %parallel_loop3A_316 : vector<16xi32> to vector<16x1xi32>
        %parallel_loop3A_318 = vector.shape_cast %parallel_loop3A_317 : vector<16x1xi32> to vector<16xi32>
        %parallel_loop3A_319 = tpu.dynamic_gather %parallel_loop3A_313[%parallel_loop3A_318] in [0] : vector<16xf32>, vector<16xi32> -> vector<16xf32>
        %parallel_loop3A_320 = arith.addf %parallel_loop3A_313, %parallel_loop3A_319 : vector<16xf32>
        %parallel_loop3A_321 = arith.constant 2 : i32
        %parallel_loop3A_322 = vector.broadcast %parallel_loop3A_321 : i32 to vector<16xi32>
        %parallel_loop3A_323 = arith.xori %iota3A, %parallel_loop3A_322 : vector<16xi32>
        %parallel_loop3A_324 = vector.shape_cast %parallel_loop3A_323 : vector<16xi32> to vector<16x1xi32>
        %parallel_loop3A_325 = vector.shape_cast %parallel_loop3A_324 : vector<16x1xi32> to vector<16xi32>
        %parallel_loop3A_326 = tpu.dynamic_gather %parallel_loop3A_320[%parallel_loop3A_325] in [0] : vector<16xf32>, vector<16xi32> -> vector<16xf32>
        %parallel_loop3A_327 = arith.addf %parallel_loop3A_320, %parallel_loop3A_326 : vector<16xf32>
        %parallel_loop3A_328 = arith.constant 1 : i32
        %parallel_loop3A_329 = vector.broadcast %parallel_loop3A_328 : i32 to vector<16xi32>
        %parallel_loop3A_330 = arith.xori %iota3A, %parallel_loop3A_329 : vector<16xi32>
        %parallel_loop3A_331 = vector.shape_cast %parallel_loop3A_330 : vector<16xi32> to vector<16x1xi32>
        %parallel_loop3A_332 = vector.shape_cast %parallel_loop3A_331 : vector<16x1xi32> to vector<16xi32>
        %parallel_loop3A_333 = tpu.dynamic_gather %parallel_loop3A_327[%parallel_loop3A_332] in [0] : vector<16xf32>, vector<16xi32> -> vector<16xf32>
        %parallel_loop3A_334 = arith.addf %parallel_loop3A_327, %parallel_loop3A_333 : vector<16xf32>
        %parallel_loop3A_335 = arith.mulf %parallel_loop3A_230, %parallel_loop3A_334 : vector<16xf32>
        %parallel_loop3A_336 = arith.index_cast %parallel_loop3A_224 : i32 to index
        %parallel_loop3A_337 = arith.constant 0 : index
        %parallel_loop3A_338 = tpu.vector_load %arg10[%parallel_loop3A_336, %parallel_loop3A_337] {strides = array<i32>} : memref<80x128xf32, #tpu.memory_space<vmem>>, vector<1x16xf32>,
        %parallel_loop3A_339 = vector.shape_cast %parallel_loop3A_338 : vector<1x16xf32> to vector<16xf32>
        %parallel_loop3A_340 = vector.shape_cast %parallel_loop3A_335 : vector<16xf32> to vector<1x16xf32>
        tpu.vector_store %arg10[%parallel_loop3A_336, %parallel_loop3A_337], %parallel_loop3A_340 {strides = array<i32>} : memref<80x128xf32, #tpu.memory_space<vmem>>, vector<1x16xf32>,
        %parallel_loop3A_341 = arith.mulf %parallel_loop3A_240, %parallel_loop3A_334 : vector<16xf32>
        %parallel_loop3A_342 = arith.index_cast %parallel_loop3A_224 : i32 to index
        %parallel_loop3A_343 = arith.constant 16 : index
        %parallel_loop3A_344 = tpu.vector_load %arg10[%parallel_loop3A_342, %parallel_loop3A_343] {strides = array<i32>} : memref<80x128xf32, #tpu.memory_space<vmem>>, vector<1x16xf32>,
        %parallel_loop3A_345 = vector.shape_cast %parallel_loop3A_344 : vector<1x16xf32> to vector<16xf32>
        %parallel_loop3A_346 = vector.shape_cast %parallel_loop3A_341 : vector<16xf32> to vector<1x16xf32>
        tpu.vector_store %arg10[%parallel_loop3A_342, %parallel_loop3A_343], %parallel_loop3A_346 {strides = array<i32>} : memref<80x128xf32, #tpu.memory_space<vmem>>, vector<1x16xf32>,
        %parallel_loop3A_347 = arith.mulf %parallel_loop3A_250, %parallel_loop3A_334 : vector<16xf32>
        %parallel_loop3A_348 = arith.index_cast %parallel_loop3A_224 : i32 to index
        %parallel_loop3A_349 = arith.constant 32 : index
        %parallel_loop3A_350 = tpu.vector_load %arg10[%parallel_loop3A_348, %parallel_loop3A_349] {strides = array<i32>} : memref<80x128xf32, #tpu.memory_space<vmem>>, vector<1x16xf32>,
        %parallel_loop3A_351 = vector.shape_cast %parallel_loop3A_350 : vector<1x16xf32> to vector<16xf32>
        %parallel_loop3A_352 = vector.shape_cast %parallel_loop3A_347 : vector<16xf32> to vector<1x16xf32>
        tpu.vector_store %arg10[%parallel_loop3A_348, %parallel_loop3A_349], %parallel_loop3A_352 {strides = array<i32>} : memref<80x128xf32, #tpu.memory_space<vmem>>, vector<1x16xf32>,
        %parallel_loop3A_353 = arith.mulf %parallel_loop3A_260, %parallel_loop3A_334 : vector<16xf32>
        %parallel_loop3A_354 = arith.index_cast %parallel_loop3A_224 : i32 to index
        %parallel_loop3A_355 = arith.constant 48 : index
        %parallel_loop3A_356 = tpu.vector_load %arg10[%parallel_loop3A_354, %parallel_loop3A_355] {strides = array<i32>} : memref<80x128xf32, #tpu.memory_space<vmem>>, vector<1x16xf32>,
        %parallel_loop3A_357 = vector.shape_cast %parallel_loop3A_356 : vector<1x16xf32> to vector<16xf32>
        %parallel_loop3A_358 = vector.shape_cast %parallel_loop3A_353 : vector<16xf32> to vector<1x16xf32>
        tpu.vector_store %arg10[%parallel_loop3A_354, %parallel_loop3A_355], %parallel_loop3A_358 {strides = array<i32>} : memref<80x128xf32, #tpu.memory_space<vmem>>, vector<1x16xf32>,
        %parallel_loop3A_359 = arith.mulf %parallel_loop3A_270, %parallel_loop3A_334 : vector<16xf32>
        %parallel_loop3A_360 = arith.index_cast %parallel_loop3A_224 : i32 to index
        %parallel_loop3A_361 = arith.constant 64 : index
        %parallel_loop3A_362 = tpu.vector_load %arg10[%parallel_loop3A_360, %parallel_loop3A_361] {strides = array<i32>} : memref<80x128xf32, #tpu.memory_space<vmem>>, vector<1x16xf32>,
        %parallel_loop3A_363 = vector.shape_cast %parallel_loop3A_362 : vector<1x16xf32> to vector<16xf32>
        %parallel_loop3A_364 = vector.shape_cast %parallel_loop3A_359 : vector<16xf32> to vector<1x16xf32>
        tpu.vector_store %arg10[%parallel_loop3A_360, %parallel_loop3A_361], %parallel_loop3A_364 {strides = array<i32>} : memref<80x128xf32, #tpu.memory_space<vmem>>, vector<1x16xf32>,
        %parallel_loop3A_365 = arith.mulf %parallel_loop3A_280, %parallel_loop3A_334 : vector<16xf32>
        %parallel_loop3A_366 = arith.index_cast %parallel_loop3A_224 : i32 to index
        %parallel_loop3A_367 = arith.constant 80 : index
        %parallel_loop3A_368 = tpu.vector_load %arg10[%parallel_loop3A_366, %parallel_loop3A_367] {strides = array<i32>} : memref<80x128xf32, #tpu.memory_space<vmem>>, vector<1x16xf32>,
        %parallel_loop3A_369 = vector.shape_cast %parallel_loop3A_368 : vector<1x16xf32> to vector<16xf32>
        %parallel_loop3A_370 = vector.shape_cast %parallel_loop3A_365 : vector<16xf32> to vector<1x16xf32>
        tpu.vector_store %arg10[%parallel_loop3A_366, %parallel_loop3A_367], %parallel_loop3A_370 {strides = array<i32>} : memref<80x128xf32, #tpu.memory_space<vmem>>, vector<1x16xf32>,
        %parallel_loop3A_371 = arith.mulf %parallel_loop3A_290, %parallel_loop3A_334 : vector<16xf32>
        %parallel_loop3A_372 = arith.index_cast %parallel_loop3A_224 : i32 to index
        %parallel_loop3A_373 = arith.constant 96 : index
        %parallel_loop3A_374 = tpu.vector_load %arg10[%parallel_loop3A_372, %parallel_loop3A_373] {strides = array<i32>} : memref<80x128xf32, #tpu.memory_space<vmem>>, vector<1x16xf32>,
        %parallel_loop3A_375 = vector.shape_cast %parallel_loop3A_374 : vector<1x16xf32> to vector<16xf32>
        %parallel_loop3A_376 = vector.shape_cast %parallel_loop3A_371 : vector<16xf32> to vector<1x16xf32>
        tpu.vector_store %arg10[%parallel_loop3A_372, %parallel_loop3A_373], %parallel_loop3A_376 {strides = array<i32>} : memref<80x128xf32, #tpu.memory_space<vmem>>, vector<1x16xf32>,
        %parallel_loop3A_377 = arith.mulf %parallel_loop3A_300, %parallel_loop3A_334 : vector<16xf32>
        %parallel_loop3A_378 = arith.index_cast %parallel_loop3A_224 : i32 to index
        %parallel_loop3A_379 = arith.constant 112 : index
        %parallel_loop3A_380 = tpu.vector_load %arg10[%parallel_loop3A_378, %parallel_loop3A_379] {strides = array<i32>} : memref<80x128xf32, #tpu.memory_space<vmem>>, vector<1x16xf32>,
        %parallel_loop3A_381 = vector.shape_cast %parallel_loop3A_380 : vector<1x16xf32> to vector<16xf32>
        %parallel_loop3A_382 = vector.shape_cast %parallel_loop3A_377 : vector<16xf32> to vector<1x16xf32>
        tpu.vector_store %arg10[%parallel_loop3A_378, %parallel_loop3A_379], %parallel_loop3A_382 {strides = array<i32>} : memref<80x128xf32, #tpu.memory_space<vmem>>, vector<1x16xf32>,
      } {sc.loop_unroll_factor = 2 : i64, sc.parallel_access}
      %dma_start3A_179 = arith.constant 0 : i32
      %dma_start3A_180 = arith.constant 0 : i32
      %dma_start3A_181 = tpu.memref_slice %arg14[%dma_start3A_179, %dma_start3A_180] : memref<10240x128xf32, #tpu.memory_space<vmem_shared>> -> memref<10240x128xf32, #tpu.memory_space<vmem_shared>>
      tpu.enqueue_indirect_dma source(%arg10 : memref<80x128xf32, #tpu.memory_space<vmem>>) target(%dma_start3A_181 : memref<10240x128xf32, #tpu.memory_space<vmem_shared>>) offsets(%arg8 : memref<80xi32, #tpu.memory_space<vmem>>) semaphore(%arg19 : memref<!tpu.dma_semaphore, #tpu.memory_space<semaphore_mem>>) {add = true}
      %add3A_182 = arith.constant 1 : i32
      %add3A_183 = arith.addi %mul3A_141, %add3A_182 : i32
      %dma_wait3A_184 = arith.constant 0 : i32
      %dma_wait3A_185 = arith.constant 0 : i32
      %dma_wait3A_186 = tpu.memref_slice %arg2[%dma_wait3A_184, %dma_wait3A_185] : memref<10240x128xf32, #tpu.memory_space<hbm>> -> memref<10240x128xf32, #tpu.memory_space<hbm>>
      tpu.wait_indirect_dma semaphore(%arg16 : memref<!tpu.dma_semaphore, #tpu.memory_space<semaphore_mem>>) src(%dma_wait3A_186 : memref<10240x128xf32, #tpu.memory_space<hbm>>) dst(%arg11 : memref<80x128xf32, #tpu.memory_space<vmem>>)
      %dma_wait3A_187 = arith.constant 0 : i32
      %dma_wait3A_188 = arith.constant 0 : i32
      %dma_wait3A_189 = tpu.memref_slice %arg2[%dma_wait3A_187, %dma_wait3A_188] : memref<10240x128xf32, #tpu.memory_space<hbm>> -> memref<10240x128xf32, #tpu.memory_space<hbm>>
      tpu.wait_indirect_dma semaphore(%arg18 : memref<!tpu.dma_semaphore, #tpu.memory_space<semaphore_mem>>) src(%dma_wait3A_189 : memref<10240x128xf32, #tpu.memory_space<hbm>>) dst(%arg13 : memref<80x128xf32, #tpu.memory_space<vmem>>)
      %dma_wait3A_190 = arith.constant 0 : i32
      %dma_wait3A_191 = arith.constant 0 : i32
      %dma_wait3A_192 = tpu.memref_slice %arg14[%dma_wait3A_190, %dma_wait3A_191] : memref<10240x128xf32, #tpu.memory_space<vmem_shared>> -> memref<10240x128xf32, #tpu.memory_space<vmem_shared>>
      tpu.wait_indirect_dma semaphore(%arg19 : memref<!tpu.dma_semaphore, #tpu.memory_space<semaphore_mem>>) src(%arg10 : memref<80x128xf32, #tpu.memory_space<vmem>>) dst(%dma_wait3A_192 : memref<10240x128xf32, #tpu.memory_space<vmem_shared>>)
      %add3A_193 = arith.constant 1 : i32
      %add3A_194 = arith.addi %add3A_183, %add3A_193 : i32
      %mul3A_195 = arith.constant 10000 : i32
      %mul3A_196 = arith.muli %add3A, %mul3A_195 : i32
      %mul3A_197 = arith.constant 80 : i32
      %mul3A_198 = arith.muli %add3A_194, %mul3A_197 : i32
      %add3A_199 = arith.addi %mul3A_196, %mul3A_198 : i32
      %dma_start3A_200 = tpu.memref_slice %arg3[%add3A_199] : memref<320000xi32, #tpu.memory_space<hbm>> -> memref<80xi32, #tpu.memory_space<hbm>>
      %dma_start3A_201 = tpu.memref_slice %arg3[%add3A_199] : memref<320000xi32, #tpu.memory_space<hbm>> -> memref<80xi32, #tpu.memory_space<hbm>>
      tpu.enqueue_dma source(%dma_start3A_201 : memref<80xi32, #tpu.memory_space<hbm>>) target(%arg6 : memref<80xi32, #tpu.memory_space<vmem>>) target_semaphore(%arg21 : memref<!tpu.dma_semaphore, #tpu.memory_space<semaphore_mem>>)
      %dma_start3A_202 = tpu.memref_slice %arg4[%add3A_199] : memref<320000xi32, #tpu.memory_space<hbm>> -> memref<80xi32, #tpu.memory_space<hbm>>
      %dma_start3A_203 = tpu.memref_slice %arg4[%add3A_199] : memref<320000xi32, #tpu.memory_space<hbm>> -> memref<80xi32, #tpu.memory_space<hbm>>
      tpu.enqueue_dma source(%dma_start3A_203 : memref<80xi32, #tpu.memory_space<hbm>>) target(%arg8 : memref<80xi32, #tpu.memory_space<vmem>>) target_semaphore(%arg22 : memref<!tpu.dma_semaphore, #tpu.memory_space<semaphore_mem>>)
      %dma_wait3A_204 = arith.constant 0 : i32
      %dma_wait3A_205 = tpu.memref_slice %arg3[%dma_wait3A_204] : memref<320000xi32, #tpu.memory_space<hbm>> -> memref<80xi32, #tpu.memory_space<hbm>>
      %dma_wait3A_206 = arith.constant 0 : i32
      %dma_wait3A_207 = tpu.memref_slice %arg3[%dma_wait3A_206] : memref<320000xi32, #tpu.memory_space<hbm>> -> memref<80xi32, #tpu.memory_space<hbm>>
      tpu.wait_dma2 semaphore(%arg21 : memref<!tpu.dma_semaphore, #tpu.memory_space<semaphore_mem>>) src(%dma_wait3A_207 : memref<80xi32, #tpu.memory_space<hbm>>) dst(%arg6 : memref<80xi32, #tpu.memory_space<vmem>>)
      %dma_wait3A_208 = arith.constant 0 : i32
      %dma_wait3A_209 = tpu.memref_slice %arg4[%dma_wait3A_208] : memref<320000xi32, #tpu.memory_space<hbm>> -> memref<80xi32, #tpu.memory_space<hbm>>
      %dma_wait3A_210 = arith.constant 0 : i32
      %dma_wait3A_211 = tpu.memref_slice %arg4[%dma_wait3A_210] : memref<320000xi32, #tpu.memory_space<hbm>> -> memref<80xi32, #tpu.memory_space<hbm>>
      tpu.wait_dma2 semaphore(%arg22 : memref<!tpu.dma_semaphore, #tpu.memory_space<semaphore_mem>>) src(%dma_wait3A_211 : memref<80xi32, #tpu.memory_space<hbm>>) dst(%arg8 : memref<80xi32, #tpu.memory_space<vmem>>)
      %dma_start3A_212 = arith.constant 0 : i32
      %dma_start3A_213 = arith.constant 0 : i32
      %dma_start3A_214 = tpu.memref_slice %arg2[%dma_start3A_212, %dma_start3A_213] : memref<10240x128xf32, #tpu.memory_space<hbm>> -> memref<10240x128xf32, #tpu.memory_space<hbm>>
      tpu.enqueue_indirect_dma source(%dma_start3A_214 : memref<10240x128xf32, #tpu.memory_space<hbm>>) target(%arg10 : memref<80x128xf32, #tpu.memory_space<vmem>>) offsets(%arg6 : memref<80xi32, #tpu.memory_space<vmem>>) semaphore(%arg15 : memref<!tpu.dma_semaphore, #tpu.memory_space<semaphore_mem>>)
      %dma_start3A_215 = arith.constant 0 : i32
      %dma_start3A_216 = arith.constant 0 : i32
      %dma_start3A_217 = tpu.memref_slice %arg2[%dma_start3A_215, %dma_start3A_216] : memref<10240x128xf32, #tpu.memory_space<hbm>> -> memref<10240x128xf32, #tpu.memory_space<hbm>>
      tpu.enqueue_indirect_dma source(%dma_start3A_217 : memref<10240x128xf32, #tpu.memory_space<hbm>>) target(%arg12 : memref<80x128xf32, #tpu.memory_space<vmem>>) offsets(%arg8 : memref<80xi32, #tpu.memory_space<vmem>>) semaphore(%arg17 : memref<!tpu.dma_semaphore, #tpu.memory_space<semaphore_mem>>)
      %parallel_loop3A_218 = arith.constant 0 : i32
      %parallel_loop3A_219 = arith.constant 80 : i32
      %parallel_loop3A_220 = arith.constant 1 : i32
      scf.for %parallel_loop3A_224 = %parallel_loop3A_218 to %parallel_loop3A_219 step %parallel_loop3A_220  : i32 {
        %parallel_loop3A_225 = arith.constant 0.000000e+00 : f32
        %parallel_loop3A_226 = vector.broadcast %parallel_loop3A_225 : f32 to vector<16xf32>
        %parallel_loop3A_227 = arith.index_cast %parallel_loop3A_224 : i32 to index
        %parallel_loop3A_228 = arith.constant 0 : index
        %parallel_loop3A_229 = tpu.vector_load %arg11[%parallel_loop3A_227, %parallel_loop3A_228] {strides = array<i32>} : memref<80x128xf32, #tpu.memory_space<vmem>>, vector<1x16xf32>,
        %parallel_loop3A_230 = vector.shape_cast %parallel_loop3A_229 : vector<1x16xf32> to vector<16xf32>
        %parallel_loop3A_231 = arith.index_cast %parallel_loop3A_224 : i32 to index
        %parallel_loop3A_232 = arith.constant 0 : index
        %parallel_loop3A_233 = tpu.vector_load %arg13[%parallel_loop3A_231, %parallel_loop3A_232] {strides = array<i32>} : memref<80x128xf32, #tpu.memory_space<vmem>>, vector<1x16xf32>,
        %parallel_loop3A_234 = vector.shape_cast %parallel_loop3A_233 : vector<1x16xf32> to vector<16xf32>
        %parallel_loop3A_235 = arith.mulf %parallel_loop3A_230, %parallel_loop3A_234 : vector<16xf32>
        %parallel_loop3A_236 = arith.addf %parallel_loop3A_226, %parallel_loop3A_235 : vector<16xf32>
        %parallel_loop3A_237 = arith.index_cast %parallel_loop3A_224 : i32 to index
        %parallel_loop3A_238 = arith.constant 16 : index
        %parallel_loop3A_239 = tpu.vector_load %arg11[%parallel_loop3A_237, %parallel_loop3A_238] {strides = array<i32>} : memref<80x128xf32, #tpu.memory_space<vmem>>, vector<1x16xf32>,
        %parallel_loop3A_240 = vector.shape_cast %parallel_loop3A_239 : vector<1x16xf32> to vector<16xf32>
        %parallel_loop3A_241 = arith.index_cast %parallel_loop3A_224 : i32 to index
        %parallel_loop3A_242 = arith.constant 16 : index
        %parallel_loop3A_243 = tpu.vector_load %arg13[%parallel_loop3A_241, %parallel_loop3A_242] {strides = array<i32>} : memref<80x128xf32, #tpu.memory_space<vmem>>, vector<1x16xf32>,
        %parallel_loop3A_244 = vector.shape_cast %parallel_loop3A_243 : vector<1x16xf32> to vector<16xf32>
        %parallel_loop3A_245 = arith.mulf %parallel_loop3A_240, %parallel_loop3A_244 : vector<16xf32>
        %parallel_loop3A_246 = arith.addf %parallel_loop3A_236, %parallel_loop3A_245 : vector<16xf32>
        %parallel_loop3A_247 = arith.index_cast %parallel_loop3A_224 : i32 to index
        %parallel_loop3A_248 = arith.constant 32 : index
        %parallel_loop3A_249 = tpu.vector_load %arg11[%parallel_loop3A_247, %parallel_loop3A_248] {strides = array<i32>} : memref<80x128xf32, #tpu.memory_space<vmem>>, vector<1x16xf32>,
        %parallel_loop3A_250 = vector.shape_cast %parallel_loop3A_249 : vector<1x16xf32> to vector<16xf32>
        %parallel_loop3A_251 = arith.index_cast %parallel_loop3A_224 : i32 to index
        %parallel_loop3A_252 = arith.constant 32 : index
        %parallel_loop3A_253 = tpu.vector_load %arg13[%parallel_loop3A_251, %parallel_loop3A_252] {strides = array<i32>} : memref<80x128xf32, #tpu.memory_space<vmem>>, vector<1x16xf32>,
        %parallel_loop3A_254 = vector.shape_cast %parallel_loop3A_253 : vector<1x16xf32> to vector<16xf32>
        %parallel_loop3A_255 = arith.mulf %parallel_loop3A_250, %parallel_loop3A_254 : vector<16xf32>
        %parallel_loop3A_256 = arith.addf %parallel_loop3A_246, %parallel_loop3A_255 : vector<16xf32>
        %parallel_loop3A_257 = arith.index_cast %parallel_loop3A_224 : i32 to index
        %parallel_loop3A_258 = arith.constant 48 : index
        %parallel_loop3A_259 = tpu.vector_load %arg11[%parallel_loop3A_257, %parallel_loop3A_258] {strides = array<i32>} : memref<80x128xf32, #tpu.memory_space<vmem>>, vector<1x16xf32>,
        %parallel_loop3A_260 = vector.shape_cast %parallel_loop3A_259 : vector<1x16xf32> to vector<16xf32>
        %parallel_loop3A_261 = arith.index_cast %parallel_loop3A_224 : i32 to index
        %parallel_loop3A_262 = arith.constant 48 : index
        %parallel_loop3A_263 = tpu.vector_load %arg13[%parallel_loop3A_261, %parallel_loop3A_262] {strides = array<i32>} : memref<80x128xf32, #tpu.memory_space<vmem>>, vector<1x16xf32>,
        %parallel_loop3A_264 = vector.shape_cast %parallel_loop3A_263 : vector<1x16xf32> to vector<16xf32>
        %parallel_loop3A_265 = arith.mulf %parallel_loop3A_260, %parallel_loop3A_264 : vector<16xf32>
        %parallel_loop3A_266 = arith.addf %parallel_loop3A_256, %parallel_loop3A_265 : vector<16xf32>
        %parallel_loop3A_267 = arith.index_cast %parallel_loop3A_224 : i32 to index
        %parallel_loop3A_268 = arith.constant 64 : index
        %parallel_loop3A_269 = tpu.vector_load %arg11[%parallel_loop3A_267, %parallel_loop3A_268] {strides = array<i32>} : memref<80x128xf32, #tpu.memory_space<vmem>>, vector<1x16xf32>,
        %parallel_loop3A_270 = vector.shape_cast %parallel_loop3A_269 : vector<1x16xf32> to vector<16xf32>
        %parallel_loop3A_271 = arith.index_cast %parallel_loop3A_224 : i32 to index
        %parallel_loop3A_272 = arith.constant 64 : index
        %parallel_loop3A_273 = tpu.vector_load %arg13[%parallel_loop3A_271, %parallel_loop3A_272] {strides = array<i32>} : memref<80x128xf32, #tpu.memory_space<vmem>>, vector<1x16xf32>,
        %parallel_loop3A_274 = vector.shape_cast %parallel_loop3A_273 : vector<1x16xf32> to vector<16xf32>
        %parallel_loop3A_275 = arith.mulf %parallel_loop3A_270, %parallel_loop3A_274 : vector<16xf32>
        %parallel_loop3A_276 = arith.addf %parallel_loop3A_266, %parallel_loop3A_275 : vector<16xf32>
        %parallel_loop3A_277 = arith.index_cast %parallel_loop3A_224 : i32 to index
        %parallel_loop3A_278 = arith.constant 80 : index
        %parallel_loop3A_279 = tpu.vector_load %arg11[%parallel_loop3A_277, %parallel_loop3A_278] {strides = array<i32>} : memref<80x128xf32, #tpu.memory_space<vmem>>, vector<1x16xf32>,
        %parallel_loop3A_280 = vector.shape_cast %parallel_loop3A_279 : vector<1x16xf32> to vector<16xf32>
        %parallel_loop3A_281 = arith.index_cast %parallel_loop3A_224 : i32 to index
        %parallel_loop3A_282 = arith.constant 80 : index
        %parallel_loop3A_283 = tpu.vector_load %arg13[%parallel_loop3A_281, %parallel_loop3A_282] {strides = array<i32>} : memref<80x128xf32, #tpu.memory_space<vmem>>, vector<1x16xf32>,
        %parallel_loop3A_284 = vector.shape_cast %parallel_loop3A_283 : vector<1x16xf32> to vector<16xf32>
        %parallel_loop3A_285 = arith.mulf %parallel_loop3A_280, %parallel_loop3A_284 : vector<16xf32>
        %parallel_loop3A_286 = arith.addf %parallel_loop3A_276, %parallel_loop3A_285 : vector<16xf32>
        %parallel_loop3A_287 = arith.index_cast %parallel_loop3A_224 : i32 to index
        %parallel_loop3A_288 = arith.constant 96 : index
        %parallel_loop3A_289 = tpu.vector_load %arg11[%parallel_loop3A_287, %parallel_loop3A_288] {strides = array<i32>} : memref<80x128xf32, #tpu.memory_space<vmem>>, vector<1x16xf32>,
        %parallel_loop3A_290 = vector.shape_cast %parallel_loop3A_289 : vector<1x16xf32> to vector<16xf32>
        %parallel_loop3A_291 = arith.index_cast %parallel_loop3A_224 : i32 to index
        %parallel_loop3A_292 = arith.constant 96 : index
        %parallel_loop3A_293 = tpu.vector_load %arg13[%parallel_loop3A_291, %parallel_loop3A_292] {strides = array<i32>} : memref<80x128xf32, #tpu.memory_space<vmem>>, vector<1x16xf32>,
        %parallel_loop3A_294 = vector.shape_cast %parallel_loop3A_293 : vector<1x16xf32> to vector<16xf32>
        %parallel_loop3A_295 = arith.mulf %parallel_loop3A_290, %parallel_loop3A_294 : vector<16xf32>
        %parallel_loop3A_296 = arith.addf %parallel_loop3A_286, %parallel_loop3A_295 : vector<16xf32>
        %parallel_loop3A_297 = arith.index_cast %parallel_loop3A_224 : i32 to index
        %parallel_loop3A_298 = arith.constant 112 : index
        %parallel_loop3A_299 = tpu.vector_load %arg11[%parallel_loop3A_297, %parallel_loop3A_298] {strides = array<i32>} : memref<80x128xf32, #tpu.memory_space<vmem>>, vector<1x16xf32>,
        %parallel_loop3A_300 = vector.shape_cast %parallel_loop3A_299 : vector<1x16xf32> to vector<16xf32>
        %parallel_loop3A_301 = arith.index_cast %parallel_loop3A_224 : i32 to index
        %parallel_loop3A_302 = arith.constant 112 : index
        %parallel_loop3A_303 = tpu.vector_load %arg13[%parallel_loop3A_301, %parallel_loop3A_302] {strides = array<i32>} : memref<80x128xf32, #tpu.memory_space<vmem>>, vector<1x16xf32>,
        %parallel_loop3A_304 = vector.shape_cast %parallel_loop3A_303 : vector<1x16xf32> to vector<16xf32>
        %parallel_loop3A_305 = arith.mulf %parallel_loop3A_300, %parallel_loop3A_304 : vector<16xf32>
        %parallel_loop3A_306 = arith.addf %parallel_loop3A_296, %parallel_loop3A_305 : vector<16xf32>
        %parallel_loop3A_307 = arith.constant 8 : i32
        %parallel_loop3A_308 = vector.broadcast %parallel_loop3A_307 : i32 to vector<16xi32>
        %parallel_loop3A_309 = arith.xori %iota3A, %parallel_loop3A_308 : vector<16xi32>
        %parallel_loop3A_310 = vector.shape_cast %parallel_loop3A_309 : vector<16xi32> to vector<16x1xi32>
        %parallel_loop3A_311 = vector.shape_cast %parallel_loop3A_310 : vector<16x1xi32> to vector<16xi32>
        %parallel_loop3A_312 = tpu.dynamic_gather %parallel_loop3A_306[%parallel_loop3A_311] in [0] : vector<16xf32>, vector<16xi32> -> vector<16xf32>
        %parallel_loop3A_313 = arith.addf %parallel_loop3A_306, %parallel_loop3A_312 : vector<16xf32>
        %parallel_loop3A_314 = arith.constant 4 : i32
        %parallel_loop3A_315 = vector.broadcast %parallel_loop3A_314 : i32 to vector<16xi32>
        %parallel_loop3A_316 = arith.xori %iota3A, %parallel_loop3A_315 : vector<16xi32>
        %parallel_loop3A_317 = vector.shape_cast %parallel_loop3A_316 : vector<16xi32> to vector<16x1xi32>
        %parallel_loop3A_318 = vector.shape_cast %parallel_loop3A_317 : vector<16x1xi32> to vector<16xi32>
        %parallel_loop3A_319 = tpu.dynamic_gather %parallel_loop3A_313[%parallel_loop3A_318] in [0] : vector<16xf32>, vector<16xi32> -> vector<16xf32>
        %parallel_loop3A_320 = arith.addf %parallel_loop3A_313, %parallel_loop3A_319 : vector<16xf32>
        %parallel_loop3A_321 = arith.constant 2 : i32
        %parallel_loop3A_322 = vector.broadcast %parallel_loop3A_321 : i32 to vector<16xi32>
        %parallel_loop3A_323 = arith.xori %iota3A, %parallel_loop3A_322 : vector<16xi32>
        %parallel_loop3A_324 = vector.shape_cast %parallel_loop3A_323 : vector<16xi32> to vector<16x1xi32>
        %parallel_loop3A_325 = vector.shape_cast %parallel_loop3A_324 : vector<16x1xi32> to vector<16xi32>
        %parallel_loop3A_326 = tpu.dynamic_gather %parallel_loop3A_320[%parallel_loop3A_325] in [0] : vector<16xf32>, vector<16xi32> -> vector<16xf32>
        %parallel_loop3A_327 = arith.addf %parallel_loop3A_320, %parallel_loop3A_326 : vector<16xf32>
        %parallel_loop3A_328 = arith.constant 1 : i32
        %parallel_loop3A_329 = vector.broadcast %parallel_loop3A_328 : i32 to vector<16xi32>
        %parallel_loop3A_330 = arith.xori %iota3A, %parallel_loop3A_329 : vector<16xi32>
        %parallel_loop3A_331 = vector.shape_cast %parallel_loop3A_330 : vector<16xi32> to vector<16x1xi32>
        %parallel_loop3A_332 = vector.shape_cast %parallel_loop3A_331 : vector<16x1xi32> to vector<16xi32>
        %parallel_loop3A_333 = tpu.dynamic_gather %parallel_loop3A_327[%parallel_loop3A_332] in [0] : vector<16xf32>, vector<16xi32> -> vector<16xf32>
        %parallel_loop3A_334 = arith.addf %parallel_loop3A_327, %parallel_loop3A_333 : vector<16xf32>
        %parallel_loop3A_335 = arith.mulf %parallel_loop3A_230, %parallel_loop3A_334 : vector<16xf32>
        %parallel_loop3A_336 = arith.index_cast %parallel_loop3A_224 : i32 to index
        %parallel_loop3A_337 = arith.constant 0 : index
        %parallel_loop3A_338 = tpu.vector_load %arg11[%parallel_loop3A_336, %parallel_loop3A_337] {strides = array<i32>} : memref<80x128xf32, #tpu.memory_space<vmem>>, vector<1x16xf32>,
        %parallel_loop3A_339 = vector.shape_cast %parallel_loop3A_338 : vector<1x16xf32> to vector<16xf32>
        %parallel_loop3A_340 = vector.shape_cast %parallel_loop3A_335 : vector<16xf32> to vector<1x16xf32>
        tpu.vector_store %arg11[%parallel_loop3A_336, %parallel_loop3A_337], %parallel_loop3A_340 {strides = array<i32>} : memref<80x128xf32, #tpu.memory_space<vmem>>, vector<1x16xf32>,
        %parallel_loop3A_341 = arith.mulf %parallel_loop3A_240, %parallel_loop3A_334 : vector<16xf32>
        %parallel_loop3A_342 = arith.index_cast %parallel_loop3A_224 : i32 to index
        %parallel_loop3A_343 = arith.constant 16 : index
        %parallel_loop3A_344 = tpu.vector_load %arg11[%parallel_loop3A_342, %parallel_loop3A_343] {strides = array<i32>} : memref<80x128xf32, #tpu.memory_space<vmem>>, vector<1x16xf32>,
        %parallel_loop3A_345 = vector.shape_cast %parallel_loop3A_344 : vector<1x16xf32> to vector<16xf32>
        %parallel_loop3A_346 = vector.shape_cast %parallel_loop3A_341 : vector<16xf32> to vector<1x16xf32>
        tpu.vector_store %arg11[%parallel_loop3A_342, %parallel_loop3A_343], %parallel_loop3A_346 {strides = array<i32>} : memref<80x128xf32, #tpu.memory_space<vmem>>, vector<1x16xf32>,
        %parallel_loop3A_347 = arith.mulf %parallel_loop3A_250, %parallel_loop3A_334 : vector<16xf32>
        %parallel_loop3A_348 = arith.index_cast %parallel_loop3A_224 : i32 to index
        %parallel_loop3A_349 = arith.constant 32 : index
        %parallel_loop3A_350 = tpu.vector_load %arg11[%parallel_loop3A_348, %parallel_loop3A_349] {strides = array<i32>} : memref<80x128xf32, #tpu.memory_space<vmem>>, vector<1x16xf32>,
        %parallel_loop3A_351 = vector.shape_cast %parallel_loop3A_350 : vector<1x16xf32> to vector<16xf32>
        %parallel_loop3A_352 = vector.shape_cast %parallel_loop3A_347 : vector<16xf32> to vector<1x16xf32>
        tpu.vector_store %arg11[%parallel_loop3A_348, %parallel_loop3A_349], %parallel_loop3A_352 {strides = array<i32>} : memref<80x128xf32, #tpu.memory_space<vmem>>, vector<1x16xf32>,
        %parallel_loop3A_353 = arith.mulf %parallel_loop3A_260, %parallel_loop3A_334 : vector<16xf32>
        %parallel_loop3A_354 = arith.index_cast %parallel_loop3A_224 : i32 to index
        %parallel_loop3A_355 = arith.constant 48 : index
        %parallel_loop3A_356 = tpu.vector_load %arg11[%parallel_loop3A_354, %parallel_loop3A_355] {strides = array<i32>} : memref<80x128xf32, #tpu.memory_space<vmem>>, vector<1x16xf32>,
        %parallel_loop3A_357 = vector.shape_cast %parallel_loop3A_356 : vector<1x16xf32> to vector<16xf32>
        %parallel_loop3A_358 = vector.shape_cast %parallel_loop3A_353 : vector<16xf32> to vector<1x16xf32>
        tpu.vector_store %arg11[%parallel_loop3A_354, %parallel_loop3A_355], %parallel_loop3A_358 {strides = array<i32>} : memref<80x128xf32, #tpu.memory_space<vmem>>, vector<1x16xf32>,
        %parallel_loop3A_359 = arith.mulf %parallel_loop3A_270, %parallel_loop3A_334 : vector<16xf32>
        %parallel_loop3A_360 = arith.index_cast %parallel_loop3A_224 : i32 to index
        %parallel_loop3A_361 = arith.constant 64 : index
        %parallel_loop3A_362 = tpu.vector_load %arg11[%parallel_loop3A_360, %parallel_loop3A_361] {strides = array<i32>} : memref<80x128xf32, #tpu.memory_space<vmem>>, vector<1x16xf32>,
        %parallel_loop3A_363 = vector.shape_cast %parallel_loop3A_362 : vector<1x16xf32> to vector<16xf32>
        %parallel_loop3A_364 = vector.shape_cast %parallel_loop3A_359 : vector<16xf32> to vector<1x16xf32>
        tpu.vector_store %arg11[%parallel_loop3A_360, %parallel_loop3A_361], %parallel_loop3A_364 {strides = array<i32>} : memref<80x128xf32, #tpu.memory_space<vmem>>, vector<1x16xf32>,
        %parallel_loop3A_365 = arith.mulf %parallel_loop3A_280, %parallel_loop3A_334 : vector<16xf32>
        %parallel_loop3A_366 = arith.index_cast %parallel_loop3A_224 : i32 to index
        %parallel_loop3A_367 = arith.constant 80 : index
        %parallel_loop3A_368 = tpu.vector_load %arg11[%parallel_loop3A_366, %parallel_loop3A_367] {strides = array<i32>} : memref<80x128xf32, #tpu.memory_space<vmem>>, vector<1x16xf32>,
        %parallel_loop3A_369 = vector.shape_cast %parallel_loop3A_368 : vector<1x16xf32> to vector<16xf32>
        %parallel_loop3A_370 = vector.shape_cast %parallel_loop3A_365 : vector<16xf32> to vector<1x16xf32>
        tpu.vector_store %arg11[%parallel_loop3A_366, %parallel_loop3A_367], %parallel_loop3A_370 {strides = array<i32>} : memref<80x128xf32, #tpu.memory_space<vmem>>, vector<1x16xf32>,
        %parallel_loop3A_371 = arith.mulf %parallel_loop3A_290, %parallel_loop3A_334 : vector<16xf32>
        %parallel_loop3A_372 = arith.index_cast %parallel_loop3A_224 : i32 to index
        %parallel_loop3A_373 = arith.constant 96 : index
        %parallel_loop3A_374 = tpu.vector_load %arg11[%parallel_loop3A_372, %parallel_loop3A_373] {strides = array<i32>} : memref<80x128xf32, #tpu.memory_space<vmem>>, vector<1x16xf32>,
        %parallel_loop3A_375 = vector.shape_cast %parallel_loop3A_374 : vector<1x16xf32> to vector<16xf32>
        %parallel_loop3A_376 = vector.shape_cast %parallel_loop3A_371 : vector<16xf32> to vector<1x16xf32>
        tpu.vector_store %arg11[%parallel_loop3A_372, %parallel_loop3A_373], %parallel_loop3A_376 {strides = array<i32>} : memref<80x128xf32, #tpu.memory_space<vmem>>, vector<1x16xf32>,
        %parallel_loop3A_377 = arith.mulf %parallel_loop3A_300, %parallel_loop3A_334 : vector<16xf32>
        %parallel_loop3A_378 = arith.index_cast %parallel_loop3A_224 : i32 to index
        %parallel_loop3A_379 = arith.constant 112 : index
        %parallel_loop3A_380 = tpu.vector_load %arg11[%parallel_loop3A_378, %parallel_loop3A_379] {strides = array<i32>} : memref<80x128xf32, #tpu.memory_space<vmem>>, vector<1x16xf32>,
        %parallel_loop3A_381 = vector.shape_cast %parallel_loop3A_380 : vector<1x16xf32> to vector<16xf32>
        %parallel_loop3A_382 = vector.shape_cast %parallel_loop3A_377 : vector<16xf32> to vector<1x16xf32>
        tpu.vector_store %arg11[%parallel_loop3A_378, %parallel_loop3A_379], %parallel_loop3A_382 {strides = array<i32>} : memref<80x128xf32, #tpu.memory_space<vmem>>, vector<1x16xf32>,
      } {sc.loop_unroll_factor = 2 : i64, sc.parallel_access}
      %dma_start3A_221 = arith.constant 0 : i32
      %dma_start3A_222 = arith.constant 0 : i32
      %dma_start3A_223 = tpu.memref_slice %arg14[%dma_start3A_221, %dma_start3A_222] : memref<10240x128xf32, #tpu.memory_space<vmem_shared>> -> memref<10240x128xf32, #tpu.memory_space<vmem_shared>>
      tpu.enqueue_indirect_dma source(%arg11 : memref<80x128xf32, #tpu.memory_space<vmem>>) target(%dma_start3A_223 : memref<10240x128xf32, #tpu.memory_space<vmem_shared>>) offsets(%arg9 : memref<80xi32, #tpu.memory_space<vmem>>) semaphore(%arg20 : memref<!tpu.dma_semaphore, #tpu.memory_space<semaphore_mem>>) {add = true}
    }
    %scan3A_119 = arith.constant 61 : i32
    %dma_wait3A_120 = arith.constant 0 : i32
    %dma_wait3A_121 = arith.constant 0 : i32
    %dma_wait3A_122 = tpu.memref_slice %arg2[%dma_wait3A_120, %dma_wait3A_121] : memref<10240x128xf32, #tpu.memory_space<hbm>> -> memref<10240x128xf32, #tpu.memory_space<hbm>>
    tpu.wait_indirect_dma semaphore(%arg15 : memref<!tpu.dma_semaphore, #tpu.memory_space<semaphore_mem>>) src(%dma_wait3A_122 : memref<10240x128xf32, #tpu.memory_space<hbm>>) dst(%arg10 : memref<80x128xf32, #tpu.memory_space<vmem>>)
    %dma_wait3A_123 = arith.constant 0 : i32
    %dma_wait3A_124 = arith.constant 0 : i32
    %dma_wait3A_125 = tpu.memref_slice %arg2[%dma_wait3A_123, %dma_wait3A_124] : memref<10240x128xf32, #tpu.memory_space<hbm>> -> memref<10240x128xf32, #tpu.memory_space<hbm>>
    tpu.wait_indirect_dma semaphore(%arg17 : memref<!tpu.dma_semaphore, #tpu.memory_space<semaphore_mem>>) src(%dma_wait3A_125 : memref<10240x128xf32, #tpu.memory_space<hbm>>) dst(%arg12 : memref<80x128xf32, #tpu.memory_space<vmem>>)
    %dma_wait3A_126 = arith.constant 0 : i32
    %dma_wait3A_127 = arith.constant 0 : i32
    %dma_wait3A_128 = tpu.memref_slice %arg14[%dma_wait3A_126, %dma_wait3A_127] : memref<10240x128xf32, #tpu.memory_space<vmem_shared>> -> memref<10240x128xf32, #tpu.memory_space<vmem_shared>>
    tpu.wait_indirect_dma semaphore(%arg20 : memref<!tpu.dma_semaphore, #tpu.memory_space<semaphore_mem>>) src(%arg11 : memref<80x128xf32, #tpu.memory_space<vmem>>) dst(%dma_wait3A_128 : memref<10240x128xf32, #tpu.memory_space<vmem_shared>>)
    %parallel_loop3A_129 = arith.constant 0 : i32
    %parallel_loop3A_130 = arith.constant 80 : i32
    %parallel_loop3A_131 = arith.constant 1 : i32
    scf.for %parallel_loop3A_139 = %parallel_loop3A_129 to %parallel_loop3A_130 step %parallel_loop3A_131  : i32 {
      %parallel_loop3A_140 = arith.constant 0.000000e+00 : f32
      %parallel_loop3A_141 = vector.broadcast %parallel_loop3A_140 : f32 to vector<16xf32>
      %parallel_loop3A_142 = arith.index_cast %parallel_loop3A_139 : i32 to index
      %parallel_loop3A_143 = arith.constant 0 : index
      %parallel_loop3A_144 = tpu.vector_load %arg10[%parallel_loop3A_142, %parallel_loop3A_143] {strides = array<i32>} : memref<80x128xf32, #tpu.memory_space<vmem>>, vector<1x16xf32>,
      %parallel_loop3A_145 = vector.shape_cast %parallel_loop3A_144 : vector<1x16xf32> to vector<16xf32>
      %parallel_loop3A_146 = arith.index_cast %parallel_loop3A_139 : i32 to index
      %parallel_loop3A_147 = arith.constant 0 : index
      %parallel_loop3A_148 = tpu.vector_load %arg12[%parallel_loop3A_146, %parallel_loop3A_147] {strides = array<i32>} : memref<80x128xf32, #tpu.memory_space<vmem>>, vector<1x16xf32>,
      %parallel_loop3A_149 = vector.shape_cast %parallel_loop3A_148 : vector<1x16xf32> to vector<16xf32>
      %parallel_loop3A_150 = arith.mulf %parallel_loop3A_145, %parallel_loop3A_149 : vector<16xf32>
      %parallel_loop3A_151 = arith.addf %parallel_loop3A_141, %parallel_loop3A_150 : vector<16xf32>
      %parallel_loop3A_152 = arith.index_cast %parallel_loop3A_139 : i32 to index
      %parallel_loop3A_153 = arith.constant 16 : index
      %parallel_loop3A_154 = tpu.vector_load %arg10[%parallel_loop3A_152, %parallel_loop3A_153] {strides = array<i32>} : memref<80x128xf32, #tpu.memory_space<vmem>>, vector<1x16xf32>,
      %parallel_loop3A_155 = vector.shape_cast %parallel_loop3A_154 : vector<1x16xf32> to vector<16xf32>
      %parallel_loop3A_156 = arith.index_cast %parallel_loop3A_139 : i32 to index
      %parallel_loop3A_157 = arith.constant 16 : index
      %parallel_loop3A_158 = tpu.vector_load %arg12[%parallel_loop3A_156, %parallel_loop3A_157] {strides = array<i32>} : memref<80x128xf32, #tpu.memory_space<vmem>>, vector<1x16xf32>,
      %parallel_loop3A_159 = vector.shape_cast %parallel_loop3A_158 : vector<1x16xf32> to vector<16xf32>
      %parallel_loop3A_160 = arith.mulf %parallel_loop3A_155, %parallel_loop3A_159 : vector<16xf32>
      %parallel_loop3A_161 = arith.addf %parallel_loop3A_151, %parallel_loop3A_160 : vector<16xf32>
      %parallel_loop3A_162 = arith.index_cast %parallel_loop3A_139 : i32 to index
      %parallel_loop3A_163 = arith.constant 32 : index
      %parallel_loop3A_164 = tpu.vector_load %arg10[%parallel_loop3A_162, %parallel_loop3A_163] {strides = array<i32>} : memref<80x128xf32, #tpu.memory_space<vmem>>, vector<1x16xf32>,
      %parallel_loop3A_165 = vector.shape_cast %parallel_loop3A_164 : vector<1x16xf32> to vector<16xf32>
      %parallel_loop3A_166 = arith.index_cast %parallel_loop3A_139 : i32 to index
      %parallel_loop3A_167 = arith.constant 32 : index
      %parallel_loop3A_168 = tpu.vector_load %arg12[%parallel_loop3A_166, %parallel_loop3A_167] {strides = array<i32>} : memref<80x128xf32, #tpu.memory_space<vmem>>, vector<1x16xf32>,
      %parallel_loop3A_169 = vector.shape_cast %parallel_loop3A_168 : vector<1x16xf32> to vector<16xf32>
      %parallel_loop3A_170 = arith.mulf %parallel_loop3A_165, %parallel_loop3A_169 : vector<16xf32>
      %parallel_loop3A_171 = arith.addf %parallel_loop3A_161, %parallel_loop3A_170 : vector<16xf32>
      %parallel_loop3A_172 = arith.index_cast %parallel_loop3A_139 : i32 to index
      %parallel_loop3A_173 = arith.constant 48 : index
      %parallel_loop3A_174 = tpu.vector_load %arg10[%parallel_loop3A_172, %parallel_loop3A_173] {strides = array<i32>} : memref<80x128xf32, #tpu.memory_space<vmem>>, vector<1x16xf32>,
      %parallel_loop3A_175 = vector.shape_cast %parallel_loop3A_174 : vector<1x16xf32> to vector<16xf32>
      %parallel_loop3A_176 = arith.index_cast %parallel_loop3A_139 : i32 to index
      %parallel_loop3A_177 = arith.constant 48 : index
      %parallel_loop3A_178 = tpu.vector_load %arg12[%parallel_loop3A_176, %parallel_loop3A_177] {strides = array<i32>} : memref<80x128xf32, #tpu.memory_space<vmem>>, vector<1x16xf32>,
      %parallel_loop3A_179 = vector.shape_cast %parallel_loop3A_178 : vector<1x16xf32> to vector<16xf32>
      %parallel_loop3A_180 = arith.mulf %parallel_loop3A_175, %parallel_loop3A_179 : vector<16xf32>
      %parallel_loop3A_181 = arith.addf %parallel_loop3A_171, %parallel_loop3A_180 : vector<16xf32>
      %parallel_loop3A_182 = arith.index_cast %parallel_loop3A_139 : i32 to index
      %parallel_loop3A_183 = arith.constant 64 : index
      %parallel_loop3A_184 = tpu.vector_load %arg10[%parallel_loop3A_182, %parallel_loop3A_183] {strides = array<i32>} : memref<80x128xf32, #tpu.memory_space<vmem>>, vector<1x16xf32>,
      %parallel_loop3A_185 = vector.shape_cast %parallel_loop3A_184 : vector<1x16xf32> to vector<16xf32>
      %parallel_loop3A_186 = arith.index_cast %parallel_loop3A_139 : i32 to index
      %parallel_loop3A_187 = arith.constant 64 : index
      %parallel_loop3A_188 = tpu.vector_load %arg12[%parallel_loop3A_186, %parallel_loop3A_187] {strides = array<i32>} : memref<80x128xf32, #tpu.memory_space<vmem>>, vector<1x16xf32>,
      %parallel_loop3A_189 = vector.shape_cast %parallel_loop3A_188 : vector<1x16xf32> to vector<16xf32>
      %parallel_loop3A_190 = arith.mulf %parallel_loop3A_185, %parallel_loop3A_189 : vector<16xf32>
      %parallel_loop3A_191 = arith.addf %parallel_loop3A_181, %parallel_loop3A_190 : vector<16xf32>
      %parallel_loop3A_192 = arith.index_cast %parallel_loop3A_139 : i32 to index
      %parallel_loop3A_193 = arith.constant 80 : index
      %parallel_loop3A_194 = tpu.vector_load %arg10[%parallel_loop3A_192, %parallel_loop3A_193] {strides = array<i32>} : memref<80x128xf32, #tpu.memory_space<vmem>>, vector<1x16xf32>,
      %parallel_loop3A_195 = vector.shape_cast %parallel_loop3A_194 : vector<1x16xf32> to vector<16xf32>
      %parallel_loop3A_196 = arith.index_cast %parallel_loop3A_139 : i32 to index
      %parallel_loop3A_197 = arith.constant 80 : index
      %parallel_loop3A_198 = tpu.vector_load %arg12[%parallel_loop3A_196, %parallel_loop3A_197] {strides = array<i32>} : memref<80x128xf32, #tpu.memory_space<vmem>>, vector<1x16xf32>,
      %parallel_loop3A_199 = vector.shape_cast %parallel_loop3A_198 : vector<1x16xf32> to vector<16xf32>
      %parallel_loop3A_200 = arith.mulf %parallel_loop3A_195, %parallel_loop3A_199 : vector<16xf32>
      %parallel_loop3A_201 = arith.addf %parallel_loop3A_191, %parallel_loop3A_200 : vector<16xf32>
      %parallel_loop3A_202 = arith.index_cast %parallel_loop3A_139 : i32 to index
      %parallel_loop3A_203 = arith.constant 96 : index
      %parallel_loop3A_204 = tpu.vector_load %arg10[%parallel_loop3A_202, %parallel_loop3A_203] {strides = array<i32>} : memref<80x128xf32, #tpu.memory_space<vmem>>, vector<1x16xf32>,
      %parallel_loop3A_205 = vector.shape_cast %parallel_loop3A_204 : vector<1x16xf32> to vector<16xf32>
      %parallel_loop3A_206 = arith.index_cast %parallel_loop3A_139 : i32 to index
      %parallel_loop3A_207 = arith.constant 96 : index
      %parallel_loop3A_208 = tpu.vector_load %arg12[%parallel_loop3A_206, %parallel_loop3A_207] {strides = array<i32>} : memref<80x128xf32, #tpu.memory_space<vmem>>, vector<1x16xf32>,
      %parallel_loop3A_209 = vector.shape_cast %parallel_loop3A_208 : vector<1x16xf32> to vector<16xf32>
      %parallel_loop3A_210 = arith.mulf %parallel_loop3A_205, %parallel_loop3A_209 : vector<16xf32>
      %parallel_loop3A_211 = arith.addf %parallel_loop3A_201, %parallel_loop3A_210 : vector<16xf32>
      %parallel_loop3A_212 = arith.index_cast %parallel_loop3A_139 : i32 to index
      %parallel_loop3A_213 = arith.constant 112 : index
      %parallel_loop3A_214 = tpu.vector_load %arg10[%parallel_loop3A_212, %parallel_loop3A_213] {strides = array<i32>} : memref<80x128xf32, #tpu.memory_space<vmem>>, vector<1x16xf32>,
      %parallel_loop3A_215 = vector.shape_cast %parallel_loop3A_214 : vector<1x16xf32> to vector<16xf32>
      %parallel_loop3A_216 = arith.index_cast %parallel_loop3A_139 : i32 to index
      %parallel_loop3A_217 = arith.constant 112 : index
      %parallel_loop3A_218 = tpu.vector_load %arg12[%parallel_loop3A_216, %parallel_loop3A_217] {strides = array<i32>} : memref<80x128xf32, #tpu.memory_space<vmem>>, vector<1x16xf32>,
      %parallel_loop3A_219 = vector.shape_cast %parallel_loop3A_218 : vector<1x16xf32> to vector<16xf32>
      %parallel_loop3A_220 = arith.mulf %parallel_loop3A_215, %parallel_loop3A_219 : vector<16xf32>
      %parallel_loop3A_221 = arith.addf %parallel_loop3A_211, %parallel_loop3A_220 : vector<16xf32>
      %parallel_loop3A_222 = arith.constant 8 : i32
      %parallel_loop3A_223 = vector.broadcast %parallel_loop3A_222 : i32 to vector<16xi32>
      %parallel_loop3A_224 = arith.xori %iota3A, %parallel_loop3A_223 : vector<16xi32>
      %parallel_loop3A_225 = vector.shape_cast %parallel_loop3A_224 : vector<16xi32> to vector<16x1xi32>
      %parallel_loop3A_226 = vector.shape_cast %parallel_loop3A_225 : vector<16x1xi32> to vector<16xi32>
      %parallel_loop3A_227 = tpu.dynamic_gather %parallel_loop3A_221[%parallel_loop3A_226] in [0] : vector<16xf32>, vector<16xi32> -> vector<16xf32>
      %parallel_loop3A_228 = arith.addf %parallel_loop3A_221, %parallel_loop3A_227 : vector<16xf32>
      %parallel_loop3A_229 = arith.constant 4 : i32
      %parallel_loop3A_230 = vector.broadcast %parallel_loop3A_229 : i32 to vector<16xi32>
      %parallel_loop3A_231 = arith.xori %iota3A, %parallel_loop3A_230 : vector<16xi32>
      %parallel_loop3A_232 = vector.shape_cast %parallel_loop3A_231 : vector<16xi32> to vector<16x1xi32>
      %parallel_loop3A_233 = vector.shape_cast %parallel_loop3A_232 : vector<16x1xi32> to vector<16xi32>
      %parallel_loop3A_234 = tpu.dynamic_gather %parallel_loop3A_228[%parallel_loop3A_233] in [0] : vector<16xf32>, vector<16xi32> -> vector<16xf32>
      %parallel_loop3A_235 = arith.addf %parallel_loop3A_228, %parallel_loop3A_234 : vector<16xf32>
      %parallel_loop3A_236 = arith.constant 2 : i32
      %parallel_loop3A_237 = vector.broadcast %parallel_loop3A_236 : i32 to vector<16xi32>
      %parallel_loop3A_238 = arith.xori %iota3A, %parallel_loop3A_237 : vector<16xi32>
      %parallel_loop3A_239 = vector.shape_cast %parallel_loop3A_238 : vector<16xi32> to vector<16x1xi32>
      %parallel_loop3A_240 = vector.shape_cast %parallel_loop3A_239 : vector<16x1xi32> to vector<16xi32>
      %parallel_loop3A_241 = tpu.dynamic_gather %parallel_loop3A_235[%parallel_loop3A_240] in [0] : vector<16xf32>, vector<16xi32> -> vector<16xf32>
      %parallel_loop3A_242 = arith.addf %parallel_loop3A_235, %parallel_loop3A_241 : vector<16xf32>
      %parallel_loop3A_243 = arith.constant 1 : i32
      %parallel_loop3A_244 = vector.broadcast %parallel_loop3A_243 : i32 to vector<16xi32>
      %parallel_loop3A_245 = arith.xori %iota3A, %parallel_loop3A_244 : vector<16xi32>
      %parallel_loop3A_246 = vector.shape_cast %parallel_loop3A_245 : vector<16xi32> to vector<16x1xi32>
      %parallel_loop3A_247 = vector.shape_cast %parallel_loop3A_246 : vector<16x1xi32> to vector<16xi32>
      %parallel_loop3A_248 = tpu.dynamic_gather %parallel_loop3A_242[%parallel_loop3A_247] in [0] : vector<16xf32>, vector<16xi32> -> vector<16xf32>
      %parallel_loop3A_249 = arith.addf %parallel_loop3A_242, %parallel_loop3A_248 : vector<16xf32>
      %parallel_loop3A_250 = arith.mulf %parallel_loop3A_145, %parallel_loop3A_249 : vector<16xf32>
      %parallel_loop3A_251 = arith.index_cast %parallel_loop3A_139 : i32 to index
      %parallel_loop3A_252 = arith.constant 0 : index
      %parallel_loop3A_253 = tpu.vector_load %arg10[%parallel_loop3A_251, %parallel_loop3A_252] {strides = array<i32>} : memref<80x128xf32, #tpu.memory_space<vmem>>, vector<1x16xf32>,
      %parallel_loop3A_254 = vector.shape_cast %parallel_loop3A_253 : vector<1x16xf32> to vector<16xf32>
      %parallel_loop3A_255 = vector.shape_cast %parallel_loop3A_250 : vector<16xf32> to vector<1x16xf32>
      tpu.vector_store %arg10[%parallel_loop3A_251, %parallel_loop3A_252], %parallel_loop3A_255 {strides = array<i32>} : memref<80x128xf32, #tpu.memory_space<vmem>>, vector<1x16xf32>,
      %parallel_loop3A_256 = arith.mulf %parallel_loop3A_155, %parallel_loop3A_249 : vector<16xf32>
      %parallel_loop3A_257 = arith.index_cast %parallel_loop3A_139 : i32 to index
      %parallel_loop3A_258 = arith.constant 16 : index
      %parallel_loop3A_259 = tpu.vector_load %arg10[%parallel_loop3A_257, %parallel_loop3A_258] {strides = array<i32>} : memref<80x128xf32, #tpu.memory_space<vmem>>, vector<1x16xf32>,
      %parallel_loop3A_260 = vector.shape_cast %parallel_loop3A_259 : vector<1x16xf32> to vector<16xf32>
      %parallel_loop3A_261 = vector.shape_cast %parallel_loop3A_256 : vector<16xf32> to vector<1x16xf32>
      tpu.vector_store %arg10[%parallel_loop3A_257, %parallel_loop3A_258], %parallel_loop3A_261 {strides = array<i32>} : memref<80x128xf32, #tpu.memory_space<vmem>>, vector<1x16xf32>,
      %parallel_loop3A_262 = arith.mulf %parallel_loop3A_165, %parallel_loop3A_249 : vector<16xf32>
      %parallel_loop3A_263 = arith.index_cast %parallel_loop3A_139 : i32 to index
      %parallel_loop3A_264 = arith.constant 32 : index
      %parallel_loop3A_265 = tpu.vector_load %arg10[%parallel_loop3A_263, %parallel_loop3A_264] {strides = array<i32>} : memref<80x128xf32, #tpu.memory_space<vmem>>, vector<1x16xf32>,
      %parallel_loop3A_266 = vector.shape_cast %parallel_loop3A_265 : vector<1x16xf32> to vector<16xf32>
      %parallel_loop3A_267 = vector.shape_cast %parallel_loop3A_262 : vector<16xf32> to vector<1x16xf32>
      tpu.vector_store %arg10[%parallel_loop3A_263, %parallel_loop3A_264], %parallel_loop3A_267 {strides = array<i32>} : memref<80x128xf32, #tpu.memory_space<vmem>>, vector<1x16xf32>,
      %parallel_loop3A_268 = arith.mulf %parallel_loop3A_175, %parallel_loop3A_249 : vector<16xf32>
      %parallel_loop3A_269 = arith.index_cast %parallel_loop3A_139 : i32 to index
      %parallel_loop3A_270 = arith.constant 48 : index
      %parallel_loop3A_271 = tpu.vector_load %arg10[%parallel_loop3A_269, %parallel_loop3A_270] {strides = array<i32>} : memref<80x128xf32, #tpu.memory_space<vmem>>, vector<1x16xf32>,
      %parallel_loop3A_272 = vector.shape_cast %parallel_loop3A_271 : vector<1x16xf32> to vector<16xf32>
      %parallel_loop3A_273 = vector.shape_cast %parallel_loop3A_268 : vector<16xf32> to vector<1x16xf32>
      tpu.vector_store %arg10[%parallel_loop3A_269, %parallel_loop3A_270], %parallel_loop3A_273 {strides = array<i32>} : memref<80x128xf32, #tpu.memory_space<vmem>>, vector<1x16xf32>,
      %parallel_loop3A_274 = arith.mulf %parallel_loop3A_185, %parallel_loop3A_249 : vector<16xf32>
      %parallel_loop3A_275 = arith.index_cast %parallel_loop3A_139 : i32 to index
      %parallel_loop3A_276 = arith.constant 64 : index
      %parallel_loop3A_277 = tpu.vector_load %arg10[%parallel_loop3A_275, %parallel_loop3A_276] {strides = array<i32>} : memref<80x128xf32, #tpu.memory_space<vmem>>, vector<1x16xf32>,
      %parallel_loop3A_278 = vector.shape_cast %parallel_loop3A_277 : vector<1x16xf32> to vector<16xf32>
      %parallel_loop3A_279 = vector.shape_cast %parallel_loop3A_274 : vector<16xf32> to vector<1x16xf32>
      tpu.vector_store %arg10[%parallel_loop3A_275, %parallel_loop3A_276], %parallel_loop3A_279 {strides = array<i32>} : memref<80x128xf32, #tpu.memory_space<vmem>>, vector<1x16xf32>,
      %parallel_loop3A_280 = arith.mulf %parallel_loop3A_195, %parallel_loop3A_249 : vector<16xf32>
      %parallel_loop3A_281 = arith.index_cast %parallel_loop3A_139 : i32 to index
      %parallel_loop3A_282 = arith.constant 80 : index
      %parallel_loop3A_283 = tpu.vector_load %arg10[%parallel_loop3A_281, %parallel_loop3A_282] {strides = array<i32>} : memref<80x128xf32, #tpu.memory_space<vmem>>, vector<1x16xf32>,
      %parallel_loop3A_284 = vector.shape_cast %parallel_loop3A_283 : vector<1x16xf32> to vector<16xf32>
      %parallel_loop3A_285 = vector.shape_cast %parallel_loop3A_280 : vector<16xf32> to vector<1x16xf32>
      tpu.vector_store %arg10[%parallel_loop3A_281, %parallel_loop3A_282], %parallel_loop3A_285 {strides = array<i32>} : memref<80x128xf32, #tpu.memory_space<vmem>>, vector<1x16xf32>,
      %parallel_loop3A_286 = arith.mulf %parallel_loop3A_205, %parallel_loop3A_249 : vector<16xf32>
      %parallel_loop3A_287 = arith.index_cast %parallel_loop3A_139 : i32 to index
      %parallel_loop3A_288 = arith.constant 96 : index
      %parallel_loop3A_289 = tpu.vector_load %arg10[%parallel_loop3A_287, %parallel_loop3A_288] {strides = array<i32>} : memref<80x128xf32, #tpu.memory_space<vmem>>, vector<1x16xf32>,
      %parallel_loop3A_290 = vector.shape_cast %parallel_loop3A_289 : vector<1x16xf32> to vector<16xf32>
      %parallel_loop3A_291 = vector.shape_cast %parallel_loop3A_286 : vector<16xf32> to vector<1x16xf32>
      tpu.vector_store %arg10[%parallel_loop3A_287, %parallel_loop3A_288], %parallel_loop3A_291 {strides = array<i32>} : memref<80x128xf32, #tpu.memory_space<vmem>>, vector<1x16xf32>,
      %parallel_loop3A_292 = arith.mulf %parallel_loop3A_215, %parallel_loop3A_249 : vector<16xf32>
      %parallel_loop3A_293 = arith.index_cast %parallel_loop3A_139 : i32 to index
      %parallel_loop3A_294 = arith.constant 112 : index
      %parallel_loop3A_295 = tpu.vector_load %arg10[%parallel_loop3A_293, %parallel_loop3A_294] {strides = array<i32>} : memref<80x128xf32, #tpu.memory_space<vmem>>, vector<1x16xf32>,
      %parallel_loop3A_296 = vector.shape_cast %parallel_loop3A_295 : vector<1x16xf32> to vector<16xf32>
      %parallel_loop3A_297 = vector.shape_cast %parallel_loop3A_292 : vector<16xf32> to vector<1x16xf32>
      tpu.vector_store %arg10[%parallel_loop3A_293, %parallel_loop3A_294], %parallel_loop3A_297 {strides = array<i32>} : memref<80x128xf32, #tpu.memory_space<vmem>>, vector<1x16xf32>,
    } {sc.loop_unroll_factor = 2 : i64, sc.parallel_access}
    %dma_start3A_132 = arith.constant 0 : i32
    %dma_start3A_133 = arith.constant 0 : i32
    %dma_start3A_134 = tpu.memref_slice %arg14[%dma_start3A_132, %dma_start3A_133] : memref<10240x128xf32, #tpu.memory_space<vmem_shared>> -> memref<10240x128xf32, #tpu.memory_space<vmem_shared>>
    tpu.enqueue_indirect_dma source(%arg10 : memref<80x128xf32, #tpu.memory_space<vmem>>) target(%dma_start3A_134 : memref<10240x128xf32, #tpu.memory_space<vmem_shared>>) offsets(%arg8 : memref<80xi32, #tpu.memory_space<vmem>>) semaphore(%arg19 : memref<!tpu.dma_semaphore, #tpu.memory_space<semaphore_mem>>) {add = true}
    %dma_wait3A_135 = arith.constant 0 : i32
    %dma_wait3A_136 = arith.constant 0 : i32
    %dma_wait3A_137 = tpu.memref_slice %arg14[%dma_wait3A_135, %dma_wait3A_136] : memref<10240x128xf32, #tpu.memory_space<vmem_shared>> -> memref<10240x128xf32, #tpu.memory_space<vmem_shared>>
    tpu.wait_indirect_dma semaphore(%arg19 : memref<!tpu.dma_semaphore, #tpu.memory_space<semaphore_mem>>) src(%arg10 : memref<80x128xf32, #tpu.memory_space<vmem>>) dst(%dma_wait3A_137 : memref<10240x128xf32, #tpu.memory_space<vmem_shared>>)
    %barrier3A_138 = arith.constant 0 : index
    tpu.barrier barrier_id(%barrier3A_138)
    "tpu.region"() ({
      %run_scoped3A = tpu.sem_alloc : memref<!tpu.dma_semaphore, #tpu.memory_space<semaphore_mem>>
      %dma_start3A_139 = arith.constant 0 : i32
      %dma_start3A_140 = tpu.memref_slice %arg5[%arg0, %mul3A_2, %dma_start3A_139] : memref<2x10240x128xf32, #tpu.memory_space<hbm>> -> memref<1x640x128xf32, #tpu.memory_space<hbm>>
      %dma_start3A_141 = tpu.memref_squeeze %dma_start3A_140 : memref<1x640x128xf32, #tpu.memory_space<hbm>> -> memref<640x128xf32, #tpu.memory_space<hbm>>
      %dma_start3A_142 = arith.constant 0 : i32
      %dma_start3A_143 = tpu.memref_slice %arg14[%mul3A_2, %dma_start3A_142] : memref<10240x128xf32, #tpu.memory_space<vmem_shared>> -> memref<640x128xf32, #tpu.memory_space<vmem_shared>>
      tpu.enqueue_dma source(%dma_start3A_143 : memref<640x128xf32, #tpu.memory_space<vmem_shared>>) target(%dma_start3A_141 : memref<640x128xf32, #tpu.memory_space<hbm>>) target_semaphore(%run_scoped3A : memref<!tpu.dma_semaphore, #tpu.memory_space<semaphore_mem>>)
      %dma_wait3A_144 = arith.constant 0 : i32
      %dma_wait3A_145 = tpu.memref_slice %arg5[%arg0, %mul3A_2, %dma_wait3A_144] : memref<2x10240x128xf32, #tpu.memory_space<hbm>> -> memref<1x640x128xf32, #tpu.memory_space<hbm>>
      %dma_wait3A_146 = tpu.memref_squeeze %dma_wait3A_145 : memref<1x640x128xf32, #tpu.memory_space<hbm>> -> memref<640x128xf32, #tpu.memory_space<hbm>>
      %dma_wait3A_147 = arith.constant 0 : i32
      %dma_wait3A_148 = tpu.memref_slice %arg14[%mul3A_2, %dma_wait3A_147] : memref<10240x128xf32, #tpu.memory_space<vmem_shared>> -> memref<640x128xf32, #tpu.memory_space<vmem_shared>>
      tpu.wait_dma2 semaphore(%run_scoped3A : memref<!tpu.dma_semaphore, #tpu.memory_space<semaphore_mem>>) src(%dma_wait3A_148 : memref<640x128xf32, #tpu.memory_space<vmem_shared>>) dst(%dma_wait3A_146 : memref<640x128xf32, #tpu.memory_space<hbm>>)
      tpu.yield
    }) : () -> ()
    return
  }
}

#map = affine_map<(d0, d1) -> (0, 0, 0)>
#map1 = affine_map<(d0, d1) -> (0)>
#map2 = affine_map<(d0, d1) -> (0, 0)>
module attributes {stable_mosaic.version = 14 : i64} {
  func.func @k2(%arg0: i32, %arg1: i32, %arg2: memref<2x10240x128xf32, #tpu.memory_space<hbm>>, %arg3: memref<16xf32, #tpu.memory_space<hbm>>, %arg4: memref<10240x128xf32, #tpu.memory_space<hbm>>, %arg5: memref<80x128xf32, #tpu.memory_space<vmem>>, %arg6: memref<80x128xf32, #tpu.memory_space<vmem>>, %arg7: memref<16xf32, #tpu.memory_space<vmem>>) attributes {dimension_semantics = [#tpu.dimension_semantics<core_parallel>, #tpu.dimension_semantics<subcore_parallel>], iteration_bounds = array<i64: 2, 16>, scalar_prefetch = 0 : i64, scratch_operands = 3 : i64, tpu.core_type = #tpu.core_type<sc_vector_subcore>, window_params = [{transform_indices = #map}, {transform_indices = #map1}, {transform_indices = #map2}]} {
    %mul3A = arith.constant 16 : i32
    %mul3A_0 = arith.muli %arg0, %mul3A : i32
    %add3A = arith.addi %mul3A_0, %arg1 : i32
    %mul3A_1 = arith.constant 320 : i32
    %mul3A_2 = arith.muli %add3A, %mul3A_1 : i32
    "tpu.region"() ({
      %run_scoped3A = tpu.sem_alloc : memref<!tpu.dma_semaphore, #tpu.memory_space<semaphore_mem>>
      tpu.enqueue_dma source(%arg3 : memref<16xf32, #tpu.memory_space<hbm>>) target(%arg7 : memref<16xf32, #tpu.memory_space<vmem>>) target_semaphore(%run_scoped3A : memref<!tpu.dma_semaphore, #tpu.memory_space<semaphore_mem>>)
      tpu.wait_dma2 semaphore(%run_scoped3A : memref<!tpu.dma_semaphore, #tpu.memory_space<semaphore_mem>>) src(%arg3 : memref<16xf32, #tpu.memory_space<hbm>>) dst(%arg7 : memref<16xf32, #tpu.memory_space<vmem>>)
      tpu.yield
    }) : () -> ()
    %get3A = arith.constant 0 : index
    %get3A_3 = tpu.vector_load %arg7[%get3A] {strides = array<i32>} : memref<16xf32, #tpu.memory_space<vmem>>, vector<16xf32>,
    %get3A_4 = vector.shape_cast %get3A_3 : vector<16xf32> to vector<16xf32>
    %scan3A = arith.constant 0 : i32
    %scan3A_5 = arith.constant 0 : i32
    %scan3A_6 = arith.constant 4 : i32
    %scan3A_7 = arith.addi %scan3A_5, %scan3A_6 : i32
    %scan3A_8 = arith.constant 1 : i32
    scf.for %scan3A_10 = %scan3A_5 to %scan3A_7 step %scan3A_8  : i32 {
      %mul3A_11 = arith.constant 80 : i32
      %mul3A_12 = arith.muli %scan3A_10, %mul3A_11 : i32
      %add3A_13 = arith.addi %mul3A_2, %mul3A_12 : i32
      %multiple_of3A = tpu.assume_multiple %add3A_13, 8 : i32
      %run_scoped3A = arith.constant 0 : i32
      "tpu.region"() ({
        %run_scoped3A_21 = tpu.sem_alloc : memref<!tpu.dma_semaphore, #tpu.memory_space<semaphore_mem>>
        %dma_start3A = arith.constant 0 : i32
        %dma_start3A_22 = tpu.memref_slice %arg2[%run_scoped3A, %multiple_of3A, %dma_start3A] : memref<2x10240x128xf32, #tpu.memory_space<hbm>> -> memref<1x80x128xf32, #tpu.memory_space<hbm>>
        %dma_start3A_23 = tpu.memref_squeeze %dma_start3A_22 : memref<1x80x128xf32, #tpu.memory_space<hbm>> -> memref<80x128xf32, #tpu.memory_space<hbm>>
        %dma_start3A_24 = arith.constant 0 : i32
        %dma_start3A_25 = tpu.memref_slice %arg2[%run_scoped3A, %multiple_of3A, %dma_start3A_24] : memref<2x10240x128xf32, #tpu.memory_space<hbm>> -> memref<1x80x128xf32, #tpu.memory_space<hbm>>
        %dma_start3A_26 = tpu.memref_squeeze %dma_start3A_25 : memref<1x80x128xf32, #tpu.memory_space<hbm>> -> memref<80x128xf32, #tpu.memory_space<hbm>>
        tpu.enqueue_dma source(%dma_start3A_26 : memref<80x128xf32, #tpu.memory_space<hbm>>) target(%arg5 : memref<80x128xf32, #tpu.memory_space<vmem>>) target_semaphore(%run_scoped3A_21 : memref<!tpu.dma_semaphore, #tpu.memory_space<semaphore_mem>>)
        %dma_wait3A = arith.constant 0 : i32
        %dma_wait3A_27 = tpu.memref_slice %arg2[%run_scoped3A, %multiple_of3A, %dma_wait3A] : memref<2x10240x128xf32, #tpu.memory_space<hbm>> -> memref<1x80x128xf32, #tpu.memory_space<hbm>>
        %dma_wait3A_28 = tpu.memref_squeeze %dma_wait3A_27 : memref<1x80x128xf32, #tpu.memory_space<hbm>> -> memref<80x128xf32, #tpu.memory_space<hbm>>
        %dma_wait3A_29 = arith.constant 0 : i32
        %dma_wait3A_30 = tpu.memref_slice %arg2[%run_scoped3A, %multiple_of3A, %dma_wait3A_29] : memref<2x10240x128xf32, #tpu.memory_space<hbm>> -> memref<1x80x128xf32, #tpu.memory_space<hbm>>
        %dma_wait3A_31 = tpu.memref_squeeze %dma_wait3A_30 : memref<1x80x128xf32, #tpu.memory_space<hbm>> -> memref<80x128xf32, #tpu.memory_space<hbm>>
        tpu.wait_dma2 semaphore(%run_scoped3A_21 : memref<!tpu.dma_semaphore, #tpu.memory_space<semaphore_mem>>) src(%dma_wait3A_31 : memref<80x128xf32, #tpu.memory_space<hbm>>) dst(%arg5 : memref<80x128xf32, #tpu.memory_space<vmem>>)
        tpu.yield
      }) : () -> ()
      %run_scoped3A_14 = arith.constant 1 : i32
      "tpu.region"() ({
        %run_scoped3A_21 = tpu.sem_alloc : memref<!tpu.dma_semaphore, #tpu.memory_space<semaphore_mem>>
        %dma_start3A = arith.constant 0 : i32
        %dma_start3A_22 = tpu.memref_slice %arg2[%run_scoped3A_14, %multiple_of3A, %dma_start3A] : memref<2x10240x128xf32, #tpu.memory_space<hbm>> -> memref<1x80x128xf32, #tpu.memory_space<hbm>>
        %dma_start3A_23 = tpu.memref_squeeze %dma_start3A_22 : memref<1x80x128xf32, #tpu.memory_space<hbm>> -> memref<80x128xf32, #tpu.memory_space<hbm>>
        %dma_start3A_24 = arith.constant 0 : i32
        %dma_start3A_25 = tpu.memref_slice %arg2[%run_scoped3A_14, %multiple_of3A, %dma_start3A_24] : memref<2x10240x128xf32, #tpu.memory_space<hbm>> -> memref<1x80x128xf32, #tpu.memory_space<hbm>>
        %dma_start3A_26 = tpu.memref_squeeze %dma_start3A_25 : memref<1x80x128xf32, #tpu.memory_space<hbm>> -> memref<80x128xf32, #tpu.memory_space<hbm>>
        tpu.enqueue_dma source(%dma_start3A_26 : memref<80x128xf32, #tpu.memory_space<hbm>>) target(%arg6 : memref<80x128xf32, #tpu.memory_space<vmem>>) target_semaphore(%run_scoped3A_21 : memref<!tpu.dma_semaphore, #tpu.memory_space<semaphore_mem>>)
        %dma_wait3A = arith.constant 0 : i32
        %dma_wait3A_27 = tpu.memref_slice %arg2[%run_scoped3A_14, %multiple_of3A, %dma_wait3A] : memref<2x10240x128xf32, #tpu.memory_space<hbm>> -> memref<1x80x128xf32, #tpu.memory_space<hbm>>
        %dma_wait3A_28 = tpu.memref_squeeze %dma_wait3A_27 : memref<1x80x128xf32, #tpu.memory_space<hbm>> -> memref<80x128xf32, #tpu.memory_space<hbm>>
        %dma_wait3A_29 = arith.constant 0 : i32
        %dma_wait3A_30 = tpu.memref_slice %arg2[%run_scoped3A_14, %multiple_of3A, %dma_wait3A_29] : memref<2x10240x128xf32, #tpu.memory_space<hbm>> -> memref<1x80x128xf32, #tpu.memory_space<hbm>>
        %dma_wait3A_31 = tpu.memref_squeeze %dma_wait3A_30 : memref<1x80x128xf32, #tpu.memory_space<hbm>> -> memref<80x128xf32, #tpu.memory_space<hbm>>
        tpu.wait_dma2 semaphore(%run_scoped3A_21 : memref<!tpu.dma_semaphore, #tpu.memory_space<semaphore_mem>>) src(%dma_wait3A_31 : memref<80x128xf32, #tpu.memory_space<hbm>>) dst(%arg6 : memref<80x128xf32, #tpu.memory_space<vmem>>)
        tpu.yield
      }) : () -> ()
      %scan3A_15 = arith.constant 0 : i32
      %scan3A_16 = arith.constant 0 : i32
      %scan3A_17 = arith.constant 80 : i32
      %scan3A_18 = arith.addi %scan3A_16, %scan3A_17 : i32
      %scan3A_19 = arith.constant 1 : i32
      scf.for %scan3A_21 = %scan3A_16 to %scan3A_18 step %scan3A_19  : i32 {
        %get3A_22 = arith.index_cast %scan3A_21 : i32 to index
        %get3A_23 = arith.constant 0 : index
        %get3A_24 = tpu.vector_load %arg5[%get3A_22, %get3A_23] {strides = array<i32>} : memref<80x128xf32, #tpu.memory_space<vmem>>, vector<1x16xf32>,
        %get3A_25 = vector.shape_cast %get3A_24 : vector<1x16xf32> to vector<16xf32>
        %get3A_26 = arith.index_cast %scan3A_21 : i32 to index
        %get3A_27 = arith.constant 0 : index
        %get3A_28 = tpu.vector_load %arg6[%get3A_26, %get3A_27] {strides = array<i32>} : memref<80x128xf32, #tpu.memory_space<vmem>>, vector<1x16xf32>,
        %get3A_29 = vector.shape_cast %get3A_28 : vector<1x16xf32> to vector<16xf32>
        %add3A_30 = arith.addf %get3A_25, %get3A_29 : vector<16xf32>
        %mul3A_31 = arith.mulf %add3A_30, %get3A_4 : vector<16xf32>
        %swap3A = arith.index_cast %scan3A_21 : i32 to index
        %swap3A_32 = arith.constant 0 : index
        %swap3A_33 = tpu.vector_load %arg5[%swap3A, %swap3A_32] {strides = array<i32>} : memref<80x128xf32, #tpu.memory_space<vmem>>, vector<1x16xf32>,
        %swap3A_34 = vector.shape_cast %swap3A_33 : vector<1x16xf32> to vector<16xf32>
        %swap3A_35 = vector.shape_cast %mul3A_31 : vector<16xf32> to vector<1x16xf32>
        tpu.vector_store %arg5[%swap3A, %swap3A_32], %swap3A_35 {strides = array<i32>} : memref<80x128xf32, #tpu.memory_space<vmem>>, vector<1x16xf32>,
        %get3A_36 = arith.index_cast %scan3A_21 : i32 to index
        %get3A_37 = arith.constant 16 : index
        %get3A_38 = tpu.vector_load %arg5[%get3A_36, %get3A_37] {strides = array<i32>} : memref<80x128xf32, #tpu.memory_space<vmem>>, vector<1x16xf32>,
        %get3A_39 = vector.shape_cast %get3A_38 : vector<1x16xf32> to vector<16xf32>
        %get3A_40 = arith.index_cast %scan3A_21 : i32 to index
        %get3A_41 = arith.constant 16 : index
        %get3A_42 = tpu.vector_load %arg6[%get3A_40, %get3A_41] {strides = array<i32>} : memref<80x128xf32, #tpu.memory_space<vmem>>, vector<1x16xf32>,
        %get3A_43 = vector.shape_cast %get3A_42 : vector<1x16xf32> to vector<16xf32>
        %add3A_44 = arith.addf %get3A_39, %get3A_43 : vector<16xf32>
        %mul3A_45 = arith.mulf %add3A_44, %get3A_4 : vector<16xf32>
        %swap3A_46 = arith.index_cast %scan3A_21 : i32 to index
        %swap3A_47 = arith.constant 16 : index
        %swap3A_48 = tpu.vector_load %arg5[%swap3A_46, %swap3A_47] {strides = array<i32>} : memref<80x128xf32, #tpu.memory_space<vmem>>, vector<1x16xf32>,
        %swap3A_49 = vector.shape_cast %swap3A_48 : vector<1x16xf32> to vector<16xf32>
        %swap3A_50 = vector.shape_cast %mul3A_45 : vector<16xf32> to vector<1x16xf32>
        tpu.vector_store %arg5[%swap3A_46, %swap3A_47], %swap3A_50 {strides = array<i32>} : memref<80x128xf32, #tpu.memory_space<vmem>>, vector<1x16xf32>,
        %get3A_51 = arith.index_cast %scan3A_21 : i32 to index
        %get3A_52 = arith.constant 32 : index
        %get3A_53 = tpu.vector_load %arg5[%get3A_51, %get3A_52] {strides = array<i32>} : memref<80x128xf32, #tpu.memory_space<vmem>>, vector<1x16xf32>,
        %get3A_54 = vector.shape_cast %get3A_53 : vector<1x16xf32> to vector<16xf32>
        %get3A_55 = arith.index_cast %scan3A_21 : i32 to index
        %get3A_56 = arith.constant 32 : index
        %get3A_57 = tpu.vector_load %arg6[%get3A_55, %get3A_56] {strides = array<i32>} : memref<80x128xf32, #tpu.memory_space<vmem>>, vector<1x16xf32>,
        %get3A_58 = vector.shape_cast %get3A_57 : vector<1x16xf32> to vector<16xf32>
        %add3A_59 = arith.addf %get3A_54, %get3A_58 : vector<16xf32>
        %mul3A_60 = arith.mulf %add3A_59, %get3A_4 : vector<16xf32>
        %swap3A_61 = arith.index_cast %scan3A_21 : i32 to index
        %swap3A_62 = arith.constant 32 : index
        %swap3A_63 = tpu.vector_load %arg5[%swap3A_61, %swap3A_62] {strides = array<i32>} : memref<80x128xf32, #tpu.memory_space<vmem>>, vector<1x16xf32>,
        %swap3A_64 = vector.shape_cast %swap3A_63 : vector<1x16xf32> to vector<16xf32>
        %swap3A_65 = vector.shape_cast %mul3A_60 : vector<16xf32> to vector<1x16xf32>
        tpu.vector_store %arg5[%swap3A_61, %swap3A_62], %swap3A_65 {strides = array<i32>} : memref<80x128xf32, #tpu.memory_space<vmem>>, vector<1x16xf32>,
        %get3A_66 = arith.index_cast %scan3A_21 : i32 to index
        %get3A_67 = arith.constant 48 : index
        %get3A_68 = tpu.vector_load %arg5[%get3A_66, %get3A_67] {strides = array<i32>} : memref<80x128xf32, #tpu.memory_space<vmem>>, vector<1x16xf32>,
        %get3A_69 = vector.shape_cast %get3A_68 : vector<1x16xf32> to vector<16xf32>
        %get3A_70 = arith.index_cast %scan3A_21 : i32 to index
        %get3A_71 = arith.constant 48 : index
        %get3A_72 = tpu.vector_load %arg6[%get3A_70, %get3A_71] {strides = array<i32>} : memref<80x128xf32, #tpu.memory_space<vmem>>, vector<1x16xf32>,
        %get3A_73 = vector.shape_cast %get3A_72 : vector<1x16xf32> to vector<16xf32>
        %add3A_74 = arith.addf %get3A_69, %get3A_73 : vector<16xf32>
        %mul3A_75 = arith.mulf %add3A_74, %get3A_4 : vector<16xf32>
        %swap3A_76 = arith.index_cast %scan3A_21 : i32 to index
        %swap3A_77 = arith.constant 48 : index
        %swap3A_78 = tpu.vector_load %arg5[%swap3A_76, %swap3A_77] {strides = array<i32>} : memref<80x128xf32, #tpu.memory_space<vmem>>, vector<1x16xf32>,
        %swap3A_79 = vector.shape_cast %swap3A_78 : vector<1x16xf32> to vector<16xf32>
        %swap3A_80 = vector.shape_cast %mul3A_75 : vector<16xf32> to vector<1x16xf32>
        tpu.vector_store %arg5[%swap3A_76, %swap3A_77], %swap3A_80 {strides = array<i32>} : memref<80x128xf32, #tpu.memory_space<vmem>>, vector<1x16xf32>,
        %get3A_81 = arith.index_cast %scan3A_21 : i32 to index
        %get3A_82 = arith.constant 64 : index
        %get3A_83 = tpu.vector_load %arg5[%get3A_81, %get3A_82] {strides = array<i32>} : memref<80x128xf32, #tpu.memory_space<vmem>>, vector<1x16xf32>,
        %get3A_84 = vector.shape_cast %get3A_83 : vector<1x16xf32> to vector<16xf32>
        %get3A_85 = arith.index_cast %scan3A_21 : i32 to index
        %get3A_86 = arith.constant 64 : index
        %get3A_87 = tpu.vector_load %arg6[%get3A_85, %get3A_86] {strides = array<i32>} : memref<80x128xf32, #tpu.memory_space<vmem>>, vector<1x16xf32>,
        %get3A_88 = vector.shape_cast %get3A_87 : vector<1x16xf32> to vector<16xf32>
        %add3A_89 = arith.addf %get3A_84, %get3A_88 : vector<16xf32>
        %mul3A_90 = arith.mulf %add3A_89, %get3A_4 : vector<16xf32>
        %swap3A_91 = arith.index_cast %scan3A_21 : i32 to index
        %swap3A_92 = arith.constant 64 : index
        %swap3A_93 = tpu.vector_load %arg5[%swap3A_91, %swap3A_92] {strides = array<i32>} : memref<80x128xf32, #tpu.memory_space<vmem>>, vector<1x16xf32>,
        %swap3A_94 = vector.shape_cast %swap3A_93 : vector<1x16xf32> to vector<16xf32>
        %swap3A_95 = vector.shape_cast %mul3A_90 : vector<16xf32> to vector<1x16xf32>
        tpu.vector_store %arg5[%swap3A_91, %swap3A_92], %swap3A_95 {strides = array<i32>} : memref<80x128xf32, #tpu.memory_space<vmem>>, vector<1x16xf32>,
        %get3A_96 = arith.index_cast %scan3A_21 : i32 to index
        %get3A_97 = arith.constant 80 : index
        %get3A_98 = tpu.vector_load %arg5[%get3A_96, %get3A_97] {strides = array<i32>} : memref<80x128xf32, #tpu.memory_space<vmem>>, vector<1x16xf32>,
        %get3A_99 = vector.shape_cast %get3A_98 : vector<1x16xf32> to vector<16xf32>
        %get3A_100 = arith.index_cast %scan3A_21 : i32 to index
        %get3A_101 = arith.constant 80 : index
        %get3A_102 = tpu.vector_load %arg6[%get3A_100, %get3A_101] {strides = array<i32>} : memref<80x128xf32, #tpu.memory_space<vmem>>, vector<1x16xf32>,
        %get3A_103 = vector.shape_cast %get3A_102 : vector<1x16xf32> to vector<16xf32>
        %add3A_104 = arith.addf %get3A_99, %get3A_103 : vector<16xf32>
        %mul3A_105 = arith.mulf %add3A_104, %get3A_4 : vector<16xf32>
        %swap3A_106 = arith.index_cast %scan3A_21 : i32 to index
        %swap3A_107 = arith.constant 80 : index
        %swap3A_108 = tpu.vector_load %arg5[%swap3A_106, %swap3A_107] {strides = array<i32>} : memref<80x128xf32, #tpu.memory_space<vmem>>, vector<1x16xf32>,
        %swap3A_109 = vector.shape_cast %swap3A_108 : vector<1x16xf32> to vector<16xf32>
        %swap3A_110 = vector.shape_cast %mul3A_105 : vector<16xf32> to vector<1x16xf32>
        tpu.vector_store %arg5[%swap3A_106, %swap3A_107], %swap3A_110 {strides = array<i32>} : memref<80x128xf32, #tpu.memory_space<vmem>>, vector<1x16xf32>,
        %get3A_111 = arith.index_cast %scan3A_21 : i32 to index
        %get3A_112 = arith.constant 96 : index
        %get3A_113 = tpu.vector_load %arg5[%get3A_111, %get3A_112] {strides = array<i32>} : memref<80x128xf32, #tpu.memory_space<vmem>>, vector<1x16xf32>,
        %get3A_114 = vector.shape_cast %get3A_113 : vector<1x16xf32> to vector<16xf32>
        %get3A_115 = arith.index_cast %scan3A_21 : i32 to index
        %get3A_116 = arith.constant 96 : index
        %get3A_117 = tpu.vector_load %arg6[%get3A_115, %get3A_116] {strides = array<i32>} : memref<80x128xf32, #tpu.memory_space<vmem>>, vector<1x16xf32>,
        %get3A_118 = vector.shape_cast %get3A_117 : vector<1x16xf32> to vector<16xf32>
        %add3A_119 = arith.addf %get3A_114, %get3A_118 : vector<16xf32>
        %mul3A_120 = arith.mulf %add3A_119, %get3A_4 : vector<16xf32>
        %swap3A_121 = arith.index_cast %scan3A_21 : i32 to index
        %swap3A_122 = arith.constant 96 : index
        %swap3A_123 = tpu.vector_load %arg5[%swap3A_121, %swap3A_122] {strides = array<i32>} : memref<80x128xf32, #tpu.memory_space<vmem>>, vector<1x16xf32>,
        %swap3A_124 = vector.shape_cast %swap3A_123 : vector<1x16xf32> to vector<16xf32>
        %swap3A_125 = vector.shape_cast %mul3A_120 : vector<16xf32> to vector<1x16xf32>
        tpu.vector_store %arg5[%swap3A_121, %swap3A_122], %swap3A_125 {strides = array<i32>} : memref<80x128xf32, #tpu.memory_space<vmem>>, vector<1x16xf32>,
        %get3A_126 = arith.index_cast %scan3A_21 : i32 to index
        %get3A_127 = arith.constant 112 : index
        %get3A_128 = tpu.vector_load %arg5[%get3A_126, %get3A_127] {strides = array<i32>} : memref<80x128xf32, #tpu.memory_space<vmem>>, vector<1x16xf32>,
        %get3A_129 = vector.shape_cast %get3A_128 : vector<1x16xf32> to vector<16xf32>
        %get3A_130 = arith.index_cast %scan3A_21 : i32 to index
        %get3A_131 = arith.constant 112 : index
        %get3A_132 = tpu.vector_load %arg6[%get3A_130, %get3A_131] {strides = array<i32>} : memref<80x128xf32, #tpu.memory_space<vmem>>, vector<1x16xf32>,
        %get3A_133 = vector.shape_cast %get3A_132 : vector<1x16xf32> to vector<16xf32>
        %add3A_134 = arith.addf %get3A_129, %get3A_133 : vector<16xf32>
        %mul3A_135 = arith.mulf %add3A_134, %get3A_4 : vector<16xf32>
        %swap3A_136 = arith.index_cast %scan3A_21 : i32 to index
        %swap3A_137 = arith.constant 112 : index
        %swap3A_138 = tpu.vector_load %arg5[%swap3A_136, %swap3A_137] {strides = array<i32>} : memref<80x128xf32, #tpu.memory_space<vmem>>, vector<1x16xf32>,
        %swap3A_139 = vector.shape_cast %swap3A_138 : vector<1x16xf32> to vector<16xf32>
        %swap3A_140 = vector.shape_cast %mul3A_135 : vector<16xf32> to vector<1x16xf32>
        tpu.vector_store %arg5[%swap3A_136, %swap3A_137], %swap3A_140 {strides = array<i32>} : memref<80x128xf32, #tpu.memory_space<vmem>>, vector<1x16xf32>,
      }
      %scan3A_20 = arith.constant 80 : i32
      "tpu.region"() ({
        %run_scoped3A_21 = tpu.sem_alloc : memref<!tpu.dma_semaphore, #tpu.memory_space<semaphore_mem>>
        %dma_start3A = arith.constant 0 : i32
        %dma_start3A_22 = tpu.memref_slice %arg4[%multiple_of3A, %dma_start3A] : memref<10240x128xf32, #tpu.memory_space<hbm>> -> memref<80x128xf32, #tpu.memory_space<hbm>>
        %dma_start3A_23 = arith.constant 0 : i32
        %dma_start3A_24 = tpu.memref_slice %arg4[%multiple_of3A, %dma_start3A_23] : memref<10240x128xf32, #tpu.memory_space<hbm>> -> memref<80x128xf32, #tpu.memory_space<hbm>>
        tpu.enqueue_dma source(%arg5 : memref<80x128xf32, #tpu.memory_space<vmem>>) target(%dma_start3A_24 : memref<80x128xf32, #tpu.memory_space<hbm>>) target_semaphore(%run_scoped3A_21 : memref<!tpu.dma_semaphore, #tpu.memory_space<semaphore_mem>>)
        %dma_wait3A = arith.constant 0 : i32
        %dma_wait3A_25 = tpu.memref_slice %arg4[%multiple_of3A, %dma_wait3A] : memref<10240x128xf32, #tpu.memory_space<hbm>> -> memref<80x128xf32, #tpu.memory_space<hbm>>
        %dma_wait3A_26 = arith.constant 0 : i32
        %dma_wait3A_27 = tpu.memref_slice %arg4[%multiple_of3A, %dma_wait3A_26] : memref<10240x128xf32, #tpu.memory_space<hbm>> -> memref<80x128xf32, #tpu.memory_space<hbm>>
        tpu.wait_dma2 semaphore(%run_scoped3A_21 : memref<!tpu.dma_semaphore, #tpu.memory_space<semaphore_mem>>) src(%arg5 : memref<80x128xf32, #tpu.memory_space<vmem>>) dst(%dma_wait3A_27 : memref<80x128xf32, #tpu.memory_space<hbm>>)
        tpu.yield
      }) : () -> ()
    }
    %scan3A_9 = arith.constant 4 : i32
    return
  }
}

module attributes {stable_mosaic.version = 14 : i64} {
  func.func @_matmul_kernel(%arg0: i32, %arg1: memref<2048x128xf32, #tpu.memory_space<vmem>>, %arg2: memref<128x128xf32, #tpu.memory_space<vmem>>, %arg3: memref<2048x128xf32, #tpu.memory_space<vmem>>) attributes {dimension_semantics = [#tpu.dimension_semantics<arbitrary>], iteration_bounds = array<i64: 5>, scalar_prefetch = 0 : i64, scratch_operands = 0 : i64, tpu.core_type = #tpu.core_type<tc>, window_params = [{transform_indices = @transform_0, window_bounds = array<i64: 2048, 128>}, {pipeline_mode = #tpu.pipeline_mode<synchronous>, transform_indices = @transform_1, window_bounds = array<i64: 128, 128>}, {transform_indices = @transform_2, window_bounds = array<i64: 2048, 128>}]} {
    %get3A = arith.constant 0 : index
    %get3A_0 = arith.constant 0 : index
    %get3A_1 = vector.load %arg1[%get3A, %get3A_0] : memref<2048x128xf32, #tpu.memory_space<vmem>>, vector<2048x128xf32>
    %get3A_2 = arith.constant 0 : index
    %get3A_3 = arith.constant 0 : index
    %get3A_4 = vector.load %arg2[%get3A_2, %get3A_3] : memref<128x128xf32, #tpu.memory_space<vmem>>, vector<128x128xf32>
    %dot_general3A = arith.constant dense<0.000000e+00> : vector<2048x128xf32>
    %dot_general3A_5 = tpu.matmul %get3A_1, %get3A_4, %dot_general3A {dimension_numbers = #tpu.dot_dimension_numbers<[1], [0], [0], [1], [0, 0, 1, 1], [], []>, transpose_lhs_hint = false} : vector<2048x128xf32>, vector<128x128xf32>, vector<2048x128xf32> -> vector<2048x128xf32>
    %swap3A = arith.constant 0 : index
    %swap3A_6 = arith.constant 0 : index
    %swap3A_7 = vector.load %arg3[%swap3A, %swap3A_6] : memref<2048x128xf32, #tpu.memory_space<vmem>>, vector<2048x128xf32>
    tpu.vector_store %arg3[%swap3A, %swap3A_6], %dot_general3A_5 {strides = array<i32>} : memref<2048x128xf32, #tpu.memory_space<vmem>>, vector<2048x128xf32>,
    return
  }
  func.func @transform_0(%arg0: i32) -> (i32, i32) {
    %c0_i32 = arith.constant 0 : i32
    %c0_i32_0 = arith.constant 0 : i32
    return %arg0, %c0_i32 : i32, i32
  }
  func.func @transform_1(%arg0: i32) -> (i32, i32) {
    %c0_i32 = arith.constant 0 : i32
    %c0_i32_0 = arith.constant 0 : i32
    %c0_i32_1 = arith.constant 0 : i32
    return %c0_i32, %c0_i32_0 : i32, i32
  }
  func.func @transform_2(%arg0: i32) -> (i32, i32) {
    %c0_i32 = arith.constant 0 : i32
    %c0_i32_0 = arith.constant 0 : i32
    return %arg0, %c0_i32 : i32, i32
  }
}

</mosaic_0001>

<sc_bundles>
// kernel: kernel.5.cloned.1.call-start
scs
__scs_entry_jumppad:
0x0: {  	(pc) =	sbr.rel $0x88, $3  }
0x1: {  	(tag) =	ssettag $0x0;
	lr =	simm.s32 $0x1  }
0x2: {  	[smem:$0x3F9D] =	sst lr;
	_ =	strace $0xD0000000  }
0x3: {  	_ = 	snop  }
0x4: {  	_ = 	snop  }
0x5: {  	_ = 	snop  }
0x6: {  	_ = 	snop  }
0x7: {  	_ = 	snop  }
__scs_overlays_trampoline_lowered:
0x8: {  	[smem:$0x3FAC] =	sst s0  }
0x9: {  	[smem:$0x3FAD] =	sst s1  }
0xa: {  	[smem:$0x3FAE] =	sst s2  }
0xb: {  	[smem:$0x3FAF] =	sst s3  }
0xc: {  	[smem:$0x3FB0] =	sst s4  }
0xd: {  	[smem:$0x3FB1] =	sst s5  }
0xe: {  	[smem:$0x3FB2] =	sst s6  }
0xf: {  	[smem:$0x3FB3] =	sst s7  }
0x10: {  	[smem:$0x3FB4] =	sst s8  }
0x11: {  	[smem:$0x3FB5] =	sst s9;
	s0 =	simm.s32 @!p0 $0x0  }
0x12: {  	s1 =	sld [smem:$0x3F9B];
	s0 =	simm.s32 @p0 $0x1  }
0x13: {  	[smem:$0x3FB6] =	sst s0;
	s0 =	simm.s32 @!p1 $0x0  }
0x14: {  	s2 =	sld [smem:$0x3F9A];
	s0 =	simm.s32 @p1 $0x1  }
0x15: {  	[smem:$0x3FB7] =	sst s0;
	s0 =	simm.s32 @!p2 $0x0  }
0x16: {  	s3 =	sld [smem:$0x3FDB];
	s0 =	simm.s32 @p2 $0x1  }
0x17: {  	s4 =	simm.s32 $0x1BF5;
	[smem:$0x3FB9] =	sst s0  }
0x18: {  	s0 =	sld [smem:$0x3F9C];
	_ =	swait.ge [sflag:s4], $0x0  }
0x19: {  	s7 =	sld [smem:$0x3F9D]  }
0x1a: {  	s8 =	sadd.s32 $0xFFFFE003, lr  }
0x1b: {  	s9 =	sadd.s32 $0xFFFFFEF7, lr;
	s5 =	simm.s32 $0xFFFFFFFF;
	p2 =	slt.u32 s8, $0xFFFFF086  }
0x1c: {  	p1 =	slt.u32 s9, $0xF7A;
	s5 =	simm.s32 @!p2 $0x0  }
0x1d: {  	s5 =	simm.s32 @p1 $0x1;
	p0 =	seq.s32 s7, s2  }
0x1e: {  	s7 =	smul.u32 @!p0 $0xF7A, s2;
	p2 =	seq.s32 @!p0 s5, $0x0  }
0x1f: {  	s9 =	smul.u32 $0xF7A, s1;
	s8 =	simm.s32 @!p0 $0x1BF5;
	p2 =	por !p2, p0  }
0x20: {  	[sflag:s8] =	ssyncset.s32 @!p0 $0xFFFFF086;
	s6 =	sadd.s32 @!p0 s3, s7;
	s7 =	simm.s32 @!p0 $0x108  }
0x21: {  	s3 =	sadd.s32 s3, s9;
	s6 =	sadd.s32 @!p0 $0x88, s6;
	s7 =	simm.s32 @p2 $0x1082  }
0x22: {  	[simem:s7], [sflag:s8] =	dma.local @!p0 [hbm:s6], $0xF7A  }
0x23: {  	s9 =	sor.u32 $0xD0000000, s2;
	s6 =	simm.s32 $0x108;
	_ =	swait.ge @!p0 [sflag:s8], $0x0  }
0x24: {  	s3 =	sadd.s32 $0x88, s3;
	s6 =	simm.s32 @!p1 $0x1082;
	[sflag:s4] =	ssyncset.s32 $0xFFFFF086  }
0x25: {  	[simem:s6], [sflag:s4] =	dma.local [hbm:s3], $0xF7A  }
0x26: {  	[smem:$0x3F9D] =	sst s1;
	(tag) =	ssettag s2;
	_ =	strace s9  }
0x27: {  	s1 =	sld [smem:$0x3FAD]  }
0x28: {  	s2 =	sld [smem:$0x3FAE]  }
0x29: {  	s4 =	sld [smem:$0x3FB0]  }
0x2a: {  	p0 =	seq.s32 s5, $0x0;
	s5 =	sld [smem:$0x3FB1]  }
0x2b: {  	s6 =	sld [smem:$0x3FB2]  }
0x2c: {  	s7 =	sld [smem:$0x3FB3]  }
0x2d: {  	s3 =	simm.s32 $0x108;
	s8 =	sld [smem:$0x3FB4]  }
0x2e: {  	s3 =	simm.s32 @!p0 $0x1082;
	s9 =	sld [smem:$0x3FB5]  }
0x2f: {  	lr =	sadd.s32 s0, s3;
	s0 =	sld [smem:$0x3FAC]  }
0x30: {  	s3 =	sld [smem:$0x3FAF]  }
0x31: {  	[smem:$0x3FB8] =	sst s10  }
0x32: {  	s10 =	sld [smem:$0x3FB6];
	_ =	sdelay $0x3  }
0x33: {  	p0 =	seq.s32 s10, $0x1;
	s10 =	sld [smem:$0x3FB8];
	_ =	sdelay $0x3  }
0x34: {  	[smem:$0x3FB8] =	sst s10  }
0x35: {  	s10 =	sld [smem:$0x3FB7];
	_ =	sdelay $0x3  }
0x36: {  	p1 =	seq.s32 s10, $0x1;
	s10 =	sld [smem:$0x3FB8];
	_ =	sdelay $0x3  }
0x37: {  	[smem:$0x3FB8] =	sst s10  }
0x38: {  	s10 =	sld [smem:$0x3FB9]  }
0x39: {  	_ = 	snop;
	(pc) =	sbr.ind lr, $3  }
0x3a: {  	_ = 	snop  }
0x3b: {  	_ = 	snop  }
0x3c: {  	p2 =	seq.s32 s10, $0x1;
	s10 =	sld [smem:$0x3FB8]  }
0x3d: {  	_ =	shalt  }
0x3e: {  	_ =	shalt  }
0x3f: {  	_ =	shalt  }
0x40: {  	_ =	shalt  }
0x41: {  	_ =	shalt  }
0x42: {  	_ =	shalt  }
0x43: {  	_ =	shalt  }
0x44: {  	_ =	shalt  }
0x45: {  	_ =	shalt  }
0x46: {  	_ =	shalt  }
0x47: {  	_ =	shalt  }
0x48: {  	_ =	shalt  }
0x49: {  	_ =	shalt  }
0x4a: {  	_ =	shalt  }
0x4b: {  	_ =	shalt  }
0x4c: {  	_ =	shalt  }
0x4d: {  	_ =	shalt  }
0x4e: {  	_ =	shalt  }
0x4f: {  	_ =	shalt  }
0x50: {  	_ =	shalt  }
0x51: {  	_ =	shalt  }
0x52: {  	_ =	shalt  }
0x53: {  	_ =	shalt  }
0x54: {  	_ =	shalt  }
0x55: {  	_ =	shalt  }
0x56: {  	_ =	shalt  }
0x57: {  	_ =	shalt  }
0x58: {  	_ =	shalt  }
0x59: {  	_ =	shalt  }
0x5a: {  	_ =	shalt  }
0x5b: {  	_ =	shalt  }
0x5c: {  	_ =	shalt  }
0x5d: {  	_ =	shalt  }
0x5e: {  	_ =	shalt  }
0x5f: {  	_ =	shalt  }
0x60: {  	_ =	shalt  }
0x61: {  	_ =	shalt  }
0x62: {  	_ =	shalt  }
0x63: {  	_ =	shalt  }
0x64: {  	_ =	shalt  }
0x65: {  	_ =	shalt  }
0x66: {  	_ =	shalt  }
0x67: {  	_ =	shalt  }
0x68: {  	_ =	shalt  }
0x69: {  	_ =	shalt  }
0x6a: {  	_ =	shalt  }
0x6b: {  	_ =	shalt  }
0x6c: {  	_ =	shalt  }
0x6d: {  	_ =	shalt  }
0x6e: {  	_ =	shalt  }
0x6f: {  	_ =	shalt  }
0x70: {  	_ =	shalt  }
0x71: {  	_ =	shalt  }
0x72: {  	_ =	shalt  }
0x73: {  	_ =	shalt  }
0x74: {  	_ =	shalt  }
0x75: {  	_ =	shalt  }
0x76: {  	_ =	shalt  }
0x77: {  	_ =	shalt  }
0x78: {  	_ =	shalt  }
0x79: {  	_ =	shalt  }
0x7a: {  	_ =	shalt  }
0x7b: {  	_ =	shalt  }
0x7c: {  	_ =	shalt  }
0x7d: {  	_ =	shalt  }
0x7e: {  	_ =	shalt  }
0x7f: {  	_ =	shalt  }
0x80: {  	_ =	shalt  }
0x81: {  	_ =	shalt  }
0x82: {  	_ =	shalt  }
0x83: {  	_ =	shalt  }
0x84: {  	_ =	shalt  }
0x85: {  	_ =	shalt  }
0x86: {  	_ =	shalt  }
0x87: {  	_ =	shalt  }
.Lfunc_end0:
.L_simem_size_0:
called_computation_lowered:
.L_overlay_start_0:
0x88: {  	s2 =	sld [smem:$0x3FD9]  }
0x89: {  	s3 =	sld [smem:$0x3FFE];
	_ =	sdelay $0x1  }
0x8a: {  	s1 =	srdreg.scid  }
0x8b: {  	s0 =	sand.u32 $0x1, s1  }
0x8c: {  	s17 =	sshll.u32 s0, $0xA;
	s2 =	sadd.s32 s3, s2  }
0x8d: {  	s2 =	sadd.s32 s2, s17  }
0x8e: {  	[smem:$0x3FC4] =	sst s2  }
0x8f: {  	_ = 	snop  }
0x90: {  	s2 =	sld [smem:$0x3FD0];
	(tm) =	ssettm $0x1  }
0x91: {  	s18 =	sld [smem:$0x3FFB];
	_ =	sdelay $0x3  }
0x92: {  	_ =	strace s18  }
0x93: {  	s3 =	sld [smem:$0x3FFC];
	_ =	sdelay $0x3  }
0x94: {  	_ =	strace s3  }
0x95: {  	s3 =	sld [smem:$0x3FFD];
	_ =	sdelay $0x3  }
0x96: {  	_ =	strace s3  }
0x97: {  	_ =	strace $0x8FFFFFFF  }
0x98: {  	s19 =	sld [smem:$0x3FDB];
	_ =	sdelay $0x1  }
0x99: {  	s4 =	simm.s32 $_scs_section_size  }
0x9a: {  	s5 =	simm.s32 $_size__tile_overlayer_lowered;
	s6 =	simm.s32 $_tile_overlayer_lowered  }
0x9b: {  	s22 =	simm.s32 $0x1BFF;
	s21 =	sshll.u32 s6, $0x1;
	s3 =	sadd.s32 s4, s19  }
0x9c: {  	s7 =	simm.s32 $0x0;
	s20 =	sshll.u32 s5, $0x1;
	s5 =	sadd.s32 s21, s3  }
0x9d: {  	[timem:s7], [sflag:s22] =	dma.local [hbm:s5], s20  }
0x9e: {  	_ =	swait.ge [sflag:s22], s20  }
0x9f: {  	s4 =	ssub.s32 $0x0, s20;
	[sflag:s22] =	ssyncset.done $0x0  }
0xa0: {  	[sflag:s22] =	ssyncadd.s32 s4;
	_ =	sdelay $0x1  }
0xa1: {  	s23 =	simm.s32 $0x1B8B  }
0xa2: {  	_ =	swait.ge [sflag:s23], $0x1  }
0xa3: {  	[sflag:s23] =	ssyncset.done $0x0  }
0xa4: {  	s25 =	simm.s32 $0x1B8E;
	s24 =	sld [smem:$0x3FFE];
	[sflag:s23] =	ssyncadd.s32 $0xFFFFFFFF  }
0xa5: {  	s26 =	simm.s32 $execute0_lowered;
	[smem:$0x3FD2] =	sst s25  }
0xa6: {  	s5 =	sshll.u32 s26, $0x1;
	_ =	strace $0x80000046;
	[dreg:$0x1] =	wrdreg $0xFFFFFFFF  }
0xa7: {  	s28 =	simm.s32 $_size_execute0_lowered;
	s3 =	sadd.s32 s3, s5;
	[dreg:$0x0] =	wrdreg $0x0  }
0xa8: {  	s5 =	sshll.u32 s28, $0x1;
	[dreg:$0x2] =	wrdreg s3  }
0xa9: {  	[dreg:$0x3] =	wrdreg s5  }
0xaa: {  	[dreg:$0x4] =	wrdreg $0xC0  }
0xab: {  	_ =	task [dreg:s7], $0x5FFFF  }
0xac: {  	[dreg:$0x1] =	wrdreg $0xFFFFFFFF  }
0xad: {  	[dreg:$0x0] =	wrdreg $0x60  }
0xae: {  	[dreg:$0x2] =	wrdreg s24  }
0xaf: {  	[dreg:$0x3] =	wrdreg s2  }
0xb0: {  	[dreg:$0x4] =	wrdreg $0xA2000  }
0xb1: {  	[dreg:$0x5] =	wrdreg $0x9  }
0xb2: {  	_ =	task.clear_ibuf [dreg:s7], $0x6FFFF;
	_ =	strace $0x90000046  }
0xb3: {  	s29 =	simm.s32 $0x9;
	_ =	strace $0x80000048  }
0xb4: {  	_ =	swait.ge [sflag:s29], $0x1  }
0xb5: {  	[sflag:s29] =	ssyncadd.s32 $0xFFFFFFFF  }
0xb6: {  	_ =	strace $0x90000048  }
0xb7: {  	_ =	sfence  }
0xb8: {  	s30 =	sld [smem:$0x0];
	_ =	sdelay $0x2  }
0xb9: {  	s31 =	sshll.u32 s1, $0xD;
	s1 =	sshrl.u32 s1, $0x2  }
0xba: {  	s3 =	sand.u32 $0x4000, s31;
	s1 =	sadd.s32 s1, s30  }
0xbb: {  	s0 =	sor.u32 s3, s0;
	s1 =	sshll.u32 s1, $0x11  }
0xbc: {  	s0 =	sor.u32 s1, s0  }
0xbd: {  	s0 =	sadd.s32 $0x8F2B, s0  }
0xbe: {  	[sflag:s0] =	ssyncadd.remote.s32 $0x1  }
0xbf: {  	_ =	sfence.sel $0xFFFF  }
0xc0: {  	[dreg:$0x0] =	wrdreg $0xFFFFFFFF;
	(pc) =	sbr.abs _section_cstart, $3  }
0xc1: {  	[dreg:$0x1] =	wrdreg $0xFFFFFFFF  }
0xc2: {  	_ =	task.clear_ibuf [dreg:s7], $0x2FFFF;
	_ =	strace $0x9FFFFFFF  }
0xc3: {  	(tm) =	ssettm $0x7FFFFFFF  }
tec
execute0_lowered:
.L_overlay_start_1:
0x0: {  	(tag) =	ssettag $0x1  }
0x1: {  	s0 =	rddreg [dreg:$0x0]  }
0x2: {  	s1 =	rddreg [dreg:$0x1]  }
0x3: {  	s2 =	rddreg [dreg:$0x2];
	s3 =	srdreg.scid  }
0x4: {  	s4 =	simm.s32 $0x0;
	s11 =	stileid.u32;
	s28 =	simm.s32 $0x100  }
0x5: {  	s29 =	simm.s32 $0x7;
	s30 =	simm.s32 $0x8;
	s31 =	simm.s32 $0x50  }
0x6: {  	s3 =	sand.u32 $0x1, s3;
	[smem:$0x7FF] =	sst s4;
	s9 =	smul.u32 $0x50000, s11  }
0x7: {  	s8 =	smul.u32 $0x14000, s11;
	s5 =	sadd.s32 $0xA400, s0;
	s6 =	sadd.s32 $0x600, s0  }
0x8: {  	s7 =	smul.u32 $0x140000, s3;
	_ =	strace $0x80000047;
	s9 =	sshrl.u32 s9, $0x2  }
0x9: {  	s23 =	ssub.s32 $0x2, s3;
	s3 =	sshll.u32 s3, $0x4;
	s20 =	sadd.s32 s9, s2  }
0xa: {  	s10 =	sshrl.u32 s23, $0x1;
	s9 =	sadd.s32 $0x2800, s20;
	[dreg:$0x4] =	wrdreg s20  }
0xb: {  	s3 =	sor.u32 s11, s3;
	s24 =	sadd.s32 $0x5000, s20;
	[dreg:$0x5] =	wrdreg s9  }
0xc: {  	s7 =	sadd.s32 s8, s7;
	s25 =	sadd.s32 $0x7800, s20;
	[dreg:$0x6] =	wrdreg s24  }
0xd: {  	s3 =	smul.u32 $0x2710, s3;
	s26 =	sadd.s32 $0xA000, s20;
	[dreg:$0x7] =	wrdreg s25  }
0xe: {  	s17 =	ssub.s32 s23, s10;
	s11 =	sadd.s32 $0xC800, s20;
	[dreg:$0x8] =	wrdreg s26  }
0xf: {  	s8 =	simm.s32 $0x3;
	s12 =	sadd.s32 $0xF000, s20;
	[dreg:$0x9] =	wrdreg s11  }
0x10: {  	s10 =	simm.s32 $0x180;
	s13 =	sadd.s32 $0x11800, s20;
	[dreg:$0xa] =	wrdreg s12  }
0x11: {  	v0 =	vimm.s32 $0xFEDCBA98;
	v1 =	vimm.s32 $0x76543210;
	v2 =	vimm.s32 $0xBA98FEDC;
	s7 =	sshrl.u32 s7, $0x3;
	[dreg:$0xb] =	wrdreg s13;
	s14 =	sshrl.u32 s3, $0x3  }
0x12: {  	v3 =	vimm.s32 $0x32107654;
	v4 =	vimm.s32 $0xDCFE98BA;
	s15 =	sadd.s32 $0x50, s3;
	s16 =	sadd.s32 $0xA0, s3;
	s0 =	sadd.s32 s7, s0  }
0x13: {  	v5 =	vimm.s32 $0x54761032;
	v6 =	vimm.s32 $0xEFCDAB89;
	v7 =	vimm.s32 $0x67452301;
	s26 =	smax.u32 s17, $0x1;
	s3 =	simm.s32 $0x1;
	s9 =	simm.s32 $0x80  }
0x14: {  	v0 =	vunpack.c.l.s4.s8 v0;
	v1 =	vunpack.c.l.s4.s8 v1;
	v2 =	vunpack.c.l.s4.s8 v2;
	s11 =	simm.s32 $0x2A00;
	s12 =	simm.s32 $0x7A00;
	s13 =	simm.s32 $0x2  }
0x15: {  	v3 =	vunpack.c.l.s4.s8 v3;
	v4 =	vunpack.c.l.s4.s8 v4;
	v5 =	vunpack.c.l.s4.s8 v5;
	s17 =	simm.s32 $0x5;
	s18 =	sadd.s32 s6, s14;
	[dreg:$0x13] =	wrdreg s26  }
0x16: {  	v6 =	vunpack.c.l.s4.s8 v6;
	v7 =	vunpack.c.l.s4.s8 v7;
	v0 =	vunpack.c.0.s8.s32 v0;
	s19 =	sadd.s32 s1, s14;
	s21 =	sshrl.u32 s15, $0x3;
	[dreg:$0xc] =	wrdreg s18  }
0x17: {  	v2 =	vunpack.c.0.s8.s32 v2;
	v3 =	vunpack.c.0.s8.s32 v3;
	v4 =	vunpack.c.0.s8.s32 v4;
	s22 =	sshrl.u32 s16, $0x3;
	s0 =	sadd.s32 $0x32400, s0;
	[dreg:$0xd] =	wrdreg s19  }
0x18: {  	v5 =	vunpack.c.0.s8.s32 v5;
	v6 =	vunpack.c.0.s8.s32 v6;
	v7 =	vunpack.c.0.s8.s32 v7;
	s26 =	simm.s32 $0x9;
	s23 =	sadd.s32 s6, s21;
	[dreg:$0x12] =	wrdreg s0  }
0x19: {  	v1 =	vunpack.c.0.s8.s32 v1;
	v2 =	vcombine.low v3, v2;
	s14 =	simm.s32 $0x4;
	s7 =	sadd.s32 s1, s21;
	[dreg:$0xe] =	wrdreg s23  }
0x1a: {  	v3 =	vcombine.low v5, v4;
	v4 =	vand.u32 $0xF, v0;
	v5 =	vcombine.low v7, v6;
	s24 =	sadd.s32 s6, s22;
	s25 =	sadd.s32 s1, s22;
	[dreg:$0xf] =	wrdreg s7  }
0x1b: {  	v0 =	vimm.f32 $0.0e+00;
	v1 =	vcombine.low v4, v1;
	s0 =	simm.s32 $0x5200;
	s18 =	simm.s32 $0x6;
	[dreg:$0x10] =	wrdreg s24  }
0x1c: {  	v2 =	vand.u32 $0xF, v2;
	v3 =	vand.u32 $0xF, v3;
	v4 =	vand.u32 $0xF, v5;
	s19 =	simm.s32 $0x0;
	[dreg:$0x11] =	wrdreg s25;
	s25 =	simm.s32 $0x200  }
.LBB2_1:
0x1d: {  	[dreg:$0x14] =	wrdreg s19;
	s7 =	simm.s32 $0x0;
	s19 =	simm.s32 $0x200  }
.LBB2_2:
0x1e: {  	p0 =	sne.s32 s19, $0x9E00;
	[tilespmem:s7+$0x270] =	vst v0  }
0x1f: {  	[tilespmem:s7+$0x200] =	vst v0  }
0x20: {  	[tilespmem:s7+$0x210] =	vst v0  }
.Ltmp0:
0x21: {  	[tilespmem:s7+$0x220] =	vst v0;
	(pc) =	sbr.rel @p0 .LBB2_2-.Ltmp0, $4  }
0x22: {  	[tilespmem:s7+$0x230] =	vst v0  }
0x23: {  	[tilespmem:s7+$0x240] =	vst v0  }
0x24: {  	[tilespmem:s7+$0x250] =	vst v0  }
0x25: {  	[tilespmem:s7+$0x260] =	vst v0;
	s7 =	sshra.s32 s19, $0x2;
	s19 =	sadd.s32 $0x200, s19  }
0x26: {  	[tilespmem:s7+$0x270] =	vst v0  }
0x27: {  	[tilespmem:s7+$0x200] =	vst v0  }
0x28: {  	[tilespmem:s7+$0x210] =	vst v0  }
0x29: {  	[tilespmem:s7+$0x220] =	vst v0  }
0x2a: {  	[tilespmem:s7+$0x230] =	vst v0  }
0x2b: {  	[tilespmem:s7+$0x240] =	vst v0  }
0x2c: {  	[tilespmem:s7+$0x250] =	vst v0  }
0x2d: {  	[tilespmem:s7+$0x260] =	vst v0  }
0x2e: {  	[spmem:s20] =	stream.linear.scatter [tilespmem:s25], [sflag:$0x9], $0x2800, $0x38;
	[tilespmem:$0x1E200] =	vst v63  }
0x2f: {  	_ =	swait.ge [sflag:s26], $0x2800  }
0x30: {  	[sflag:s26] =	ssyncset.done $0x0  }
0x31: {  	s19 =	rddreg [dreg:$0x5];
	[sflag:s26] =	ssyncadd.s32 $0xFFFFD800  }
0x32: {  	[spmem:s19] =	stream.linear.scatter [tilespmem:s25], [sflag:$0x9], $0x2800, $0x38;
	[tilespmem:$0x1E200] =	vst v63  }
0x33: {  	_ =	swait.ge [sflag:s26], $0x2800  }
0x34: {  	[sflag:s26] =	ssyncset.done $0x0  }
0x35: {  	s20 =	rddreg [dreg:$0x6];
	[sflag:s26] =	ssyncadd.s32 $0xFFFFD800  }
0x36: {  	[spmem:s20] =	stream.linear.scatter [tilespmem:s25], [sflag:$0x9], $0x2800, $0x38;
	[tilespmem:$0x1E200] =	vst v63  }
0x37: {  	_ =	swait.ge [sflag:s26], $0x2800  }
0x38: {  	[sflag:s26] =	ssyncset.done $0x0  }
0x39: {  	s21 =	rddreg [dreg:$0x7];
	[sflag:s26] =	ssyncadd.s32 $0xFFFFD800  }
0x3a: {  	[spmem:s21] =	stream.linear.scatter [tilespmem:s25], [sflag:$0x9], $0x2800, $0x38;
	[tilespmem:$0x1E200] =	vst v63  }
0x3b: {  	_ =	swait.ge [sflag:s26], $0x2800  }
0x3c: {  	[sflag:s26] =	ssyncset.done $0x0  }
0x3d: {  	s22 =	rddreg [dreg:$0x8];
	[sflag:s26] =	ssyncadd.s32 $0xFFFFD800  }
0x3e: {  	[spmem:s22] =	stream.linear.scatter [tilespmem:s25], [sflag:$0x9], $0x2800, $0x38;
	[tilespmem:$0x1E200] =	vst v63  }
0x3f: {  	_ =	swait.ge [sflag:s26], $0x2800  }
0x40: {  	[sflag:s26] =	ssyncset.done $0x0  }
0x41: {  	s23 =	rddreg [dreg:$0x9];
	[sflag:s26] =	ssyncadd.s32 $0xFFFFD800  }
0x42: {  	[spmem:s23] =	stream.linear.scatter [tilespmem:s25], [sflag:$0x9], $0x2800, $0x38;
	[tilespmem:$0x1E200] =	vst v63  }
0x43: {  	_ =	swait.ge [sflag:s26], $0x2800  }
0x44: {  	[sflag:s26] =	ssyncset.done $0x0  }
0x45: {  	s24 =	rddreg [dreg:$0xa];
	[sflag:s26] =	ssyncadd.s32 $0xFFFFD800  }
0x46: {  	[spmem:s24] =	stream.linear.scatter [tilespmem:s25], [sflag:$0x9], $0x2800, $0x38;
	[tilespmem:$0x1E200] =	vst v63  }
0x47: {  	_ =	swait.ge [sflag:s26], $0x2800  }
0x48: {  	[sflag:s26] =	ssyncset.done $0x0  }
0x49: {  	s19 =	rddreg [dreg:$0xb];
	[sflag:s26] =	ssyncadd.s32 $0xFFFFD800  }
0x4a: {  	[spmem:s19] =	stream.linear.scatter [tilespmem:s25], [sflag:$0x9], $0x2800, $0x38;
	[tilespmem:$0x1E200] =	vst v63  }
0x4b: {  	_ =	swait.ge [sflag:s26], $0x2800  }
0x4c: {  	[sflag:s26] =	ssyncset.done $0x0  }
0x4d: {  	[sflag:s26] =	ssyncadd.s32 $0xFFFFD800  }
0x4e: {  	[bflag:$0x0] =	sbarrier.arrive $0xFFFF  }
0x4f: {  	s20 =	rddreg [dreg:$0xc]  }
0x50: {  	[tilespmem:s4], [sflag:$0x7] =	stream.linear.gather [hbm4b:s20+s4], $0x50, $0x38;
	[tilespmem:$0x1E200] =	vst v63  }
0x51: {  	s21 =	rddreg [dreg:$0xd]  }
0x52: {  	[tilespmem:s28], [sflag:$0x8] =	stream.linear.gather [hbm4b:s21+s4], $0x50, $0x38;
	[tilespmem:$0x1E200] =	vst v63  }
0x53: {  	_ =	swait.ge [sflag:s29], $0x50  }
0x54: {  	[sflag:s29] =	ssyncset.done $0x0  }
0x55: {  	[sflag:s29] =	ssyncadd.s32 $0xFFFFFFB0  }
0x56: {  	_ =	swait.ge [sflag:s30], $0x50  }
0x57: {  	[sflag:s30] =	ssyncset.done $0x0  }
0x58: {  	[sflag:s30] =	ssyncadd.s32 $0xFFFFFFB0  }
0x59: {  	[tilespmem:s25], [sflag:$0x1] =	stream.indirect.gather [hbm4b:s5+s31], $0x80, s4, s31, $0xb8;
	[tilespmem:$0x1E200] =	vst v63  }
0x5a: {  	_ = 	snop  }
0x5b: {  	[tilespmem:s0], [sflag:$0x3] =	stream.indirect.gather [hbm4b:s5+s31], $0x80, s28, s31, $0xb8;
	[tilespmem:$0x1E200] =	vst v63  }
0x5c: {  	_ =	swait.ge [sflag:s3], $0x2800  }
0x5d: {  	[sflag:s3] =	ssyncset.done $0x0  }
0x5e: {  	[sflag:s3] =	ssyncadd.s32 $0xFFFFD800  }
0x5f: {  	_ =	swait.ge [sflag:s8], $0x2800  }
0x60: {  	[sflag:s8] =	ssyncset.done $0x0  }
0x61: {  	s22 =	rddreg [dreg:$0xe];
	[sflag:s8] =	ssyncadd.s32 $0xFFFFD800  }
0x62: {  	[tilespmem:s9], [sflag:$0x7] =	stream.linear.gather [hbm4b:s22+s4], $0x50, $0x38;
	[tilespmem:$0x1E200] =	vst v63  }
0x63: {  	s23 =	rddreg [dreg:$0xf]  }
0x64: {  	[tilespmem:s10], [sflag:$0x8] =	stream.linear.gather [hbm4b:s23+s4], $0x50, $0x38;
	[tilespmem:$0x1E200] =	vst v63  }
0x65: {  	_ =	swait.ge [sflag:s29], $0x50  }
0x66: {  	[sflag:s29] =	ssyncset.done $0x0  }
0x67: {  	[sflag:s29] =	ssyncadd.s32 $0xFFFFFFB0  }
0x68: {  	_ =	swait.ge [sflag:s30], $0x50  }
0x69: {  	[sflag:s30] =	ssyncset.done $0x0  }
0x6a: {  	[sflag:s30] =	ssyncadd.s32 $0xFFFFFFB0  }
0x6b: {  	[tilespmem:s11], [sflag:$0x2] =	stream.indirect.gather [hbm4b:s5+s31], $0x80, s9, s31, $0xb8;
	[tilespmem:$0x1E200] =	vst v63  }
0x6c: {  	s20 =	simm.s32 $0x280  }
0x6d: {  	[tilespmem:s12], [sflag:$0x4] =	stream.indirect.gather [hbm4b:s5+s31], $0x80, s10, s31, $0xb8;
	[tilespmem:$0x1E200] =	vst v63  }
0x6e: {  	s24 =	simm.s32 $0x5280;
	v12 =	vld [tilespmem:s20+$0x0]  }
0x6f: {  	v5 =	vld [tilespmem:s24+$0x0]  }
0x70: {  	v14 =	vld [tilespmem:s20+$0x10]  }
0x71: {  	v6 =	vld [tilespmem:s24+$0x10]  }
0x72: {  	v15 =	vld [tilespmem:s20+$0x20]  }
0x73: {  	v7 =	vld [tilespmem:s24+$0x20]  }
0x74: {  	v16 =	vld [tilespmem:s20+$0x30]  }
0x75: {  	v8 =	vld [tilespmem:s24+$0x30]  }
0x76: {  	v17 =	vld [tilespmem:s20+$0x40]  }
0x77: {  	v9 =	vld [tilespmem:s24+$0x40]  }
0x78: {  	v19 =	vld [tilespmem:s20+$0x50]  }
0x79: {  	v10 =	vld [tilespmem:s24+$0x50]  }
0x7a: {  	v20 =	vld [tilespmem:s20+$0x60]  }
0x7b: {  	v11 =	vld [tilespmem:s24+$0x60]  }
0x7c: {  	v21 =	vld [tilespmem:s20+$0x70]  }
0x7d: {  	v13 =	vld [tilespmem:s24+$0x70];
	v5 =	vmul.f32 v5, v12  }
0x7e: {  	v18 =	vld [tilespmem:s24+$0xFFFFFF80]  }
0x7f: {  	v22 =	vld [tilespmem:s20+$0xFFFFFF80];
	v6 =	vmul.f32 v6, v14;
	v5 =	vadd.f32 $0.0e+00, v5  }
0x80: {  	v23 =	vld [tilespmem:s20+$0xFFFFFF90]  }
0x81: {  	v24 =	vld [tilespmem:s20+$0xFFFFFFA0];
	v5 =	vadd.f32 v6, v5;
	v6 =	vmul.f32 v7, v15  }
0x82: {  	v25 =	vld [tilespmem:s20+$0xFFFFFFB0]  }
0x83: {  	v7 =	vld [tilespmem:s24+$0xFFFFFF90];
	v5 =	vadd.f32 v6, v5;
	v6 =	vmul.f32 v8, v16  }
0x84: {  	v26 =	vld [tilespmem:s20+$0xFFFFFFC0]  }
0x85: {  	v8 =	vld [tilespmem:s24+$0xFFFFFFA0];
	v5 =	vadd.f32 v6, v5;
	v6 =	vmul.f32 v9, v17  }
0x86: {  	v27 =	vld [tilespmem:s20+$0xFFFFFFD0];
	v9 =	vmul.f32 v18, v22  }
0x87: {  	v18 =	vld [tilespmem:s24+$0xFFFFFFB0];
	v5 =	vadd.f32 v6, v5;
	v6 =	vmul.f32 v10, v19  }
0x88: {  	v30 =	vld [tilespmem:s20+$0xFFFFFFE0];
	v7 =	vmul.f32 v7, v23;
	v9 =	vadd.f32 $0.0e+00, v9  }
0x89: {  	v10 =	vld [tilespmem:s24+$0xFFFFFFC0];
	v5 =	vadd.f32 v6, v5;
	v6 =	vmul.f32 v11, v20  }
0x8a: {  	v31 =	vld [tilespmem:s20+$0xFFFFFFF0];
	v8 =	vmul.f32 v8, v24;
	v7 =	vadd.f32 v7, v9  }
0x8b: {  	s22 =	simm.s32 $0x5380;
	v9 =	vld [tilespmem:s24+$0xFFFFFFD0];
	v5 =	vadd.f32 v6, v5;
	v6 =	vmul.f32 v13, v21  }
0x8c: {  	v28 =	vld [tilespmem:s22+$0x10];
	v7 =	vadd.f32 v8, v7;
	v8 =	vmul.f32 v18, v25  }
0x8d: {  	v11 =	vld [tilespmem:s24+$0xFFFFFFE0];
	v6 =	vadd.f32 v6, v5  }
0x8e: {  	v18 =	vld [tilespmem:s22+$0x0];
	v7 =	vadd.f32 v8, v7;
	v8 =	vmul.f32 v10, v26  }
0x8f: {  	s21 =	simm.s32 $0x380;
	v10 =	vld [tilespmem:s24+$0xFFFFFFF0];
	v13 =	vperm.xlane v6, v1  }
0x90: {  	v5 =	vld [tilespmem:s21+$0x0];
	v9 =	vmul.f32 v9, v27;
	v8 =	vadd.f32 v8, v7  }
0x91: {  	v32 =	vld [tilespmem:s22+$0x30];
	v13 =	vadd.f32 v6, v13  }
0x92: {  	v7 =	vld [tilespmem:s21+$0x10];
	v8 =	vadd.f32 v9, v8;
	v9 =	vmul.f32 v11, v30  }
0x93: {  	v6 =	vld [tilespmem:s21+$0x20];
	v29 =	vperm.xlane v13, v2  }
0x94: {  	v8 =	vadd.f32 v9, v8;
	v9 =	vmul.f32 v10, v31;
	v10 =	vld [tilespmem:s22+$0x20]  }
0x95: {  	v33 =	vld [tilespmem:s22+$0x40];
	v18 =	vmul.f32 v18, v5;
	v13 =	vadd.f32 v13, v29  }
0x96: {  	v11 =	vld [tilespmem:s21+$0x30];
	v29 =	vadd.f32 v9, v8  }
0x97: {  	v35 =	vld [tilespmem:s22+$0x50];
	v9 =	vadd.f32 $0.0e+00, v18;
	v18 =	vmul.f32 v28, v7;
	v28 =	vperm.xlane v13, v3  }
0x98: {  	v8 =	vld [tilespmem:s21+$0x40];
	v34 =	vperm.xlane v29, v1  }
0x99: {  	v54 =	vld [tilespmem:s22+$0x60];
	v18 =	vadd.f32 v18, v9;
	v10 =	vmul.f32 v10, v6;
	v28 =	vadd.f32 v13, v28  }
0x9a: {  	v9 =	vld [tilespmem:s21+$0x50];
	v29 =	vadd.f32 v29, v34  }
0x9b: {  	v55 =	vld [tilespmem:s22+$0x70];
	v10 =	vadd.f32 v10, v18;
	v18 =	vmul.f32 v32, v11;
	v53 =	vperm.xlane v28, v4  }
0x9c: {  	v13 =	vld [tilespmem:s21+$0x60];
	v36 =	vperm.xlane v29, v2  }
0x9d: {  	v56 =	vld [tilespmem:s22+$0xFFFFFF80];
	v33 =	vmul.f32 v33, v8;
	v10 =	vadd.f32 v18, v10;
	v28 =	vadd.f32 v28, v53  }
0x9e: {  	v18 =	vld [tilespmem:s21+$0x70];
	v29 =	vadd.f32 v29, v36  }
0x9f: {  	v57 =	vld [tilespmem:s22+$0xFFFFFF90];
	v35 =	vmul.f32 v35, v9;
	v33 =	vadd.f32 v33, v10;
	v21 =	vmul.f32 v28, v21  }
0xa0: {  	v10 =	vld [tilespmem:s21+$0xFFFFFF80];
	v37 =	vperm.xlane v29, v3  }
0xa1: {  	v58 =	vld [tilespmem:s22+$0xFFFFFFA0];
	v34 =	vmul.f32 v54, v13;
	v33 =	vadd.f32 v35, v33;
	[tilespmem:s20+$0x70] =	vst v21;
	v21 =	vmul.f32 v28, v14  }
0xa2: {  	v38 =	vmul.f32 v28, v12;
	v12 =	vld [tilespmem:s21+$0xFFFFFF90];
	v29 =	vadd.f32 v29, v37  }
0xa3: {  	v15 =	vmul.f32 v28, v15;
	v14 =	vld [tilespmem:s21+$0xFFFFFFA0];
	v32 =	vmul.f32 v55, v18;
	[tilespmem:s20+$0x10] =	vst v21;
	v21 =	vadd.f32 v34, v33  }
0xa4: {  	v17 =	vmul.f32 v28, v17;
	[tilespmem:s20+$0x0] =	vst v38;
	v59 =	vperm.xlane v29, v4  }
0xa5: {  	v19 =	vmul.f32 v28, v19;
	[tilespmem:s20+$0x20] =	vst v15;
	v15 =	vld [tilespmem:s21+$0xFFFFFFB0];
	v36 =	vmul.f32 v56, v10;
	v21 =	vadd.f32 v32, v21  }
0xa6: {  	v16 =	vmul.f32 v28, v16;
	v20 =	vmul.f32 v28, v20;
	[tilespmem:s20+$0x40] =	vst v17;
	v60 =	vadd.f32 v29, v59;
	v29 =	vld [tilespmem:s22+$0xFFFFFFB0]  }
0xa7: {  	v61 =	vld [tilespmem:s22+$0xFFFFFFC0];
	[tilespmem:s20+$0x50] =	vst v19;
	v28 =	vmul.f32 v57, v12;
	v17 =	vadd.f32 $0.0e+00, v36;
	v19 =	vperm.xlane v21, v1  }
0xa8: {  	[tilespmem:s20+$0x30] =	vst v16;
	v16 =	vld [tilespmem:s21+$0xFFFFFFC0];
	v33 =	vmul.f32 v58, v14;
	v22 =	vmul.f32 v60, v22  }
0xa9: {  	[tilespmem:s20+$0x60] =	vst v20;
	v20 =	vmul.f32 v60, v23;
	v28 =	vadd.f32 v28, v17;
	v17 =	vld [tilespmem:s21+$0xFFFFFFD0];
	v19 =	vadd.f32 v21, v19  }
0xaa: {  	v23 =	vld [tilespmem:s22+$0xFFFFFFD0];
	v62 =	vmul.f32 v60, v25;
	[tilespmem:s20+$0xFFFFFF80] =	vst v22;
	v22 =	vmul.f32 v60, v24  }
0xab: {  	v28 =	vadd.f32 v33, v28;
	v21 =	vld [tilespmem:s21+$0xFFFFFFE0];
	[tilespmem:s20+$0xFFFFFF90] =	vst v20;
	v29 =	vmul.f32 v29, v15;
	v20 =	vperm.xlane v19, v2  }
0xac: {  	v63 =	vmul.f32 v60, v26;
	v25 =	vmul.f32 v60, v27;
	v24 =	vld [tilespmem:s22+$0xFFFFFFE0];
	[tilespmem:s20+$0xFFFFFFB0] =	vst v62  }
0xad: {  	[tilespmem:s20+$0xFFFFFFA0] =	vst v22;
	v22 =	vld [tilespmem:s21+$0xFFFFFFF0];
	v28 =	vadd.f32 v29, v28;
	v29 =	vmul.f32 v61, v16;
	v27 =	vadd.f32 v19, v20  }
0xae: {  	s7 =	simm.s32 $0x480;
	s23 =	simm.s32 $0x2;
	v26 =	vld [tilespmem:s22+$0xFFFFFFF0];
	[tilespmem:s20+$0xFFFFFFC0] =	vst v63;
	v19 =	vmul.f32 v60, v30;
	v20 =	vmul.f32 v60, v31  }
.LBB2_4:
0xaf: {  	v30 =	vld [tilespmem:s7+$0x0];
	v28 =	vadd.f32 v29, v28;
	v23 =	vmul.f32 v23, v17;
	v29 =	vperm.xlane v27, v3;
	s22 =	sadd.s32 $0x100, s22;
	[tilespmem:s20+$0xFFFFFFD0] =	vst v25  }
0xb0: {  	s23 =	sadd.s32 $0x2, s23;
	v25 =	vld [tilespmem:s22+$0x0];
	[tilespmem:s20+$0xFFFFFFE0] =	vst v19;
	v19 =	vmov v21  }
0xb1: {  	p0 =	slt.u32 s23, $0x4E;
	v21 =	vld [tilespmem:s7+$0x10];
	v23 =	vadd.f32 v23, v28;
	v24 =	vmul.f32 v24, v19;
	v27 =	vadd.f32 v27, v29;
	[tilespmem:s20+$0xFFFFFFF0] =	vst v20;
	s20 =	smov.u32 s21;
	s21 =	smov.u32 s7  }
0xb2: {  	v28 =	vld [tilespmem:s22+$0x10];
	v20 =	vmov v22  }
0xb3: {  	v22 =	vld [tilespmem:s7+$0x20];
	v23 =	vadd.f32 v24, v23;
	v24 =	vmul.f32 v26, v20;
	v26 =	vperm.xlane v27, v4  }
0xb4: {  	v29 =	vld [tilespmem:s22+$0x20]  }
0xb5: {  	v25 =	vmul.f32 v25, v30;
	v31 =	vld [tilespmem:s7+$0x30];
	v23 =	vadd.f32 v24, v23;
	v24 =	vadd.f32 v27, v26  }
0xb6: {  	v26 =	vld [tilespmem:s22+$0x30]  }
0xb7: {  	v25 =	vadd.f32 $0.0e+00, v25;
	v27 =	vmul.f32 v28, v21;
	v28 =	vld [tilespmem:s7+$0x40];
	v18 =	vmul.f32 v24, v18  }
0xb8: {  	v33 =	vperm.xlane v23, v1;
	v34 =	vmul.f32 v24, v5;
	v5 =	vmov v30;
	v32 =	vld [tilespmem:s22+$0x40]  }
0xb9: {  	v35 =	vmul.f32 v24, v7;
	v25 =	vadd.f32 v27, v25;
	v27 =	vmul.f32 v29, v22;
	v29 =	vld [tilespmem:s7+$0x50];
	[tilespmem:s20+$0x70] =	vst v18  }
0xba: {  	v36 =	vmul.f32 v24, v6;
	v11 =	vmul.f32 v24, v11;
	v23 =	vadd.f32 v23, v33;
	v30 =	vld [tilespmem:s22+$0x50];
	[tilespmem:s20+$0x0] =	vst v34  }
0xbb: {  	v18 =	vadd.f32 v27, v25;
	v25 =	vmul.f32 v26, v31;
	v26 =	vld [tilespmem:s7+$0x60];
	[tilespmem:s20+$0x10] =	vst v35;
	v35 =	vmul.f32 v24, v8  }
0xbc: {  	v7 =	vmovc v21;
	v6 =	vmov v22;
	v34 =	vmul.f32 v24, v9;
	v33 =	vperm.xlane v23, v2;
	v27 =	vld [tilespmem:s22+$0x60];
	[tilespmem:s20+$0x20] =	vst v36  }
0xbd: {  	v21 =	vadd.f32 v25, v18;
	v22 =	vmul.f32 v32, v28;
	v18 =	vld [tilespmem:s7+$0x70];
	[tilespmem:s20+$0x30] =	vst v11;
	v32 =	vmul.f32 v24, v13  }
0xbe: {  	v8 =	vmovc v28;
	v23 =	vadd.f32 v23, v33;
	v11 =	vmov v31;
	v24 =	vld [tilespmem:s22+$0x70];
	[tilespmem:s20+$0x40] =	vst v35;
	v9 =	vmov v29  }
0xbf: {  	v25 =	vld [tilespmem:s22+$0xFFFFFF80];
	v21 =	vadd.f32 v22, v21;
	v22 =	vmul.f32 v30, v9;
	[tilespmem:s20+$0x50] =	vst v34  }
0xc0: {  	v29 =	vperm.xlane v23, v3;
	v28 =	vld [tilespmem:s7+$0xFFFFFF80];
	[tilespmem:s20+$0x60] =	vst v32;
	v13 =	vmov v26  }
0xc1: {  	v26 =	vld [tilespmem:s7+$0xFFFFFF90];
	v21 =	vadd.f32 v22, v21;
	v22 =	vmul.f32 v27, v13  }
0xc2: {  	v23 =	vadd.f32 v23, v29;
	v27 =	vld [tilespmem:s22+$0xFFFFFF90]  }
0xc3: {  	v29 =	vld [tilespmem:s7+$0xFFFFFFA0];
	v21 =	vadd.f32 v22, v21;
	v22 =	vmul.f32 v24, v18  }
0xc4: {  	v30 =	vperm.xlane v23, v4;
	v24 =	vld [tilespmem:s22+$0xFFFFFFA0]  }
0xc5: {  	v25 =	vmul.f32 v25, v28;
	v31 =	vld [tilespmem:s7+$0xFFFFFFB0];
	v21 =	vadd.f32 v22, v21  }
0xc6: {  	v30 =	vadd.f32 v23, v30;
	v22 =	vld [tilespmem:s22+$0xFFFFFFB0]  }
0xc7: {  	v23 =	vadd.f32 $0.0e+00, v25;
	v25 =	vmul.f32 v27, v26;
	v27 =	vld [tilespmem:s7+$0xFFFFFFC0];
	v32 =	vperm.xlane v21, v1  }
0xc8: {  	v34 =	vmul.f32 v30, v10;
	v35 =	vmul.f32 v30, v12;
	v10 =	vmovc v28;
	v12 =	vmov v26;
	v33 =	vld [tilespmem:s22+$0xFFFFFFC0]  }
0xc9: {  	v25 =	vadd.f32 v25, v23;
	v24 =	vmul.f32 v24, v29;
	v36 =	vld [tilespmem:s7+$0xFFFFFFD0];
	v26 =	vadd.f32 v21, v32  }
.Ltmp1:
0xca: {  	v28 =	vmul.f32 v30, v14;
	v14 =	vmovc v29;
	v32 =	vmul.f32 v30, v15;
	v23 =	vld [tilespmem:s22+$0xFFFFFFD0];
	[tilespmem:s20+$0xFFFFFF80] =	vst v34;
	v15 =	vmov v31;
	(pc) =	sbr.rel @p0 .LBB2_4-.Ltmp1, $4  }
0xcb: {  	v29 =	vadd.f32 v24, v25;
	v22 =	vmul.f32 v22, v15;
	v21 =	vld [tilespmem:s7+$0xFFFFFFE0];
	v31 =	vperm.xlane v26, v2;
	[tilespmem:s20+$0xFFFFFF90] =	vst v35  }
0xcc: {  	v34 =	vmul.f32 v30, v16;
	v25 =	vmul.f32 v30, v17;
	v24 =	vld [tilespmem:s22+$0xFFFFFFE0];
	[tilespmem:s20+$0xFFFFFFA0] =	vst v28;
	v16 =	vmov v27  }
0xcd: {  	v28 =	vadd.f32 v22, v29;
	v29 =	vmul.f32 v33, v16;
	v22 =	vld [tilespmem:s7+$0xFFFFFFF0];
	v27 =	vadd.f32 v26, v31;
	[tilespmem:s20+$0xFFFFFFB0] =	vst v32  }
0xce: {  	v19 =	vmul.f32 v30, v19;
	v20 =	vmul.f32 v30, v20;
	s7 =	sadd.s32 $0x100, s7;
	v26 =	vld [tilespmem:s22+$0xFFFFFFF0];
	[tilespmem:s20+$0xFFFFFFC0] =	vst v34;
	v17 =	vmov v36  }
0xcf: {  	v28 =	vadd.f32 v29, v28;
	v23 =	vmul.f32 v23, v17;
	_ =	sdelay $0x1  }
0xd0: {  	v23 =	vadd.f32 v23, v28;
	v24 =	vmul.f32 v24, v21;
	_ =	sdelay $0x1  }
0xd1: {  	v23 =	vadd.f32 v24, v23;
	v24 =	vmul.f32 v26, v22;
	_ =	sdelay $0x1  }
0xd2: {  	v23 =	vadd.f32 v24, v23;
	_ =	sdelay $0x1  }
0xd3: {  	v24 =	vperm.xlane v27, v3;
	v26 =	vperm.xlane v23, v1;
	_ =	sdelay $0x1  }
0xd4: {  	v24 =	vadd.f32 v27, v24;
	v23 =	vadd.f32 v23, v26;
	_ =	sdelay $0x1  }
0xd5: {  	v26 =	vperm.xlane v24, v4;
	v27 =	vperm.xlane v23, v2;
	_ =	sdelay $0x1  }
0xd6: {  	v24 =	vadd.f32 v24, v26;
	v23 =	vadd.f32 v23, v27  }
0xd7: {  	[tilespmem:s20+$0xFFFFFFD0] =	vst v25  }
0xd8: {  	[tilespmem:s20+$0xFFFFFFE0] =	vst v19;
	v18 =	vmul.f32 v24, v18;
	v19 =	vperm.xlane v23, v3  }
0xd9: {  	[tilespmem:s20+$0xFFFFFFF0] =	vst v20;
	v5 =	vmul.f32 v24, v5  }
0xda: {  	v7 =	vmul.f32 v24, v7;
	[tilespmem:s21+$0x70] =	vst v18;
	v18 =	vadd.f32 v23, v19  }
0xdb: {  	[tilespmem:s21+$0x0] =	vst v5;
	v5 =	vmul.f32 v24, v6  }
0xdc: {  	v6 =	vmul.f32 v24, v11;
	[tilespmem:s21+$0x10] =	vst v7;
	v7 =	vperm.xlane v18, v4  }
0xdd: {  	v8 =	vmul.f32 v24, v8;
	[tilespmem:s21+$0x20] =	vst v5  }
0xde: {  	v5 =	vmul.f32 v24, v9;
	[tilespmem:s21+$0x30] =	vst v6;
	v6 =	vadd.f32 v18, v7  }
0xdf: {  	[tilespmem:s21+$0x40] =	vst v8;
	v7 =	vmul.f32 v24, v13  }
0xe0: {  	[tilespmem:s21+$0x50] =	vst v5;
	v5 =	vmul.f32 v6, v10  }
0xe1: {  	[tilespmem:s21+$0x60] =	vst v7;
	v7 =	vmul.f32 v6, v12  }
0xe2: {  	[tilespmem:s21+$0xFFFFFF80] =	vst v5;
	v5 =	vmul.f32 v6, v14  }
0xe3: {  	v8 =	vmul.f32 v6, v15;
	[tilespmem:s21+$0xFFFFFF90] =	vst v7  }
0xe4: {  	[tilespmem:s21+$0xFFFFFFA0] =	vst v5;
	v5 =	vmul.f32 v6, v16  }
0xe5: {  	v7 =	vmul.f32 v6, v17;
	[tilespmem:s21+$0xFFFFFFB0] =	vst v8  }
0xe6: {  	[tilespmem:s21+$0xFFFFFFC0] =	vst v5;
	v5 =	vmul.f32 v6, v21  }
0xe7: {  	[tilespmem:s21+$0xFFFFFFD0] =	vst v7;
	v6 =	vmul.f32 v6, v22  }
0xe8: {  	[tilespmem:s21+$0xFFFFFFE0] =	vst v5  }
0xe9: {  	[tilespmem:s21+$0xFFFFFFF0] =	vst v6  }
0xea: {  	[spmem:s2] =	stream.indirect.scatter.add.f32 [tilespmem:s25], [sflag:$0x5], $0x80, s28, s31, $0xb8;
	[tilespmem:$0x1E200] =	vst v63  }
0xeb: {  	_ =	swait.ge [sflag:s13], $0x2800  }
0xec: {  	[sflag:s13] =	ssyncset.done $0x0  }
0xed: {  	[sflag:s13] =	ssyncadd.s32 $0xFFFFD800  }
0xee: {  	_ =	swait.ge [sflag:s14], $0x2800  }
0xef: {  	[sflag:s14] =	ssyncset.done $0x0  }
0xf0: {  	[sflag:s14] =	ssyncadd.s32 $0xFFFFD800  }
0xf1: {  	_ =	swait.ge [sflag:s17], $0x2800  }
0xf2: {  	[sflag:s17] =	ssyncset.done $0x0  }
0xf3: {  	s7 =	rddreg [dreg:$0x10];
	[sflag:s17] =	ssyncadd.s32 $0xFFFFD800  }
0xf4: {  	[tilespmem:s4], [sflag:$0x7] =	stream.linear.gather [hbm4b:s7+s4], $0x50, $0x38;
	[tilespmem:$0x1E200] =	vst v63  }
0xf5: {  	s23 =	rddreg [dreg:$0x11]  }
0xf6: {  	[tilespmem:s28], [sflag:$0x8] =	stream.linear.gather [hbm4b:s23+s4], $0x50, $0x38;
	[tilespmem:$0x1E200] =	vst v63  }
0xf7: {  	_ =	swait.ge [sflag:s29], $0x50  }
0xf8: {  	[sflag:s29] =	ssyncset.done $0x0  }
0xf9: {  	[sflag:s29] =	ssyncadd.s32 $0xFFFFFFB0  }
0xfa: {  	_ =	swait.ge [sflag:s30], $0x50  }
0xfb: {  	[sflag:s30] =	ssyncset.done $0x0  }
0xfc: {  	[sflag:s30] =	ssyncadd.s32 $0xFFFFFFB0  }
0xfd: {  	[tilespmem:s25], [sflag:$0x1] =	stream.indirect.gather [hbm4b:s5+s31], $0x80, s4, s31, $0xb8;
	[tilespmem:$0x1E200] =	vst v63  }
0xfe: {  	s20 =	simm.s32 $0x2A80  }
0xff: {  	[tilespmem:s0], [sflag:$0x3] =	stream.indirect.gather [hbm4b:s5+s31], $0x80, s28, s31, $0xb8;
	[tilespmem:$0x1E200] =	vst v63  }
0x100: {  	s24 =	simm.s32 $0x7A80;
	v12 =	vld [tilespmem:s20+$0x0]  }
0x101: {  	v5 =	vld [tilespmem:s24+$0x0]  }
0x102: {  	v14 =	vld [tilespmem:s20+$0x10]  }
0x103: {  	v6 =	vld [tilespmem:s24+$0x10]  }
0x104: {  	v15 =	vld [tilespmem:s20+$0x20]  }
0x105: {  	v7 =	vld [tilespmem:s24+$0x20]  }
0x106: {  	v16 =	vld [tilespmem:s20+$0x30]  }
0x107: {  	v8 =	vld [tilespmem:s24+$0x30]  }
0x108: {  	v17 =	vld [tilespmem:s20+$0x40]  }
0x109: {  	v9 =	vld [tilespmem:s24+$0x40]  }
0x10a: {  	v19 =	vld [tilespmem:s20+$0x50]  }
0x10b: {  	v10 =	vld [tilespmem:s24+$0x50]  }
0x10c: {  	v20 =	vld [tilespmem:s20+$0x60]  }
0x10d: {  	v11 =	vld [tilespmem:s24+$0x60]  }
0x10e: {  	v21 =	vld [tilespmem:s20+$0x70]  }
0x10f: {  	v13 =	vld [tilespmem:s24+$0x70];
	v5 =	vmul.f32 v5, v12  }
0x110: {  	v18 =	vld [tilespmem:s24+$0xFFFFFF80]  }
0x111: {  	v22 =	vld [tilespmem:s20+$0xFFFFFF80];
	v6 =	vmul.f32 v6, v14;
	v5 =	vadd.f32 $0.0e+00, v5  }
0x112: {  	v23 =	vld [tilespmem:s20+$0xFFFFFF90]  }
0x113: {  	v24 =	vld [tilespmem:s20+$0xFFFFFFA0];
	v5 =	vadd.f32 v6, v5;
	v6 =	vmul.f32 v7, v15  }
0x114: {  	v25 =	vld [tilespmem:s20+$0xFFFFFFB0]  }
0x115: {  	v7 =	vld [tilespmem:s24+$0xFFFFFF90];
	v5 =	vadd.f32 v6, v5;
	v6 =	vmul.f32 v8, v16  }
0x116: {  	v26 =	vld [tilespmem:s20+$0xFFFFFFC0]  }
0x117: {  	v8 =	vld [tilespmem:s24+$0xFFFFFFA0];
	v5 =	vadd.f32 v6, v5;
	v6 =	vmul.f32 v9, v17  }
0x118: {  	v27 =	vld [tilespmem:s20+$0xFFFFFFD0];
	v9 =	vmul.f32 v18, v22  }
0x119: {  	v18 =	vld [tilespmem:s24+$0xFFFFFFB0];
	v5 =	vadd.f32 v6, v5;
	v6 =	vmul.f32 v10, v19  }
0x11a: {  	v30 =	vld [tilespmem:s20+$0xFFFFFFE0];
	v7 =	vmul.f32 v7, v23;
	v9 =	vadd.f32 $0.0e+00, v9  }
0x11b: {  	v10 =	vld [tilespmem:s24+$0xFFFFFFC0];
	v5 =	vadd.f32 v6, v5;
	v6 =	vmul.f32 v11, v20  }
0x11c: {  	v31 =	vld [tilespmem:s20+$0xFFFFFFF0];
	v8 =	vmul.f32 v8, v24;
	v7 =	vadd.f32 v7, v9  }
0x11d: {  	s22 =	simm.s32 $0x7B80;
	v9 =	vld [tilespmem:s24+$0xFFFFFFD0];
	v5 =	vadd.f32 v6, v5;
	v6 =	vmul.f32 v13, v21  }
0x11e: {  	v28 =	vld [tilespmem:s22+$0x10];
	v7 =	vadd.f32 v8, v7;
	v8 =	vmul.f32 v18, v25  }
0x11f: {  	v11 =	vld [tilespmem:s24+$0xFFFFFFE0];
	v6 =	vadd.f32 v6, v5  }
0x120: {  	v18 =	vld [tilespmem:s22+$0x0];
	v7 =	vadd.f32 v8, v7;
	v8 =	vmul.f32 v10, v26  }
0x121: {  	s21 =	simm.s32 $0x2B80;
	v10 =	vld [tilespmem:s24+$0xFFFFFFF0];
	v13 =	vperm.xlane v6, v1  }
0x122: {  	v5 =	vld [tilespmem:s21+$0x0];
	v9 =	vmul.f32 v9, v27;
	v8 =	vadd.f32 v8, v7  }
0x123: {  	v32 =	vld [tilespmem:s22+$0x30];
	v13 =	vadd.f32 v6, v13  }
0x124: {  	v7 =	vld [tilespmem:s21+$0x10];
	v8 =	vadd.f32 v9, v8;
	v9 =	vmul.f32 v11, v30  }
0x125: {  	v6 =	vld [tilespmem:s21+$0x20];
	v29 =	vperm.xlane v13, v2  }
0x126: {  	v8 =	vadd.f32 v9, v8;
	v9 =	vmul.f32 v10, v31;
	v10 =	vld [tilespmem:s22+$0x20]  }
0x127: {  	v33 =	vld [tilespmem:s22+$0x40];
	v18 =	vmul.f32 v18, v5;
	v13 =	vadd.f32 v13, v29  }
0x128: {  	v11 =	vld [tilespmem:s21+$0x30];
	v29 =	vadd.f32 v9, v8  }
0x129: {  	v35 =	vld [tilespmem:s22+$0x50];
	v9 =	vadd.f32 $0.0e+00, v18;
	v18 =	vmul.f32 v28, v7;
	v28 =	vperm.xlane v13, v3  }
0x12a: {  	v8 =	vld [tilespmem:s21+$0x40];
	v34 =	vperm.xlane v29, v1  }
0x12b: {  	v54 =	vld [tilespmem:s22+$0x60];
	v18 =	vadd.f32 v18, v9;
	v10 =	vmul.f32 v10, v6;
	v28 =	vadd.f32 v13, v28  }
0x12c: {  	v9 =	vld [tilespmem:s21+$0x50];
	v29 =	vadd.f32 v29, v34  }
0x12d: {  	v55 =	vld [tilespmem:s22+$0x70];
	v10 =	vadd.f32 v10, v18;
	v18 =	vmul.f32 v32, v11;
	v53 =	vperm.xlane v28, v4  }
0x12e: {  	v13 =	vld [tilespmem:s21+$0x60];
	v36 =	vperm.xlane v29, v2  }
0x12f: {  	v56 =	vld [tilespmem:s22+$0xFFFFFF80];
	v33 =	vmul.f32 v33, v8;
	v10 =	vadd.f32 v18, v10;
	v28 =	vadd.f32 v28, v53  }
0x130: {  	v18 =	vld [tilespmem:s21+$0x70];
	v29 =	vadd.f32 v29, v36  }
0x131: {  	v57 =	vld [tilespmem:s22+$0xFFFFFF90];
	v35 =	vmul.f32 v35, v9;
	v33 =	vadd.f32 v33, v10;
	v21 =	vmul.f32 v28, v21  }
0x132: {  	v10 =	vld [tilespmem:s21+$0xFFFFFF80];
	v37 =	vperm.xlane v29, v3  }
0x133: {  	v58 =	vld [tilespmem:s22+$0xFFFFFFA0];
	v34 =	vmul.f32 v54, v13;
	v33 =	vadd.f32 v35, v33;
	[tilespmem:s20+$0x70] =	vst v21;
	v21 =	vmul.f32 v28, v14  }
0x134: {  	v38 =	vmul.f32 v28, v12;
	v12 =	vld [tilespmem:s21+$0xFFFFFF90];
	v29 =	vadd.f32 v29, v37  }
0x135: {  	v15 =	vmul.f32 v28, v15;
	v14 =	vld [tilespmem:s21+$0xFFFFFFA0];
	v32 =	vmul.f32 v55, v18;
	[tilespmem:s20+$0x10] =	vst v21;
	v21 =	vadd.f32 v34, v33  }
0x136: {  	v17 =	vmul.f32 v28, v17;
	[tilespmem:s20+$0x0] =	vst v38;
	v59 =	vperm.xlane v29, v4  }
0x137: {  	v19 =	vmul.f32 v28, v19;
	[tilespmem:s20+$0x20] =	vst v15;
	v15 =	vld [tilespmem:s21+$0xFFFFFFB0];
	v36 =	vmul.f32 v56, v10;
	v21 =	vadd.f32 v32, v21  }
0x138: {  	v16 =	vmul.f32 v28, v16;
	v20 =	vmul.f32 v28, v20;
	[tilespmem:s20+$0x40] =	vst v17;
	v60 =	vadd.f32 v29, v59;
	v29 =	vld [tilespmem:s22+$0xFFFFFFB0]  }
0x139: {  	v61 =	vld [tilespmem:s22+$0xFFFFFFC0];
	[tilespmem:s20+$0x50] =	vst v19;
	v28 =	vmul.f32 v57, v12;
	v17 =	vadd.f32 $0.0e+00, v36;
	v19 =	vperm.xlane v21, v1  }
0x13a: {  	[tilespmem:s20+$0x30] =	vst v16;
	v16 =	vld [tilespmem:s21+$0xFFFFFFC0];
	v33 =	vmul.f32 v58, v14;
	v22 =	vmul.f32 v60, v22  }
0x13b: {  	[tilespmem:s20+$0x60] =	vst v20;
	v20 =	vmul.f32 v60, v23;
	v28 =	vadd.f32 v28, v17;
	v17 =	vld [tilespmem:s21+$0xFFFFFFD0];
	v19 =	vadd.f32 v21, v19  }
0x13c: {  	v23 =	vld [tilespmem:s22+$0xFFFFFFD0];
	v62 =	vmul.f32 v60, v25;
	[tilespmem:s20+$0xFFFFFF80] =	vst v22;
	v22 =	vmul.f32 v60, v24  }
0x13d: {  	v28 =	vadd.f32 v33, v28;
	v21 =	vld [tilespmem:s21+$0xFFFFFFE0];
	[tilespmem:s20+$0xFFFFFF90] =	vst v20;
	v29 =	vmul.f32 v29, v15;
	v20 =	vperm.xlane v19, v2  }
0x13e: {  	v63 =	vmul.f32 v60, v26;
	v25 =	vmul.f32 v60, v27;
	v24 =	vld [tilespmem:s22+$0xFFFFFFE0];
	[tilespmem:s20+$0xFFFFFFB0] =	vst v62  }
0x13f: {  	[tilespmem:s20+$0xFFFFFFA0] =	vst v22;
	v22 =	vld [tilespmem:s21+$0xFFFFFFF0];
	v28 =	vadd.f32 v29, v28;
	v29 =	vmul.f32 v61, v16;
	v27 =	vadd.f32 v19, v20  }
0x140: {  	s7 =	simm.s32 $0x2C80;
	s23 =	simm.s32 $0x2;
	v26 =	vld [tilespmem:s22+$0xFFFFFFF0];
	[tilespmem:s20+$0xFFFFFFC0] =	vst v63;
	v19 =	vmul.f32 v60, v30;
	v20 =	vmul.f32 v60, v31  }
.LBB2_6:
0x141: {  	v30 =	vld [tilespmem:s7+$0x0];
	v28 =	vadd.f32 v29, v28;
	v23 =	vmul.f32 v23, v17;
	v29 =	vperm.xlane v27, v3;
	s22 =	sadd.s32 $0x100, s22;
	[tilespmem:s20+$0xFFFFFFD0] =	vst v25  }
0x142: {  	s23 =	sadd.s32 $0x2, s23;
	v25 =	vld [tilespmem:s22+$0x0];
	[tilespmem:s20+$0xFFFFFFE0] =	vst v19;
	v19 =	vmov v21  }
0x143: {  	p0 =	slt.u32 s23, $0x4E;
	v21 =	vld [tilespmem:s7+$0x10];
	v23 =	vadd.f32 v23, v28;
	v24 =	vmul.f32 v24, v19;
	v27 =	vadd.f32 v27, v29;
	[tilespmem:s20+$0xFFFFFFF0] =	vst v20;
	s20 =	smov.u32 s21;
	s21 =	smov.u32 s7  }
0x144: {  	v28 =	vld [tilespmem:s22+$0x10];
	v20 =	vmov v22  }
0x145: {  	v22 =	vld [tilespmem:s7+$0x20];
	v23 =	vadd.f32 v24, v23;
	v24 =	vmul.f32 v26, v20;
	v26 =	vperm.xlane v27, v4  }
0x146: {  	v29 =	vld [tilespmem:s22+$0x20]  }
0x147: {  	v25 =	vmul.f32 v25, v30;
	v31 =	vld [tilespmem:s7+$0x30];
	v23 =	vadd.f32 v24, v23;
	v24 =	vadd.f32 v27, v26  }
0x148: {  	v26 =	vld [tilespmem:s22+$0x30]  }
0x149: {  	v25 =	vadd.f32 $0.0e+00, v25;
	v27 =	vmul.f32 v28, v21;
	v28 =	vld [tilespmem:s7+$0x40];
	v18 =	vmul.f32 v24, v18  }
0x14a: {  	v33 =	vperm.xlane v23, v1;
	v34 =	vmul.f32 v24, v5;
	v5 =	vmov v30;
	v32 =	vld [tilespmem:s22+$0x40]  }
0x14b: {  	v35 =	vmul.f32 v24, v7;
	v25 =	vadd.f32 v27, v25;
	v27 =	vmul.f32 v29, v22;
	v29 =	vld [tilespmem:s7+$0x50];
	[tilespmem:s20+$0x70] =	vst v18  }
0x14c: {  	v36 =	vmul.f32 v24, v6;
	v11 =	vmul.f32 v24, v11;
	v23 =	vadd.f32 v23, v33;
	v30 =	vld [tilespmem:s22+$0x50];
	[tilespmem:s20+$0x0] =	vst v34  }
0x14d: {  	v18 =	vadd.f32 v27, v25;
	v25 =	vmul.f32 v26, v31;
	v26 =	vld [tilespmem:s7+$0x60];
	[tilespmem:s20+$0x10] =	vst v35;
	v35 =	vmul.f32 v24, v8  }
0x14e: {  	v7 =	vmovc v21;
	v6 =	vmov v22;
	v34 =	vmul.f32 v24, v9;
	v33 =	vperm.xlane v23, v2;
	v27 =	vld [tilespmem:s22+$0x60];
	[tilespmem:s20+$0x20] =	vst v36  }
0x14f: {  	v21 =	vadd.f32 v25, v18;
	v22 =	vmul.f32 v32, v28;
	v18 =	vld [tilespmem:s7+$0x70];
	[tilespmem:s20+$0x30] =	vst v11;
	v32 =	vmul.f32 v24, v13  }
0x150: {  	v8 =	vmovc v28;
	v23 =	vadd.f32 v23, v33;
	v11 =	vmov v31;
	v24 =	vld [tilespmem:s22+$0x70];
	[tilespmem:s20+$0x40] =	vst v35;
	v9 =	vmov v29  }
0x151: {  	v25 =	vld [tilespmem:s22+$0xFFFFFF80];
	v21 =	vadd.f32 v22, v21;
	v22 =	vmul.f32 v30, v9;
	[tilespmem:s20+$0x50] =	vst v34  }
0x152: {  	v29 =	vperm.xlane v23, v3;
	v28 =	vld [tilespmem:s7+$0xFFFFFF80];
	[tilespmem:s20+$0x60] =	vst v32;
	v13 =	vmov v26  }
0x153: {  	v26 =	vld [tilespmem:s7+$0xFFFFFF90];
	v21 =	vadd.f32 v22, v21;
	v22 =	vmul.f32 v27, v13  }
0x154: {  	v23 =	vadd.f32 v23, v29;
	v27 =	vld [tilespmem:s22+$0xFFFFFF90]  }
0x155: {  	v29 =	vld [tilespmem:s7+$0xFFFFFFA0];
	v21 =	vadd.f32 v22, v21;
	v22 =	vmul.f32 v24, v18  }
0x156: {  	v30 =	vperm.xlane v23, v4;
	v24 =	vld [tilespmem:s22+$0xFFFFFFA0]  }
0x157: {  	v25 =	vmul.f32 v25, v28;
	v31 =	vld [tilespmem:s7+$0xFFFFFFB0];
	v21 =	vadd.f32 v22, v21  }
0x158: {  	v30 =	vadd.f32 v23, v30;
	v22 =	vld [tilespmem:s22+$0xFFFFFFB0]  }
0x159: {  	v23 =	vadd.f32 $0.0e+00, v25;
	v25 =	vmul.f32 v27, v26;
	v27 =	vld [tilespmem:s7+$0xFFFFFFC0];
	v32 =	vperm.xlane v21, v1  }
0x15a: {  	v34 =	vmul.f32 v30, v10;
	v35 =	vmul.f32 v30, v12;
	v10 =	vmovc v28;
	v12 =	vmov v26;
	v33 =	vld [tilespmem:s22+$0xFFFFFFC0]  }
0x15b: {  	v25 =	vadd.f32 v25, v23;
	v24 =	vmul.f32 v24, v29;
	v36 =	vld [tilespmem:s7+$0xFFFFFFD0];
	v26 =	vadd.f32 v21, v32  }
.Ltmp2:
0x15c: {  	v28 =	vmul.f32 v30, v14;
	v14 =	vmovc v29;
	v32 =	vmul.f32 v30, v15;
	v23 =	vld [tilespmem:s22+$0xFFFFFFD0];
	[tilespmem:s20+$0xFFFFFF80] =	vst v34;
	v15 =	vmov v31;
	(pc) =	sbr.rel @p0 .LBB2_6-.Ltmp2, $4  }
0x15d: {  	v29 =	vadd.f32 v24, v25;
	v22 =	vmul.f32 v22, v15;
	v21 =	vld [tilespmem:s7+$0xFFFFFFE0];
	v31 =	vperm.xlane v26, v2;
	[tilespmem:s20+$0xFFFFFF90] =	vst v35  }
0x15e: {  	v34 =	vmul.f32 v30, v16;
	v25 =	vmul.f32 v30, v17;
	v24 =	vld [tilespmem:s22+$0xFFFFFFE0];
	[tilespmem:s20+$0xFFFFFFA0] =	vst v28;
	v16 =	vmov v27  }
0x15f: {  	v28 =	vadd.f32 v22, v29;
	v29 =	vmul.f32 v33, v16;
	v22 =	vld [tilespmem:s7+$0xFFFFFFF0];
	v27 =	vadd.f32 v26, v31;
	[tilespmem:s20+$0xFFFFFFB0] =	vst v32  }
0x160: {  	v19 =	vmul.f32 v30, v19;
	v20 =	vmul.f32 v30, v20;
	s7 =	sadd.s32 $0x100, s7;
	v26 =	vld [tilespmem:s22+$0xFFFFFFF0];
	[tilespmem:s20+$0xFFFFFFC0] =	vst v34;
	v17 =	vmov v36  }
0x161: {  	v28 =	vadd.f32 v29, v28;
	v23 =	vmul.f32 v23, v17;
	_ =	sdelay $0x1  }
0x162: {  	v23 =	vadd.f32 v23, v28;
	v24 =	vmul.f32 v24, v21;
	_ =	sdelay $0x1  }
0x163: {  	v23 =	vadd.f32 v24, v23;
	v56 =	vmul.f32 v26, v22;
	_ =	sdelay $0x1  }
0x164: {  	v23 =	vadd.f32 v56, v23;
	_ =	sdelay $0x1  }
0x165: {  	v57 =	vperm.xlane v27, v3;
	v58 =	vperm.xlane v23, v1;
	_ =	sdelay $0x1  }
0x166: {  	v24 =	vadd.f32 v27, v57;
	v23 =	vadd.f32 v23, v58;
	_ =	sdelay $0x1  }
0x167: {  	v59 =	vperm.xlane v24, v4;
	v60 =	vperm.xlane v23, v2;
	_ =	sdelay $0x1  }
0x168: {  	v24 =	vadd.f32 v24, v59;
	v23 =	vadd.f32 v23, v60  }
0x169: {  	[tilespmem:s20+$0xFFFFFFD0] =	vst v25  }
0x16a: {  	[tilespmem:s20+$0xFFFFFFE0] =	vst v19;
	v18 =	vmul.f32 v24, v18;
	v61 =	vperm.xlane v23, v3  }
0x16b: {  	[tilespmem:s20+$0xFFFFFFF0] =	vst v20;
	v5 =	vmul.f32 v24, v5  }
0x16c: {  	v7 =	vmul.f32 v24, v7;
	[tilespmem:s21+$0x70] =	vst v18;
	v62 =	vadd.f32 v23, v61  }
0x16d: {  	[tilespmem:s21+$0x0] =	vst v5;
	v5 =	vmul.f32 v24, v6  }
0x16e: {  	v6 =	vmul.f32 v24, v11;
	[tilespmem:s21+$0x10] =	vst v7;
	v7 =	vperm.xlane v62, v4  }
0x16f: {  	v8 =	vmul.f32 v24, v8;
	[tilespmem:s21+$0x20] =	vst v5  }
0x170: {  	v5 =	vmul.f32 v24, v9;
	[tilespmem:s21+$0x30] =	vst v6;
	v6 =	vadd.f32 v62, v7  }
0x171: {  	[tilespmem:s21+$0x40] =	vst v8;
	v7 =	vmul.f32 v24, v13  }
0x172: {  	[tilespmem:s21+$0x50] =	vst v5;
	v5 =	vmul.f32 v6, v10  }
0x173: {  	[tilespmem:s21+$0x60] =	vst v7;
	v7 =	vmul.f32 v6, v12  }
0x174: {  	[tilespmem:s21+$0xFFFFFF80] =	vst v5;
	v5 =	vmul.f32 v6, v14  }
0x175: {  	v63 =	vmul.f32 v6, v15;
	[tilespmem:s21+$0xFFFFFF90] =	vst v7  }
0x176: {  	[tilespmem:s21+$0xFFFFFFA0] =	vst v5;
	v5 =	vmul.f32 v6, v16  }
0x177: {  	v7 =	vmul.f32 v6, v17;
	[tilespmem:s21+$0xFFFFFFB0] =	vst v63  }
0x178: {  	[tilespmem:s21+$0xFFFFFFC0] =	vst v5;
	v5 =	vmul.f32 v6, v21  }
0x179: {  	[tilespmem:s21+$0xFFFFFFD0] =	vst v7;
	v6 =	vmul.f32 v6, v22  }
0x17a: {  	[tilespmem:s21+$0xFFFFFFE0] =	vst v5  }
0x17b: {  	s20 =	simm.s32 $0x1;
	[tilespmem:s21+$0xFFFFFFF0] =	vst v6  }
0x17c: {  	[spmem:s2] =	stream.indirect.scatter.add.f32 [tilespmem:s11], [sflag:$0x6], $0x80, s10, s31, $0xb8;
	[tilespmem:$0x1E200] =	vst v63  }
.LBB2_8:
0x17d: {  	_ =	swait.ge [sflag:s3], $0x2800  }
0x17e: {  	[sflag:s3] =	ssyncset.done $0x0  }
0x17f: {  	[sflag:s3] =	ssyncadd.s32 $0xFFFFD800  }
0x180: {  	_ =	swait.ge [sflag:s8], $0x2800  }
0x181: {  	s21 =	smul.u32 $0xA0, s20;
	[sflag:s8] =	ssyncset.done $0x0  }
0x182: {  	[sflag:s8] =	ssyncadd.s32 $0xFFFFD800  }
0x183: {  	s7 =	sadd.s32 s21, s15;
	_ =	swait.ge [sflag:s18], $0x2800  }
0x184: {  	s7 =	sshrl.u32 s7, $0x3;
	[sflag:s18] =	ssyncset.done $0x0  }
0x185: {  	s19 =	sadd.s32 s6, s7;
	[sflag:s18] =	ssyncadd.s32 $0xFFFFD800  }
0x186: {  	[tilespmem:s9], [sflag:$0x7] =	stream.linear.gather [hbm4b:s19+s4], $0x50, $0x38;
	[tilespmem:$0x1E200] =	vst v63  }
0x187: {  	s7 =	sadd.s32 s1, s7  }
0x188: {  	[tilespmem:s10], [sflag:$0x8] =	stream.linear.gather [hbm4b:s7+s4], $0x50, $0x38;
	[tilespmem:$0x1E200] =	vst v63  }
0x189: {  	_ =	swait.ge [sflag:s29], $0x50  }
0x18a: {  	[sflag:s29] =	ssyncset.done $0x0  }
0x18b: {  	[sflag:s29] =	ssyncadd.s32 $0xFFFFFFB0  }
0x18c: {  	_ =	swait.ge [sflag:s30], $0x50  }
0x18d: {  	[sflag:s30] =	ssyncset.done $0x0  }
0x18e: {  	[sflag:s30] =	ssyncadd.s32 $0xFFFFFFB0  }
0x18f: {  	[tilespmem:s11], [sflag:$0x2] =	stream.indirect.gather [hbm4b:s5+s31], $0x80, s9, s31, $0xb8;
	[tilespmem:$0x1E200] =	vst v63  }
0x190: {  	s22 =	simm.s32 $0x280  }
0x191: {  	[tilespmem:s12], [sflag:$0x4] =	stream.indirect.gather [hbm4b:s5+s31], $0x80, s10, s31, $0xb8;
	[tilespmem:$0x1E200] =	vst v63  }
0x192: {  	s24 =	simm.s32 $0x5280;
	v12 =	vld [tilespmem:s22+$0x0]  }
0x193: {  	v5 =	vld [tilespmem:s24+$0x0]  }
0x194: {  	v14 =	vld [tilespmem:s22+$0x10]  }
0x195: {  	v6 =	vld [tilespmem:s24+$0x10]  }
0x196: {  	v15 =	vld [tilespmem:s22+$0x20]  }
0x197: {  	v7 =	vld [tilespmem:s24+$0x20]  }
0x198: {  	v16 =	vld [tilespmem:s22+$0x30]  }
0x199: {  	v8 =	vld [tilespmem:s24+$0x30]  }
0x19a: {  	v17 =	vld [tilespmem:s22+$0x40]  }
0x19b: {  	v9 =	vld [tilespmem:s24+$0x40]  }
0x19c: {  	v19 =	vld [tilespmem:s22+$0x50]  }
0x19d: {  	v10 =	vld [tilespmem:s24+$0x50]  }
0x19e: {  	v20 =	vld [tilespmem:s22+$0x60]  }
0x19f: {  	v11 =	vld [tilespmem:s24+$0x60]  }
0x1a0: {  	v21 =	vld [tilespmem:s22+$0x70];
	v5 =	vmul.f32 v5, v12  }
0x1a1: {  	v13 =	vld [tilespmem:s24+$0x70]  }
0x1a2: {  	v18 =	vld [tilespmem:s24+$0xFFFFFF80];
	v6 =	vmul.f32 v6, v14;
	v5 =	vadd.f32 $0.0e+00, v5  }
0x1a3: {  	v22 =	vld [tilespmem:s22+$0xFFFFFF80]  }
0x1a4: {  	v23 =	vld [tilespmem:s22+$0xFFFFFF90];
	v5 =	vadd.f32 v6, v5;
	v6 =	vmul.f32 v7, v15  }
0x1a5: {  	v24 =	vld [tilespmem:s22+$0xFFFFFFA0]  }
0x1a6: {  	v7 =	vld [tilespmem:s24+$0xFFFFFF90];
	v5 =	vadd.f32 v6, v5;
	v6 =	vmul.f32 v8, v16  }
0x1a7: {  	v25 =	vld [tilespmem:s22+$0xFFFFFFB0]  }
0x1a8: {  	v8 =	vld [tilespmem:s24+$0xFFFFFFA0];
	v5 =	vadd.f32 v6, v5;
	v6 =	vmul.f32 v9, v17  }
0x1a9: {  	v26 =	vld [tilespmem:s22+$0xFFFFFFC0];
	v9 =	vmul.f32 v18, v22  }
0x1aa: {  	v18 =	vld [tilespmem:s24+$0xFFFFFFB0];
	v5 =	vadd.f32 v6, v5;
	v6 =	vmul.f32 v10, v19  }
0x1ab: {  	v27 =	vld [tilespmem:s22+$0xFFFFFFD0];
	v7 =	vmul.f32 v7, v23;
	v9 =	vadd.f32 $0.0e+00, v9  }
0x1ac: {  	v10 =	vld [tilespmem:s24+$0xFFFFFFC0];
	v5 =	vadd.f32 v6, v5;
	v6 =	vmul.f32 v11, v20  }
0x1ad: {  	v30 =	vld [tilespmem:s22+$0xFFFFFFE0];
	v8 =	vmul.f32 v8, v24;
	v7 =	vadd.f32 v7, v9  }
0x1ae: {  	v31 =	vld [tilespmem:s22+$0xFFFFFFF0];
	v5 =	vadd.f32 v6, v5  }
0x1af: {  	v9 =	vld [tilespmem:s24+$0xFFFFFFD0];
	v6 =	vmul.f32 v13, v21;
	v7 =	vadd.f32 v8, v7;
	v8 =	vmul.f32 v18, v25  }
0x1b0: {  	v11 =	vld [tilespmem:s24+$0xFFFFFFE0]  }
0x1b1: {  	s23 =	simm.s32 $0x380;
	v6 =	vadd.f32 v6, v5;
	v7 =	vadd.f32 v8, v7;
	v8 =	vmul.f32 v10, v26;
	v10 =	vld [tilespmem:s24+$0xFFFFFFF0]  }
0x1b2: {  	v5 =	vld [tilespmem:s23+$0x0];
	s24 =	simm.s32 $0x5380  }
0x1b3: {  	v18 =	vld [tilespmem:s24+$0x0];
	v13 =	vperm.xlane v6, v1  }
0x1b4: {  	v9 =	vmul.f32 v9, v27;
	v28 =	vld [tilespmem:s24+$0x10];
	v8 =	vadd.f32 v8, v7  }
0x1b5: {  	v32 =	vld [tilespmem:s24+$0x30];
	v13 =	vadd.f32 v6, v13  }
0x1b6: {  	v7 =	vld [tilespmem:s23+$0x10];
	v8 =	vadd.f32 v9, v8;
	v9 =	vmul.f32 v11, v30  }
0x1b7: {  	v6 =	vld [tilespmem:s23+$0x20];
	v29 =	vperm.xlane v13, v2  }
0x1b8: {  	v8 =	vadd.f32 v9, v8;
	v9 =	vmul.f32 v10, v31;
	v10 =	vld [tilespmem:s24+$0x20]  }
0x1b9: {  	v33 =	vld [tilespmem:s24+$0x40];
	v18 =	vmul.f32 v18, v5;
	v13 =	vadd.f32 v13, v29  }
0x1ba: {  	v11 =	vld [tilespmem:s23+$0x30];
	v29 =	vadd.f32 v9, v8  }
0x1bb: {  	v35 =	vld [tilespmem:s24+$0x50];
	v9 =	vadd.f32 $0.0e+00, v18;
	v18 =	vmul.f32 v28, v7;
	v28 =	vperm.xlane v13, v3  }
0x1bc: {  	v8 =	vld [tilespmem:s23+$0x40];
	v34 =	vperm.xlane v29, v1  }
0x1bd: {  	v54 =	vld [tilespmem:s24+$0x60];
	v18 =	vadd.f32 v18, v9;
	v10 =	vmul.f32 v10, v6;
	v28 =	vadd.f32 v13, v28  }
0x1be: {  	v9 =	vld [tilespmem:s23+$0x50];
	v29 =	vadd.f32 v29, v34  }
0x1bf: {  	v55 =	vld [tilespmem:s24+$0x70];
	v10 =	vadd.f32 v10, v18;
	v18 =	vmul.f32 v32, v11;
	v53 =	vperm.xlane v28, v4  }
0x1c0: {  	v13 =	vld [tilespmem:s23+$0x60];
	v36 =	vperm.xlane v29, v2  }
0x1c1: {  	v56 =	vld [tilespmem:s24+$0xFFFFFF80];
	v33 =	vmul.f32 v33, v8;
	v10 =	vadd.f32 v18, v10;
	v28 =	vadd.f32 v28, v53  }
0x1c2: {  	v18 =	vld [tilespmem:s23+$0x70];
	v29 =	vadd.f32 v29, v36  }
0x1c3: {  	v57 =	vld [tilespmem:s24+$0xFFFFFF90];
	v35 =	vmul.f32 v35, v9;
	v33 =	vadd.f32 v33, v10;
	v21 =	vmul.f32 v28, v21  }
0x1c4: {  	v10 =	vld [tilespmem:s23+$0xFFFFFF80];
	v37 =	vperm.xlane v29, v3  }
0x1c5: {  	v58 =	vld [tilespmem:s24+$0xFFFFFFA0];
	v34 =	vmul.f32 v54, v13;
	v33 =	vadd.f32 v35, v33;
	[tilespmem:s22+$0x70] =	vst v21;
	v21 =	vmul.f32 v28, v14  }
0x1c6: {  	v38 =	vmul.f32 v28, v12;
	v12 =	vld [tilespmem:s23+$0xFFFFFF90];
	v29 =	vadd.f32 v29, v37  }
0x1c7: {  	v15 =	vmul.f32 v28, v15;
	v14 =	vld [tilespmem:s23+$0xFFFFFFA0];
	v32 =	vmul.f32 v55, v18;
	[tilespmem:s22+$0x10] =	vst v21;
	v21 =	vadd.f32 v34, v33  }
0x1c8: {  	v17 =	vmul.f32 v28, v17;
	[tilespmem:s22+$0x0] =	vst v38;
	v59 =	vperm.xlane v29, v4  }
0x1c9: {  	v19 =	vmul.f32 v28, v19;
	[tilespmem:s22+$0x20] =	vst v15;
	v15 =	vld [tilespmem:s23+$0xFFFFFFB0];
	v36 =	vmul.f32 v56, v10;
	v21 =	vadd.f32 v32, v21  }
0x1ca: {  	v16 =	vmul.f32 v28, v16;
	v20 =	vmul.f32 v28, v20;
	[tilespmem:s22+$0x40] =	vst v17;
	v60 =	vadd.f32 v29, v59;
	v29 =	vld [tilespmem:s24+$0xFFFFFFB0]  }
0x1cb: {  	v61 =	vld [tilespmem:s24+$0xFFFFFFC0];
	[tilespmem:s22+$0x50] =	vst v19;
	v28 =	vmul.f32 v57, v12;
	v17 =	vadd.f32 $0.0e+00, v36;
	v19 =	vperm.xlane v21, v1  }
0x1cc: {  	[tilespmem:s22+$0x30] =	vst v16;
	v16 =	vld [tilespmem:s23+$0xFFFFFFC0];
	v33 =	vmul.f32 v58, v14;
	v22 =	vmul.f32 v60, v22  }
0x1cd: {  	[tilespmem:s22+$0x60] =	vst v20;
	v20 =	vmul.f32 v60, v23;
	v28 =	vadd.f32 v28, v17;
	v17 =	vld [tilespmem:s23+$0xFFFFFFD0];
	v19 =	vadd.f32 v21, v19  }
0x1ce: {  	v23 =	vld [tilespmem:s24+$0xFFFFFFD0];
	v62 =	vmul.f32 v60, v25;
	[tilespmem:s22+$0xFFFFFF80] =	vst v22;
	v22 =	vmul.f32 v60, v24  }
0x1cf: {  	v28 =	vadd.f32 v33, v28;
	v21 =	vld [tilespmem:s23+$0xFFFFFFE0];
	[tilespmem:s22+$0xFFFFFF90] =	vst v20;
	v29 =	vmul.f32 v29, v15;
	v20 =	vperm.xlane v19, v2  }
0x1d0: {  	v63 =	vmul.f32 v60, v26;
	v25 =	vmul.f32 v60, v27;
	v24 =	vld [tilespmem:s24+$0xFFFFFFE0];
	[tilespmem:s22+$0xFFFFFFB0] =	vst v62  }
0x1d1: {  	[tilespmem:s22+$0xFFFFFFA0] =	vst v22;
	v22 =	vld [tilespmem:s23+$0xFFFFFFF0];
	v28 =	vadd.f32 v29, v28;
	v29 =	vmul.f32 v61, v16;
	v27 =	vadd.f32 v19, v20  }
0x1d2: {  	s19 =	simm.s32 $0x480;
	s7 =	simm.s32 $0x2;
	v26 =	vld [tilespmem:s24+$0xFFFFFFF0];
	[tilespmem:s22+$0xFFFFFFC0] =	vst v63;
	v19 =	vmul.f32 v60, v30;
	v20 =	vmul.f32 v60, v31  }
.LBB2_9:
0x1d3: {  	v30 =	vld [tilespmem:s19+$0x0];
	v28 =	vadd.f32 v29, v28;
	v23 =	vmul.f32 v23, v17;
	v29 =	vperm.xlane v27, v3;
	s24 =	sadd.s32 $0x100, s24;
	[tilespmem:s22+$0xFFFFFFD0] =	vst v25  }
0x1d4: {  	s7 =	sadd.s32 $0x2, s7;
	v25 =	vld [tilespmem:s24+$0x0];
	[tilespmem:s22+$0xFFFFFFE0] =	vst v19;
	v19 =	vmov v21  }
0x1d5: {  	p0 =	slt.u32 s7, $0x4E;
	v21 =	vld [tilespmem:s19+$0x10];
	v23 =	vadd.f32 v23, v28;
	v24 =	vmul.f32 v24, v19;
	v27 =	vadd.f32 v27, v29;
	[tilespmem:s22+$0xFFFFFFF0] =	vst v20;
	s22 =	smov.u32 s23;
	s23 =	smov.u32 s19  }
0x1d6: {  	v28 =	vld [tilespmem:s24+$0x10];
	v20 =	vmov v22  }
0x1d7: {  	v22 =	vld [tilespmem:s19+$0x20];
	v23 =	vadd.f32 v24, v23;
	v24 =	vmul.f32 v26, v20;
	v26 =	vperm.xlane v27, v4  }
0x1d8: {  	v29 =	vld [tilespmem:s24+$0x20]  }
0x1d9: {  	v25 =	vmul.f32 v25, v30;
	v31 =	vld [tilespmem:s19+$0x30];
	v23 =	vadd.f32 v24, v23;
	v24 =	vadd.f32 v27, v26  }
0x1da: {  	v26 =	vld [tilespmem:s24+$0x30]  }
0x1db: {  	v25 =	vadd.f32 $0.0e+00, v25;
	v27 =	vmul.f32 v28, v21;
	v28 =	vld [tilespmem:s19+$0x40];
	v18 =	vmul.f32 v24, v18  }
0x1dc: {  	v33 =	vperm.xlane v23, v1;
	v34 =	vmul.f32 v24, v5;
	v5 =	vmov v30;
	v32 =	vld [tilespmem:s24+$0x40]  }
0x1dd: {  	v35 =	vmul.f32 v24, v7;
	v25 =	vadd.f32 v27, v25;
	v27 =	vmul.f32 v29, v22;
	v29 =	vld [tilespmem:s19+$0x50];
	[tilespmem:s22+$0x70] =	vst v18  }
0x1de: {  	v36 =	vmul.f32 v24, v6;
	v11 =	vmul.f32 v24, v11;
	v23 =	vadd.f32 v23, v33;
	v30 =	vld [tilespmem:s24+$0x50];
	[tilespmem:s22+$0x0] =	vst v34  }
0x1df: {  	v18 =	vadd.f32 v27, v25;
	v25 =	vmul.f32 v26, v31;
	v26 =	vld [tilespmem:s19+$0x60];
	[tilespmem:s22+$0x10] =	vst v35;
	v35 =	vmul.f32 v24, v8  }
0x1e0: {  	v7 =	vmovc v21;
	v6 =	vmov v22;
	v34 =	vmul.f32 v24, v9;
	v33 =	vperm.xlane v23, v2;
	v27 =	vld [tilespmem:s24+$0x60];
	[tilespmem:s22+$0x20] =	vst v36  }
0x1e1: {  	v21 =	vadd.f32 v25, v18;
	v22 =	vmul.f32 v32, v28;
	v18 =	vld [tilespmem:s19+$0x70];
	[tilespmem:s22+$0x30] =	vst v11;
	v32 =	vmul.f32 v24, v13  }
0x1e2: {  	v8 =	vmovc v28;
	v23 =	vadd.f32 v23, v33;
	v11 =	vmov v31;
	v24 =	vld [tilespmem:s24+$0x70];
	[tilespmem:s22+$0x40] =	vst v35;
	v9 =	vmov v29  }
0x1e3: {  	v25 =	vld [tilespmem:s24+$0xFFFFFF80];
	v21 =	vadd.f32 v22, v21;
	v22 =	vmul.f32 v30, v9;
	[tilespmem:s22+$0x50] =	vst v34  }
0x1e4: {  	v29 =	vperm.xlane v23, v3;
	v28 =	vld [tilespmem:s19+$0xFFFFFF80];
	[tilespmem:s22+$0x60] =	vst v32;
	v13 =	vmov v26  }
0x1e5: {  	v26 =	vld [tilespmem:s19+$0xFFFFFF90];
	v21 =	vadd.f32 v22, v21;
	v22 =	vmul.f32 v27, v13  }
0x1e6: {  	v23 =	vadd.f32 v23, v29;
	v27 =	vld [tilespmem:s24+$0xFFFFFF90]  }
0x1e7: {  	v29 =	vld [tilespmem:s19+$0xFFFFFFA0];
	v21 =	vadd.f32 v22, v21;
	v22 =	vmul.f32 v24, v18  }
0x1e8: {  	v30 =	vperm.xlane v23, v4;
	v24 =	vld [tilespmem:s24+$0xFFFFFFA0]  }
0x1e9: {  	v25 =	vmul.f32 v25, v28;
	v31 =	vld [tilespmem:s19+$0xFFFFFFB0];
	v21 =	vadd.f32 v22, v21  }
0x1ea: {  	v30 =	vadd.f32 v23, v30;
	v22 =	vld [tilespmem:s24+$0xFFFFFFB0]  }
0x1eb: {  	v23 =	vadd.f32 $0.0e+00, v25;
	v25 =	vmul.f32 v27, v26;
	v27 =	vld [tilespmem:s19+$0xFFFFFFC0];
	v32 =	vperm.xlane v21, v1  }
0x1ec: {  	v34 =	vmul.f32 v30, v10;
	v35 =	vmul.f32 v30, v12;
	v10 =	vmovc v28;
	v12 =	vmov v26;
	v33 =	vld [tilespmem:s24+$0xFFFFFFC0]  }
0x1ed: {  	v25 =	vadd.f32 v25, v23;
	v24 =	vmul.f32 v24, v29;
	v36 =	vld [tilespmem:s19+$0xFFFFFFD0];
	v26 =	vadd.f32 v21, v32  }
.Ltmp3:
0x1ee: {  	v28 =	vmul.f32 v30, v14;
	v14 =	vmovc v29;
	v32 =	vmul.f32 v30, v15;
	v23 =	vld [tilespmem:s24+$0xFFFFFFD0];
	[tilespmem:s22+$0xFFFFFF80] =	vst v34;
	v15 =	vmov v31;
	(pc) =	sbr.rel @p0 .LBB2_9-.Ltmp3, $4  }
0x1ef: {  	v29 =	vadd.f32 v24, v25;
	v22 =	vmul.f32 v22, v15;
	v21 =	vld [tilespmem:s19+$0xFFFFFFE0];
	v31 =	vperm.xlane v26, v2;
	[tilespmem:s22+$0xFFFFFF90] =	vst v35  }
0x1f0: {  	v34 =	vmul.f32 v30, v16;
	v25 =	vmul.f32 v30, v17;
	v24 =	vld [tilespmem:s24+$0xFFFFFFE0];
	[tilespmem:s22+$0xFFFFFFA0] =	vst v28;
	v16 =	vmov v27  }
0x1f1: {  	v28 =	vadd.f32 v22, v29;
	v29 =	vmul.f32 v33, v16;
	v22 =	vld [tilespmem:s19+$0xFFFFFFF0];
	v27 =	vadd.f32 v26, v31;
	[tilespmem:s22+$0xFFFFFFB0] =	vst v32  }
0x1f2: {  	v19 =	vmul.f32 v30, v19;
	v20 =	vmul.f32 v30, v20;
	s19 =	sadd.s32 $0x100, s19;
	v26 =	vld [tilespmem:s24+$0xFFFFFFF0];
	[tilespmem:s22+$0xFFFFFFC0] =	vst v34;
	v17 =	vmov v36  }
0x1f3: {  	v28 =	vadd.f32 v29, v28;
	v23 =	vmul.f32 v23, v17;
	_ =	sdelay $0x1  }
0x1f4: {  	v23 =	vadd.f32 v23, v28;
	v24 =	vmul.f32 v24, v21;
	_ =	sdelay $0x1  }
0x1f5: {  	v23 =	vadd.f32 v24, v23;
	v24 =	vmul.f32 v26, v22;
	_ =	sdelay $0x1  }
0x1f6: {  	v23 =	vadd.f32 v24, v23;
	_ =	sdelay $0x1  }
0x1f7: {  	v24 =	vperm.xlane v27, v3;
	v26 =	vperm.xlane v23, v1;
	_ =	sdelay $0x1  }
0x1f8: {  	v24 =	vadd.f32 v27, v24;
	v23 =	vadd.f32 v23, v26;
	_ =	sdelay $0x1  }
0x1f9: {  	v26 =	vperm.xlane v24, v4;
	v27 =	vperm.xlane v23, v2;
	_ =	sdelay $0x1  }
0x1fa: {  	v24 =	vadd.f32 v24, v26;
	v23 =	vadd.f32 v23, v27  }
0x1fb: {  	[tilespmem:s22+$0xFFFFFFD0] =	vst v25  }
0x1fc: {  	[tilespmem:s22+$0xFFFFFFE0] =	vst v19;
	v18 =	vmul.f32 v24, v18;
	v19 =	vperm.xlane v23, v3  }
0x1fd: {  	[tilespmem:s22+$0xFFFFFFF0] =	vst v20;
	v5 =	vmul.f32 v24, v5  }
0x1fe: {  	v7 =	vmul.f32 v24, v7;
	[tilespmem:s23+$0x70] =	vst v18;
	v18 =	vadd.f32 v23, v19  }
0x1ff: {  	[tilespmem:s23+$0x0] =	vst v5;
	v5 =	vmul.f32 v24, v6  }
0x200: {  	v6 =	vmul.f32 v24, v11;
	[tilespmem:s23+$0x10] =	vst v7;
	v7 =	vperm.xlane v18, v4  }
0x201: {  	v8 =	vmul.f32 v24, v8;
	[tilespmem:s23+$0x20] =	vst v5  }
0x202: {  	v5 =	vmul.f32 v24, v9;
	[tilespmem:s23+$0x30] =	vst v6;
	v6 =	vadd.f32 v18, v7  }
0x203: {  	[tilespmem:s23+$0x40] =	vst v8;
	v7 =	vmul.f32 v24, v13  }
0x204: {  	[tilespmem:s23+$0x50] =	vst v5;
	v5 =	vmul.f32 v6, v10  }
0x205: {  	[tilespmem:s23+$0x60] =	vst v7;
	v7 =	vmul.f32 v6, v12  }
0x206: {  	[tilespmem:s23+$0xFFFFFF80] =	vst v5;
	v5 =	vmul.f32 v6, v14  }
0x207: {  	v8 =	vmul.f32 v6, v15;
	[tilespmem:s23+$0xFFFFFF90] =	vst v7  }
0x208: {  	[tilespmem:s23+$0xFFFFFFA0] =	vst v5;
	v5 =	vmul.f32 v6, v16  }
0x209: {  	v7 =	vmul.f32 v6, v17;
	[tilespmem:s23+$0xFFFFFFB0] =	vst v8  }
0x20a: {  	[tilespmem:s23+$0xFFFFFFC0] =	vst v5;
	v5 =	vmul.f32 v6, v21  }
0x20b: {  	[tilespmem:s23+$0xFFFFFFD0] =	vst v7;
	v6 =	vmul.f32 v6, v22  }
0x20c: {  	[tilespmem:s23+$0xFFFFFFE0] =	vst v5  }
0x20d: {  	[tilespmem:s23+$0xFFFFFFF0] =	vst v6  }
0x20e: {  	[spmem:s2] =	stream.indirect.scatter.add.f32 [tilespmem:s25], [sflag:$0x5], $0x80, s28, s31, $0xb8;
	[tilespmem:$0x1E200] =	vst v63  }
0x20f: {  	_ =	swait.ge [sflag:s13], $0x2800  }
0x210: {  	[sflag:s13] =	ssyncset.done $0x0  }
0x211: {  	[sflag:s13] =	ssyncadd.s32 $0xFFFFD800  }
0x212: {  	_ =	swait.ge [sflag:s14], $0x2800  }
0x213: {  	[sflag:s14] =	ssyncset.done $0x0  }
0x214: {  	[sflag:s14] =	ssyncadd.s32 $0xFFFFD800  }
0x215: {  	s7 =	sadd.s32 s21, s16;
	_ =	swait.ge [sflag:s17], $0x2800  }
0x216: {  	s7 =	sshrl.u32 s7, $0x3;
	[sflag:s17] =	ssyncset.done $0x0  }
0x217: {  	s19 =	sadd.s32 s6, s7;
	[sflag:s17] =	ssyncadd.s32 $0xFFFFD800  }
0x218: {  	[tilespmem:s4], [sflag:$0x7] =	stream.linear.gather [hbm4b:s19+s4], $0x50, $0x38;
	[tilespmem:$0x1E200] =	vst v63  }
0x219: {  	s7 =	sadd.s32 s1, s7  }
0x21a: {  	[tilespmem:s28], [sflag:$0x8] =	stream.linear.gather [hbm4b:s7+s4], $0x50, $0x38;
	[tilespmem:$0x1E200] =	vst v63  }
0x21b: {  	_ =	swait.ge [sflag:s29], $0x50  }
0x21c: {  	[sflag:s29] =	ssyncset.done $0x0  }
0x21d: {  	[sflag:s29] =	ssyncadd.s32 $0xFFFFFFB0  }
0x21e: {  	_ =	swait.ge [sflag:s30], $0x50  }
0x21f: {  	[sflag:s30] =	ssyncset.done $0x0  }
0x220: {  	[sflag:s30] =	ssyncadd.s32 $0xFFFFFFB0  }
0x221: {  	[tilespmem:s25], [sflag:$0x1] =	stream.indirect.gather [hbm4b:s5+s31], $0x80, s4, s31, $0xb8;
	[tilespmem:$0x1E200] =	vst v63  }
0x222: {  	s21 =	simm.s32 $0x2A80  }
0x223: {  	[tilespmem:s0], [sflag:$0x3] =	stream.indirect.gather [hbm4b:s5+s31], $0x80, s28, s31, $0xb8;
	[tilespmem:$0x1E200] =	vst v63  }
0x224: {  	s24 =	simm.s32 $0x7A80;
	v12 =	vld [tilespmem:s21+$0x0]  }
0x225: {  	v5 =	vld [tilespmem:s24+$0x0]  }
0x226: {  	v14 =	vld [tilespmem:s21+$0x10]  }
0x227: {  	v6 =	vld [tilespmem:s24+$0x10]  }
0x228: {  	v15 =	vld [tilespmem:s21+$0x20]  }
0x229: {  	v7 =	vld [tilespmem:s24+$0x20]  }
0x22a: {  	v16 =	vld [tilespmem:s21+$0x30]  }
0x22b: {  	v8 =	vld [tilespmem:s24+$0x30]  }
0x22c: {  	v17 =	vld [tilespmem:s21+$0x40]  }
0x22d: {  	v9 =	vld [tilespmem:s24+$0x40]  }
0x22e: {  	v19 =	vld [tilespmem:s21+$0x50]  }
0x22f: {  	v10 =	vld [tilespmem:s24+$0x50]  }
0x230: {  	v20 =	vld [tilespmem:s21+$0x60]  }
0x231: {  	v11 =	vld [tilespmem:s24+$0x60]  }
0x232: {  	v21 =	vld [tilespmem:s21+$0x70]  }
0x233: {  	v13 =	vld [tilespmem:s24+$0x70];
	v5 =	vmul.f32 v5, v12  }
0x234: {  	v18 =	vld [tilespmem:s24+$0xFFFFFF80]  }
0x235: {  	v22 =	vld [tilespmem:s21+$0xFFFFFF80];
	v6 =	vmul.f32 v6, v14;
	v5 =	vadd.f32 $0.0e+00, v5  }
0x236: {  	v23 =	vld [tilespmem:s21+$0xFFFFFF90]  }
0x237: {  	v24 =	vld [tilespmem:s21+$0xFFFFFFA0];
	v5 =	vadd.f32 v6, v5;
	v6 =	vmul.f32 v7, v15  }
0x238: {  	v25 =	vld [tilespmem:s21+$0xFFFFFFB0]  }
0x239: {  	v7 =	vld [tilespmem:s24+$0xFFFFFF90];
	v5 =	vadd.f32 v6, v5;
	v6 =	vmul.f32 v8, v16  }
0x23a: {  	v26 =	vld [tilespmem:s21+$0xFFFFFFC0]  }
0x23b: {  	v8 =	vld [tilespmem:s24+$0xFFFFFFA0];
	v5 =	vadd.f32 v6, v5;
	v6 =	vmul.f32 v9, v17  }
0x23c: {  	v27 =	vld [tilespmem:s21+$0xFFFFFFD0];
	v9 =	vmul.f32 v18, v22  }
0x23d: {  	v18 =	vld [tilespmem:s24+$0xFFFFFFB0];
	v5 =	vadd.f32 v6, v5;
	v6 =	vmul.f32 v10, v19  }
0x23e: {  	v30 =	vld [tilespmem:s21+$0xFFFFFFE0];
	v7 =	vmul.f32 v7, v23;
	v9 =	vadd.f32 $0.0e+00, v9  }
0x23f: {  	v10 =	vld [tilespmem:s24+$0xFFFFFFC0];
	v5 =	vadd.f32 v6, v5;
	v6 =	vmul.f32 v11, v20  }
0x240: {  	v31 =	vld [tilespmem:s21+$0xFFFFFFF0];
	v8 =	vmul.f32 v8, v24;
	v7 =	vadd.f32 v7, v9  }
0x241: {  	s23 =	simm.s32 $0x7B80;
	v9 =	vld [tilespmem:s24+$0xFFFFFFD0];
	v5 =	vadd.f32 v6, v5;
	v6 =	vmul.f32 v13, v21  }
0x242: {  	v28 =	vld [tilespmem:s23+$0x10];
	v7 =	vadd.f32 v8, v7;
	v8 =	vmul.f32 v18, v25  }
0x243: {  	v11 =	vld [tilespmem:s24+$0xFFFFFFE0];
	v6 =	vadd.f32 v6, v5  }
0x244: {  	v18 =	vld [tilespmem:s23+$0x0];
	v7 =	vadd.f32 v8, v7;
	v8 =	vmul.f32 v10, v26  }
0x245: {  	s22 =	simm.s32 $0x2B80;
	v10 =	vld [tilespmem:s24+$0xFFFFFFF0];
	v13 =	vperm.xlane v6, v1  }
0x246: {  	v5 =	vld [tilespmem:s22+$0x0];
	v9 =	vmul.f32 v9, v27;
	v8 =	vadd.f32 v8, v7  }
0x247: {  	v32 =	vld [tilespmem:s23+$0x30];
	v13 =	vadd.f32 v6, v13  }
0x248: {  	v7 =	vld [tilespmem:s22+$0x10];
	v8 =	vadd.f32 v9, v8;
	v9 =	vmul.f32 v11, v30  }
0x249: {  	v6 =	vld [tilespmem:s22+$0x20];
	v29 =	vperm.xlane v13, v2  }
0x24a: {  	v8 =	vadd.f32 v9, v8;
	v9 =	vmul.f32 v10, v31;
	v10 =	vld [tilespmem:s23+$0x20]  }
0x24b: {  	v33 =	vld [tilespmem:s23+$0x40];
	v18 =	vmul.f32 v18, v5;
	v13 =	vadd.f32 v13, v29  }
0x24c: {  	v11 =	vld [tilespmem:s22+$0x30];
	v29 =	vadd.f32 v9, v8  }
0x24d: {  	v35 =	vld [tilespmem:s23+$0x50];
	v9 =	vadd.f32 $0.0e+00, v18;
	v18 =	vmul.f32 v28, v7;
	v28 =	vperm.xlane v13, v3  }
0x24e: {  	v8 =	vld [tilespmem:s22+$0x40];
	v34 =	vperm.xlane v29, v1  }
0x24f: {  	v54 =	vld [tilespmem:s23+$0x60];
	v18 =	vadd.f32 v18, v9;
	v10 =	vmul.f32 v10, v6;
	v28 =	vadd.f32 v13, v28  }
0x250: {  	v9 =	vld [tilespmem:s22+$0x50];
	v29 =	vadd.f32 v29, v34  }
0x251: {  	v55 =	vld [tilespmem:s23+$0x70];
	v10 =	vadd.f32 v10, v18;
	v18 =	vmul.f32 v32, v11;
	v53 =	vperm.xlane v28, v4  }
0x252: {  	v13 =	vld [tilespmem:s22+$0x60];
	v36 =	vperm.xlane v29, v2  }
0x253: {  	v56 =	vld [tilespmem:s23+$0xFFFFFF80];
	v33 =	vmul.f32 v33, v8;
	v10 =	vadd.f32 v18, v10;
	v28 =	vadd.f32 v28, v53  }
0x254: {  	v18 =	vld [tilespmem:s22+$0x70];
	v29 =	vadd.f32 v29, v36  }
0x255: {  	v57 =	vld [tilespmem:s23+$0xFFFFFF90];
	v35 =	vmul.f32 v35, v9;
	v33 =	vadd.f32 v33, v10;
	v21 =	vmul.f32 v28, v21  }
0x256: {  	v10 =	vld [tilespmem:s22+$0xFFFFFF80];
	v37 =	vperm.xlane v29, v3  }
0x257: {  	v58 =	vld [tilespmem:s23+$0xFFFFFFA0];
	v34 =	vmul.f32 v54, v13;
	v33 =	vadd.f32 v35, v33;
	[tilespmem:s21+$0x70] =	vst v21;
	v21 =	vmul.f32 v28, v14  }
0x258: {  	v38 =	vmul.f32 v28, v12;
	v12 =	vld [tilespmem:s22+$0xFFFFFF90];
	v29 =	vadd.f32 v29, v37  }
0x259: {  	v15 =	vmul.f32 v28, v15;
	v14 =	vld [tilespmem:s22+$0xFFFFFFA0];
	v32 =	vmul.f32 v55, v18;
	[tilespmem:s21+$0x10] =	vst v21;
	v21 =	vadd.f32 v34, v33  }
0x25a: {  	v17 =	vmul.f32 v28, v17;
	[tilespmem:s21+$0x0] =	vst v38;
	v59 =	vperm.xlane v29, v4  }
0x25b: {  	v19 =	vmul.f32 v28, v19;
	[tilespmem:s21+$0x20] =	vst v15;
	v15 =	vld [tilespmem:s22+$0xFFFFFFB0];
	v36 =	vmul.f32 v56, v10;
	v21 =	vadd.f32 v32, v21  }
0x25c: {  	v16 =	vmul.f32 v28, v16;
	v20 =	vmul.f32 v28, v20;
	[tilespmem:s21+$0x40] =	vst v17;
	v60 =	vadd.f32 v29, v59;
	v29 =	vld [tilespmem:s23+$0xFFFFFFB0]  }
0x25d: {  	v61 =	vld [tilespmem:s23+$0xFFFFFFC0];
	[tilespmem:s21+$0x50] =	vst v19;
	v28 =	vmul.f32 v57, v12;
	v17 =	vadd.f32 $0.0e+00, v36;
	v19 =	vperm.xlane v21, v1  }
0x25e: {  	[tilespmem:s21+$0x30] =	vst v16;
	v16 =	vld [tilespmem:s22+$0xFFFFFFC0];
	v33 =	vmul.f32 v58, v14;
	v22 =	vmul.f32 v60, v22  }
0x25f: {  	[tilespmem:s21+$0x60] =	vst v20;
	v20 =	vmul.f32 v60, v23;
	v28 =	vadd.f32 v28, v17;
	v17 =	vld [tilespmem:s22+$0xFFFFFFD0];
	v19 =	vadd.f32 v21, v19  }
0x260: {  	v23 =	vld [tilespmem:s23+$0xFFFFFFD0];
	v62 =	vmul.f32 v60, v25;
	[tilespmem:s21+$0xFFFFFF80] =	vst v22;
	v22 =	vmul.f32 v60, v24  }
0x261: {  	v28 =	vadd.f32 v33, v28;
	v21 =	vld [tilespmem:s22+$0xFFFFFFE0];
	[tilespmem:s21+$0xFFFFFF90] =	vst v20;
	v29 =	vmul.f32 v29, v15;
	v20 =	vperm.xlane v19, v2  }
0x262: {  	v63 =	vmul.f32 v60, v26;
	v25 =	vmul.f32 v60, v27;
	v24 =	vld [tilespmem:s23+$0xFFFFFFE0];
	[tilespmem:s21+$0xFFFFFFB0] =	vst v62  }
0x263: {  	[tilespmem:s21+$0xFFFFFFA0] =	vst v22;
	v22 =	vld [tilespmem:s22+$0xFFFFFFF0];
	v28 =	vadd.f32 v29, v28;
	v29 =	vmul.f32 v61, v16;
	v27 =	vadd.f32 v19, v20  }
0x264: {  	s19 =	simm.s32 $0x2C80;
	s7 =	simm.s32 $0x2;
	v26 =	vld [tilespmem:s23+$0xFFFFFFF0];
	[tilespmem:s21+$0xFFFFFFC0] =	vst v63;
	v19 =	vmul.f32 v60, v30;
	v20 =	vmul.f32 v60, v31  }
.LBB2_11:
0x265: {  	v30 =	vld [tilespmem:s19+$0x0];
	v28 =	vadd.f32 v29, v28;
	v23 =	vmul.f32 v23, v17;
	v29 =	vperm.xlane v27, v3;
	s23 =	sadd.s32 $0x100, s23;
	[tilespmem:s21+$0xFFFFFFD0] =	vst v25  }
0x266: {  	s7 =	sadd.s32 $0x2, s7;
	v25 =	vld [tilespmem:s23+$0x0];
	[tilespmem:s21+$0xFFFFFFE0] =	vst v19;
	v19 =	vmov v21  }
0x267: {  	p0 =	slt.u32 s7, $0x4E;
	v21 =	vld [tilespmem:s19+$0x10];
	v23 =	vadd.f32 v23, v28;
	v24 =	vmul.f32 v24, v19;
	v27 =	vadd.f32 v27, v29;
	[tilespmem:s21+$0xFFFFFFF0] =	vst v20;
	s21 =	smov.u32 s22;
	s22 =	smov.u32 s19  }
0x268: {  	v28 =	vld [tilespmem:s23+$0x10];
	v20 =	vmov v22  }
0x269: {  	v22 =	vld [tilespmem:s19+$0x20];
	v23 =	vadd.f32 v24, v23;
	v24 =	vmul.f32 v26, v20;
	v26 =	vperm.xlane v27, v4  }
0x26a: {  	v29 =	vld [tilespmem:s23+$0x20]  }
0x26b: {  	v25 =	vmul.f32 v25, v30;
	v31 =	vld [tilespmem:s19+$0x30];
	v23 =	vadd.f32 v24, v23;
	v24 =	vadd.f32 v27, v26  }
0x26c: {  	v26 =	vld [tilespmem:s23+$0x30]  }
0x26d: {  	v25 =	vadd.f32 $0.0e+00, v25;
	v27 =	vmul.f32 v28, v21;
	v28 =	vld [tilespmem:s19+$0x40];
	v18 =	vmul.f32 v24, v18  }
0x26e: {  	v33 =	vperm.xlane v23, v1;
	v34 =	vmul.f32 v24, v5;
	v5 =	vmov v30;
	v32 =	vld [tilespmem:s23+$0x40]  }
0x26f: {  	v35 =	vmul.f32 v24, v7;
	v25 =	vadd.f32 v27, v25;
	v27 =	vmul.f32 v29, v22;
	v29 =	vld [tilespmem:s19+$0x50];
	[tilespmem:s21+$0x70] =	vst v18  }
0x270: {  	v36 =	vmul.f32 v24, v6;
	v11 =	vmul.f32 v24, v11;
	v23 =	vadd.f32 v23, v33;
	v30 =	vld [tilespmem:s23+$0x50];
	[tilespmem:s21+$0x0] =	vst v34  }
0x271: {  	v18 =	vadd.f32 v27, v25;
	v25 =	vmul.f32 v26, v31;
	v26 =	vld [tilespmem:s19+$0x60];
	[tilespmem:s21+$0x10] =	vst v35;
	v35 =	vmul.f32 v24, v8  }
0x272: {  	v7 =	vmovc v21;
	v6 =	vmov v22;
	v34 =	vmul.f32 v24, v9;
	v33 =	vperm.xlane v23, v2;
	v27 =	vld [tilespmem:s23+$0x60];
	[tilespmem:s21+$0x20] =	vst v36  }
0x273: {  	v21 =	vadd.f32 v25, v18;
	v22 =	vmul.f32 v32, v28;
	v18 =	vld [tilespmem:s19+$0x70];
	[tilespmem:s21+$0x30] =	vst v11;
	v32 =	vmul.f32 v24, v13  }
0x274: {  	v8 =	vmovc v28;
	v23 =	vadd.f32 v23, v33;
	v11 =	vmov v31;
	v24 =	vld [tilespmem:s23+$0x70];
	[tilespmem:s21+$0x40] =	vst v35;
	v9 =	vmov v29  }
0x275: {  	v25 =	vld [tilespmem:s23+$0xFFFFFF80];
	v21 =	vadd.f32 v22, v21;
	v22 =	vmul.f32 v30, v9;
	[tilespmem:s21+$0x50] =	vst v34  }
0x276: {  	v29 =	vperm.xlane v23, v3;
	v28 =	vld [tilespmem:s19+$0xFFFFFF80];
	[tilespmem:s21+$0x60] =	vst v32;
	v13 =	vmov v26  }
0x277: {  	v26 =	vld [tilespmem:s19+$0xFFFFFF90];
	v21 =	vadd.f32 v22, v21;
	v22 =	vmul.f32 v27, v13  }
0x278: {  	v23 =	vadd.f32 v23, v29;
	v27 =	vld [tilespmem:s23+$0xFFFFFF90]  }
0x279: {  	v29 =	vld [tilespmem:s19+$0xFFFFFFA0];
	v21 =	vadd.f32 v22, v21;
	v22 =	vmul.f32 v24, v18  }
0x27a: {  	v30 =	vperm.xlane v23, v4;
	v24 =	vld [tilespmem:s23+$0xFFFFFFA0]  }
0x27b: {  	v25 =	vmul.f32 v25, v28;
	v31 =	vld [tilespmem:s19+$0xFFFFFFB0];
	v21 =	vadd.f32 v22, v21  }
0x27c: {  	v30 =	vadd.f32 v23, v30;
	v22 =	vld [tilespmem:s23+$0xFFFFFFB0]  }
0x27d: {  	v23 =	vadd.f32 $0.0e+00, v25;
	v25 =	vmul.f32 v27, v26;
	v27 =	vld [tilespmem:s19+$0xFFFFFFC0];
	v32 =	vperm.xlane v21, v1  }
0x27e: {  	v34 =	vmul.f32 v30, v10;
	v35 =	vmul.f32 v30, v12;
	v10 =	vmovc v28;
	v12 =	vmov v26;
	v33 =	vld [tilespmem:s23+$0xFFFFFFC0]  }
0x27f: {  	v25 =	vadd.f32 v25, v23;
	v24 =	vmul.f32 v24, v29;
	v36 =	vld [tilespmem:s19+$0xFFFFFFD0];
	v26 =	vadd.f32 v21, v32  }
.Ltmp4:
0x280: {  	v28 =	vmul.f32 v30, v14;
	v14 =	vmovc v29;
	v32 =	vmul.f32 v30, v15;
	v23 =	vld [tilespmem:s23+$0xFFFFFFD0];
	[tilespmem:s21+$0xFFFFFF80] =	vst v34;
	v15 =	vmov v31;
	(pc) =	sbr.rel @p0 .LBB2_11-.Ltmp4, $4  }
0x281: {  	v29 =	vadd.f32 v24, v25;
	v22 =	vmul.f32 v22, v15;
	v21 =	vld [tilespmem:s19+$0xFFFFFFE0];
	v31 =	vperm.xlane v26, v2;
	[tilespmem:s21+$0xFFFFFF90] =	vst v35  }
0x282: {  	v34 =	vmul.f32 v30, v16;
	v25 =	vmul.f32 v30, v17;
	v24 =	vld [tilespmem:s23+$0xFFFFFFE0];
	[tilespmem:s21+$0xFFFFFFA0] =	vst v28;
	v16 =	vmov v27  }
0x283: {  	v28 =	vadd.f32 v22, v29;
	v29 =	vmul.f32 v33, v16;
	v22 =	vld [tilespmem:s19+$0xFFFFFFF0];
	v27 =	vadd.f32 v26, v31;
	[tilespmem:s21+$0xFFFFFFB0] =	vst v32  }
0x284: {  	v19 =	vmul.f32 v30, v19;
	v20 =	vmul.f32 v30, v20;
	s19 =	sadd.s32 $0x100, s19;
	v26 =	vld [tilespmem:s23+$0xFFFFFFF0];
	[tilespmem:s21+$0xFFFFFFC0] =	vst v34;
	v17 =	vmov v36  }
0x285: {  	v28 =	vadd.f32 v29, v28;
	v23 =	vmul.f32 v23, v17;
	_ =	sdelay $0x1  }
0x286: {  	v23 =	vadd.f32 v23, v28;
	v24 =	vmul.f32 v24, v21;
	_ =	sdelay $0x1  }
0x287: {  	v23 =	vadd.f32 v24, v23;
	v56 =	vmul.f32 v26, v22;
	_ =	sdelay $0x1  }
0x288: {  	v23 =	vadd.f32 v56, v23;
	_ =	sdelay $0x1  }
0x289: {  	v57 =	vperm.xlane v27, v3;
	v58 =	vperm.xlane v23, v1;
	_ =	sdelay $0x1  }
0x28a: {  	v24 =	vadd.f32 v27, v57;
	v23 =	vadd.f32 v23, v58;
	_ =	sdelay $0x1  }
0x28b: {  	v59 =	vperm.xlane v24, v4;
	v60 =	vperm.xlane v23, v2;
	_ =	sdelay $0x1  }
0x28c: {  	v24 =	vadd.f32 v24, v59;
	v23 =	vadd.f32 v23, v60  }
0x28d: {  	[tilespmem:s21+$0xFFFFFFD0] =	vst v25  }
0x28e: {  	[tilespmem:s21+$0xFFFFFFE0] =	vst v19;
	v18 =	vmul.f32 v24, v18;
	v61 =	vperm.xlane v23, v3  }
0x28f: {  	[tilespmem:s21+$0xFFFFFFF0] =	vst v20;
	v5 =	vmul.f32 v24, v5  }
0x290: {  	v7 =	vmul.f32 v24, v7;
	[tilespmem:s22+$0x70] =	vst v18;
	v62 =	vadd.f32 v23, v61  }
0x291: {  	[tilespmem:s22+$0x0] =	vst v5;
	v5 =	vmul.f32 v24, v6  }
0x292: {  	v6 =	vmul.f32 v24, v11;
	[tilespmem:s22+$0x10] =	vst v7;
	v7 =	vperm.xlane v62, v4  }
0x293: {  	v8 =	vmul.f32 v24, v8;
	[tilespmem:s22+$0x20] =	vst v5  }
0x294: {  	v5 =	vmul.f32 v24, v9;
	[tilespmem:s22+$0x30] =	vst v6;
	v6 =	vadd.f32 v62, v7  }
0x295: {  	[tilespmem:s22+$0x40] =	vst v8;
	v7 =	vmul.f32 v24, v13  }
0x296: {  	[tilespmem:s22+$0x50] =	vst v5;
	v5 =	vmul.f32 v6, v10  }
0x297: {  	[tilespmem:s22+$0x60] =	vst v7;
	v7 =	vmul.f32 v6, v12  }
0x298: {  	[tilespmem:s22+$0xFFFFFF80] =	vst v5;
	v5 =	vmul.f32 v6, v14  }
0x299: {  	v63 =	vmul.f32 v6, v15;
	[tilespmem:s22+$0xFFFFFF90] =	vst v7  }
0x29a: {  	s20 =	sadd.s32 $0x1, s20;
	[tilespmem:s22+$0xFFFFFFA0] =	vst v5;
	v5 =	vmul.f32 v6, v16  }
0x29b: {  	p0 =	sne.s32 s20, $0x3E;
	v7 =	vmul.f32 v6, v17;
	[tilespmem:s22+$0xFFFFFFB0] =	vst v63  }
.Ltmp5:
0x29c: {  	[tilespmem:s22+$0xFFFFFFC0] =	vst v5;
	v5 =	vmul.f32 v6, v21;
	(pc) =	sbr.rel @p0 .LBB2_8-.Ltmp5, $4  }
0x29d: {  	[tilespmem:s22+$0xFFFFFFD0] =	vst v7;
	v6 =	vmul.f32 v6, v22  }
0x29e: {  	[tilespmem:s22+$0xFFFFFFE0] =	vst v5  }
0x29f: {  	[tilespmem:s22+$0xFFFFFFF0] =	vst v6  }
0x2a0: {  	[spmem:s2] =	stream.indirect.scatter.add.f32 [tilespmem:s11], [sflag:$0x6], $0x80, s10, s31, $0xb8;
	[tilespmem:$0x1E200] =	vst v63  }
0x2a1: {  	_ =	swait.ge [sflag:s3], $0x2800  }
0x2a2: {  	[sflag:s3] =	ssyncset.done $0x0  }
0x2a3: {  	[sflag:s3] =	ssyncadd.s32 $0xFFFFD800  }
0x2a4: {  	_ =	swait.ge [sflag:s8], $0x2800  }
0x2a5: {  	[sflag:s8] =	ssyncset.done $0x0  }
0x2a6: {  	[sflag:s8] =	ssyncadd.s32 $0xFFFFD800  }
0x2a7: {  	_ =	swait.ge [sflag:s18], $0x2800  }
0x2a8: {  	[sflag:s18] =	ssyncset.done $0x0  }
0x2a9: {  	s20 =	simm.s32 $0x280;
	[sflag:s18] =	ssyncadd.s32 $0xFFFFD800  }
0x2aa: {  	s7 =	simm.s32 $0x5280;
	v12 =	vld [tilespmem:s20+$0x0]  }
0x2ab: {  	v5 =	vld [tilespmem:s7+$0x0]  }
0x2ac: {  	v14 =	vld [tilespmem:s20+$0x10]  }
0x2ad: {  	v6 =	vld [tilespmem:s7+$0x10]  }
0x2ae: {  	v15 =	vld [tilespmem:s20+$0x20]  }
0x2af: {  	v7 =	vld [tilespmem:s7+$0x20]  }
0x2b0: {  	v16 =	vld [tilespmem:s20+$0x30]  }
0x2b1: {  	v8 =	vld [tilespmem:s7+$0x30]  }
0x2b2: {  	v17 =	vld [tilespmem:s20+$0x40]  }
0x2b3: {  	v9 =	vld [tilespmem:s7+$0x40]  }
0x2b4: {  	v19 =	vld [tilespmem:s20+$0x50]  }
0x2b5: {  	v10 =	vld [tilespmem:s7+$0x50]  }
0x2b6: {  	v20 =	vld [tilespmem:s20+$0x60]  }
0x2b7: {  	v11 =	vld [tilespmem:s7+$0x60]  }
0x2b8: {  	v21 =	vld [tilespmem:s20+$0x70]  }
0x2b9: {  	v13 =	vld [tilespmem:s7+$0x70];
	v5 =	vmul.f32 v5, v12  }
0x2ba: {  	v18 =	vld [tilespmem:s7+$0xFFFFFF80]  }
0x2bb: {  	v22 =	vld [tilespmem:s20+$0xFFFFFF80];
	v6 =	vmul.f32 v6, v14;
	v5 =	vadd.f32 $0.0e+00, v5  }
0x2bc: {  	v23 =	vld [tilespmem:s20+$0xFFFFFF90]  }
0x2bd: {  	v24 =	vld [tilespmem:s20+$0xFFFFFFA0];
	v5 =	vadd.f32 v6, v5;
	v6 =	vmul.f32 v7, v15  }
0x2be: {  	v25 =	vld [tilespmem:s20+$0xFFFFFFB0]  }
0x2bf: {  	v7 =	vld [tilespmem:s7+$0xFFFFFF90];
	v5 =	vadd.f32 v6, v5;
	v6 =	vmul.f32 v8, v16  }
0x2c0: {  	v26 =	vld [tilespmem:s20+$0xFFFFFFC0]  }
0x2c1: {  	v8 =	vld [tilespmem:s7+$0xFFFFFFA0];
	v5 =	vadd.f32 v6, v5;
	v6 =	vmul.f32 v9, v17  }
0x2c2: {  	v27 =	vld [tilespmem:s20+$0xFFFFFFD0];
	v9 =	vmul.f32 v18, v22  }
0x2c3: {  	v18 =	vld [tilespmem:s7+$0xFFFFFFB0];
	v5 =	vadd.f32 v6, v5;
	v6 =	vmul.f32 v10, v19  }
0x2c4: {  	v30 =	vld [tilespmem:s20+$0xFFFFFFE0];
	v7 =	vmul.f32 v7, v23;
	v9 =	vadd.f32 $0.0e+00, v9  }
0x2c5: {  	v10 =	vld [tilespmem:s7+$0xFFFFFFC0];
	v5 =	vadd.f32 v6, v5;
	v6 =	vmul.f32 v11, v20  }
0x2c6: {  	v31 =	vld [tilespmem:s20+$0xFFFFFFF0];
	v8 =	vmul.f32 v8, v24;
	v7 =	vadd.f32 v7, v9  }
0x2c7: {  	s22 =	simm.s32 $0x5380;
	v9 =	vld [tilespmem:s7+$0xFFFFFFD0];
	v5 =	vadd.f32 v6, v5;
	v6 =	vmul.f32 v13, v21  }
0x2c8: {  	v28 =	vld [tilespmem:s22+$0x10];
	v7 =	vadd.f32 v8, v7;
	v8 =	vmul.f32 v18, v25  }
0x2c9: {  	v11 =	vld [tilespmem:s7+$0xFFFFFFE0];
	v6 =	vadd.f32 v6, v5  }
0x2ca: {  	v18 =	vld [tilespmem:s22+$0x0];
	v7 =	vadd.f32 v8, v7;
	v8 =	vmul.f32 v10, v26  }
0x2cb: {  	s21 =	simm.s32 $0x380;
	v10 =	vld [tilespmem:s7+$0xFFFFFFF0];
	v13 =	vperm.xlane v6, v1  }
0x2cc: {  	v5 =	vld [tilespmem:s21+$0x0];
	v9 =	vmul.f32 v9, v27;
	v8 =	vadd.f32 v8, v7  }
0x2cd: {  	v32 =	vld [tilespmem:s22+$0x30];
	v13 =	vadd.f32 v6, v13  }
0x2ce: {  	v7 =	vld [tilespmem:s21+$0x10];
	v8 =	vadd.f32 v9, v8;
	v9 =	vmul.f32 v11, v30  }
0x2cf: {  	v6 =	vld [tilespmem:s21+$0x20];
	v29 =	vperm.xlane v13, v2  }
0x2d0: {  	v8 =	vadd.f32 v9, v8;
	v9 =	vmul.f32 v10, v31;
	v10 =	vld [tilespmem:s22+$0x20]  }
0x2d1: {  	v33 =	vld [tilespmem:s22+$0x40];
	v18 =	vmul.f32 v18, v5;
	v13 =	vadd.f32 v13, v29  }
0x2d2: {  	v11 =	vld [tilespmem:s21+$0x30];
	v29 =	vadd.f32 v9, v8  }
0x2d3: {  	v35 =	vld [tilespmem:s22+$0x50];
	v9 =	vadd.f32 $0.0e+00, v18;
	v18 =	vmul.f32 v28, v7;
	v28 =	vperm.xlane v13, v3  }
0x2d4: {  	v8 =	vld [tilespmem:s21+$0x40];
	v34 =	vperm.xlane v29, v1  }
0x2d5: {  	v54 =	vld [tilespmem:s22+$0x60];
	v18 =	vadd.f32 v18, v9;
	v10 =	vmul.f32 v10, v6;
	v28 =	vadd.f32 v13, v28  }
0x2d6: {  	v9 =	vld [tilespmem:s21+$0x50];
	v29 =	vadd.f32 v29, v34  }
0x2d7: {  	v55 =	vld [tilespmem:s22+$0x70];
	v10 =	vadd.f32 v10, v18;
	v18 =	vmul.f32 v32, v11;
	v53 =	vperm.xlane v28, v4  }
0x2d8: {  	v13 =	vld [tilespmem:s21+$0x60];
	v36 =	vperm.xlane v29, v2  }
0x2d9: {  	v56 =	vld [tilespmem:s22+$0xFFFFFF80];
	v33 =	vmul.f32 v33, v8;
	v10 =	vadd.f32 v18, v10;
	v28 =	vadd.f32 v28, v53  }
0x2da: {  	v18 =	vld [tilespmem:s21+$0x70];
	v29 =	vadd.f32 v29, v36  }
0x2db: {  	v57 =	vld [tilespmem:s22+$0xFFFFFF90];
	v35 =	vmul.f32 v35, v9;
	v33 =	vadd.f32 v33, v10;
	v21 =	vmul.f32 v28, v21  }
0x2dc: {  	v10 =	vld [tilespmem:s21+$0xFFFFFF80];
	v37 =	vperm.xlane v29, v3  }
0x2dd: {  	v58 =	vld [tilespmem:s22+$0xFFFFFFA0];
	v34 =	vmul.f32 v54, v13;
	v33 =	vadd.f32 v35, v33;
	[tilespmem:s20+$0x70] =	vst v21;
	v21 =	vmul.f32 v28, v14  }
0x2de: {  	v38 =	vmul.f32 v28, v12;
	v12 =	vld [tilespmem:s21+$0xFFFFFF90];
	v29 =	vadd.f32 v29, v37  }
0x2df: {  	v15 =	vmul.f32 v28, v15;
	v14 =	vld [tilespmem:s21+$0xFFFFFFA0];
	v32 =	vmul.f32 v55, v18;
	[tilespmem:s20+$0x10] =	vst v21;
	v21 =	vadd.f32 v34, v33  }
0x2e0: {  	v17 =	vmul.f32 v28, v17;
	[tilespmem:s20+$0x0] =	vst v38;
	v59 =	vperm.xlane v29, v4  }
0x2e1: {  	v19 =	vmul.f32 v28, v19;
	[tilespmem:s20+$0x20] =	vst v15;
	v15 =	vld [tilespmem:s21+$0xFFFFFFB0];
	v36 =	vmul.f32 v56, v10;
	v21 =	vadd.f32 v32, v21  }
0x2e2: {  	v16 =	vmul.f32 v28, v16;
	v20 =	vmul.f32 v28, v20;
	[tilespmem:s20+$0x40] =	vst v17;
	v60 =	vadd.f32 v29, v59;
	v29 =	vld [tilespmem:s22+$0xFFFFFFB0]  }
0x2e3: {  	v61 =	vld [tilespmem:s22+$0xFFFFFFC0];
	[tilespmem:s20+$0x50] =	vst v19;
	v28 =	vmul.f32 v57, v12;
	v17 =	vadd.f32 $0.0e+00, v36;
	v19 =	vperm.xlane v21, v1  }
0x2e4: {  	[tilespmem:s20+$0x30] =	vst v16;
	v16 =	vld [tilespmem:s21+$0xFFFFFFC0];
	v33 =	vmul.f32 v58, v14;
	v22 =	vmul.f32 v60, v22  }
0x2e5: {  	[tilespmem:s20+$0x60] =	vst v20;
	v20 =	vmul.f32 v60, v23;
	v28 =	vadd.f32 v28, v17;
	v17 =	vld [tilespmem:s21+$0xFFFFFFD0];
	v19 =	vadd.f32 v21, v19  }
0x2e6: {  	v23 =	vld [tilespmem:s22+$0xFFFFFFD0];
	v62 =	vmul.f32 v60, v25;
	[tilespmem:s20+$0xFFFFFF80] =	vst v22;
	v22 =	vmul.f32 v60, v24  }
0x2e7: {  	v28 =	vadd.f32 v33, v28;
	v21 =	vld [tilespmem:s21+$0xFFFFFFE0];
	[tilespmem:s20+$0xFFFFFF90] =	vst v20;
	v29 =	vmul.f32 v29, v15;
	v20 =	vperm.xlane v19, v2  }
0x2e8: {  	v63 =	vmul.f32 v60, v26;
	v25 =	vmul.f32 v60, v27;
	v24 =	vld [tilespmem:s22+$0xFFFFFFE0];
	[tilespmem:s20+$0xFFFFFFB0] =	vst v62  }
0x2e9: {  	[tilespmem:s20+$0xFFFFFFA0] =	vst v22;
	v22 =	vld [tilespmem:s21+$0xFFFFFFF0];
	v28 =	vadd.f32 v29, v28;
	v29 =	vmul.f32 v61, v16;
	v27 =	vadd.f32 v19, v20  }
0x2ea: {  	s19 =	simm.s32 $0x480;
	s7 =	simm.s32 $0x2;
	v26 =	vld [tilespmem:s22+$0xFFFFFFF0];
	[tilespmem:s20+$0xFFFFFFC0] =	vst v63;
	v19 =	vmul.f32 v60, v30;
	v20 =	vmul.f32 v60, v31  }
.LBB2_14:
0x2eb: {  	v30 =	vld [tilespmem:s19+$0x0];
	v28 =	vadd.f32 v29, v28;
	v23 =	vmul.f32 v23, v17;
	v29 =	vperm.xlane v27, v3;
	s22 =	sadd.s32 $0x100, s22;
	[tilespmem:s20+$0xFFFFFFD0] =	vst v25  }
0x2ec: {  	s7 =	sadd.s32 $0x2, s7;
	v25 =	vld [tilespmem:s22+$0x0];
	[tilespmem:s20+$0xFFFFFFE0] =	vst v19;
	v19 =	vmov v21  }
0x2ed: {  	p0 =	slt.u32 s7, $0x4E;
	v21 =	vld [tilespmem:s19+$0x10];
	v23 =	vadd.f32 v23, v28;
	v24 =	vmul.f32 v24, v19;
	v27 =	vadd.f32 v27, v29;
	[tilespmem:s20+$0xFFFFFFF0] =	vst v20;
	s20 =	smov.u32 s21;
	s21 =	smov.u32 s19  }
0x2ee: {  	v28 =	vld [tilespmem:s22+$0x10];
	v20 =	vmov v22  }
0x2ef: {  	v22 =	vld [tilespmem:s19+$0x20];
	v23 =	vadd.f32 v24, v23;
	v24 =	vmul.f32 v26, v20;
	v26 =	vperm.xlane v27, v4  }
0x2f0: {  	v29 =	vld [tilespmem:s22+$0x20]  }
0x2f1: {  	v25 =	vmul.f32 v25, v30;
	v31 =	vld [tilespmem:s19+$0x30];
	v23 =	vadd.f32 v24, v23;
	v24 =	vadd.f32 v27, v26  }
0x2f2: {  	v26 =	vld [tilespmem:s22+$0x30]  }
0x2f3: {  	v25 =	vadd.f32 $0.0e+00, v25;
	v27 =	vmul.f32 v28, v21;
	v28 =	vld [tilespmem:s19+$0x40];
	v18 =	vmul.f32 v24, v18  }
0x2f4: {  	v33 =	vperm.xlane v23, v1;
	v34 =	vmul.f32 v24, v5;
	v5 =	vmov v30;
	v32 =	vld [tilespmem:s22+$0x40]  }
0x2f5: {  	v35 =	vmul.f32 v24, v7;
	v25 =	vadd.f32 v27, v25;
	v27 =	vmul.f32 v29, v22;
	v29 =	vld [tilespmem:s19+$0x50];
	[tilespmem:s20+$0x70] =	vst v18  }
0x2f6: {  	v36 =	vmul.f32 v24, v6;
	v11 =	vmul.f32 v24, v11;
	v23 =	vadd.f32 v23, v33;
	v30 =	vld [tilespmem:s22+$0x50];
	[tilespmem:s20+$0x0] =	vst v34  }
0x2f7: {  	v18 =	vadd.f32 v27, v25;
	v25 =	vmul.f32 v26, v31;
	v26 =	vld [tilespmem:s19+$0x60];
	[tilespmem:s20+$0x10] =	vst v35;
	v35 =	vmul.f32 v24, v8  }
0x2f8: {  	v7 =	vmovc v21;
	v6 =	vmov v22;
	v34 =	vmul.f32 v24, v9;
	v33 =	vperm.xlane v23, v2;
	v27 =	vld [tilespmem:s22+$0x60];
	[tilespmem:s20+$0x20] =	vst v36  }
0x2f9: {  	v21 =	vadd.f32 v25, v18;
	v22 =	vmul.f32 v32, v28;
	v18 =	vld [tilespmem:s19+$0x70];
	[tilespmem:s20+$0x30] =	vst v11;
	v32 =	vmul.f32 v24, v13  }
0x2fa: {  	v8 =	vmovc v28;
	v23 =	vadd.f32 v23, v33;
	v11 =	vmov v31;
	v24 =	vld [tilespmem:s22+$0x70];
	[tilespmem:s20+$0x40] =	vst v35;
	v9 =	vmov v29  }
0x2fb: {  	v25 =	vld [tilespmem:s22+$0xFFFFFF80];
	v21 =	vadd.f32 v22, v21;
	v22 =	vmul.f32 v30, v9;
	[tilespmem:s20+$0x50] =	vst v34  }
0x2fc: {  	v29 =	vperm.xlane v23, v3;
	v28 =	vld [tilespmem:s19+$0xFFFFFF80];
	[tilespmem:s20+$0x60] =	vst v32;
	v13 =	vmov v26  }
0x2fd: {  	v26 =	vld [tilespmem:s19+$0xFFFFFF90];
	v21 =	vadd.f32 v22, v21;
	v22 =	vmul.f32 v27, v13  }
0x2fe: {  	v23 =	vadd.f32 v23, v29;
	v27 =	vld [tilespmem:s22+$0xFFFFFF90]  }
0x2ff: {  	v29 =	vld [tilespmem:s19+$0xFFFFFFA0];
	v21 =	vadd.f32 v22, v21;
	v22 =	vmul.f32 v24, v18  }
0x300: {  	v30 =	vperm.xlane v23, v4;
	v24 =	vld [tilespmem:s22+$0xFFFFFFA0]  }
0x301: {  	v25 =	vmul.f32 v25, v28;
	v31 =	vld [tilespmem:s19+$0xFFFFFFB0];
	v21 =	vadd.f32 v22, v21  }
0x302: {  	v30 =	vadd.f32 v23, v30;
	v22 =	vld [tilespmem:s22+$0xFFFFFFB0]  }
0x303: {  	v23 =	vadd.f32 $0.0e+00, v25;
	v25 =	vmul.f32 v27, v26;
	v27 =	vld [tilespmem:s19+$0xFFFFFFC0];
	v32 =	vperm.xlane v21, v1  }
0x304: {  	v34 =	vmul.f32 v30, v10;
	v35 =	vmul.f32 v30, v12;
	v10 =	vmovc v28;
	v12 =	vmov v26;
	v33 =	vld [tilespmem:s22+$0xFFFFFFC0]  }
0x305: {  	v25 =	vadd.f32 v25, v23;
	v24 =	vmul.f32 v24, v29;
	v36 =	vld [tilespmem:s19+$0xFFFFFFD0];
	v26 =	vadd.f32 v21, v32  }
.Ltmp6:
0x306: {  	v28 =	vmul.f32 v30, v14;
	v14 =	vmovc v29;
	v32 =	vmul.f32 v30, v15;
	v23 =	vld [tilespmem:s22+$0xFFFFFFD0];
	[tilespmem:s20+$0xFFFFFF80] =	vst v34;
	v15 =	vmov v31;
	(pc) =	sbr.rel @p0 .LBB2_14-.Ltmp6, $4  }
0x307: {  	v29 =	vadd.f32 v24, v25;
	v22 =	vmul.f32 v22, v15;
	v21 =	vld [tilespmem:s19+$0xFFFFFFE0];
	v31 =	vperm.xlane v26, v2;
	[tilespmem:s20+$0xFFFFFF90] =	vst v35  }
0x308: {  	v34 =	vmul.f32 v30, v16;
	v25 =	vmul.f32 v30, v17;
	v24 =	vld [tilespmem:s22+$0xFFFFFFE0];
	[tilespmem:s20+$0xFFFFFFA0] =	vst v28;
	v16 =	vmov v27  }
0x309: {  	v28 =	vadd.f32 v22, v29;
	v29 =	vmul.f32 v33, v16;
	v22 =	vld [tilespmem:s19+$0xFFFFFFF0];
	v27 =	vadd.f32 v26, v31;
	[tilespmem:s20+$0xFFFFFFB0] =	vst v32  }
0x30a: {  	v19 =	vmul.f32 v30, v19;
	v20 =	vmul.f32 v30, v20;
	s19 =	sadd.s32 $0x100, s19;
	v26 =	vld [tilespmem:s22+$0xFFFFFFF0];
	[tilespmem:s20+$0xFFFFFFC0] =	vst v34;
	v17 =	vmov v36  }
0x30b: {  	v28 =	vadd.f32 v29, v28;
	v23 =	vmul.f32 v23, v17;
	_ =	sdelay $0x1  }
0x30c: {  	v23 =	vadd.f32 v23, v28;
	v24 =	vmul.f32 v24, v21;
	_ =	sdelay $0x1  }
0x30d: {  	v23 =	vadd.f32 v24, v23;
	v56 =	vmul.f32 v26, v22;
	_ =	sdelay $0x1  }
0x30e: {  	v23 =	vadd.f32 v56, v23;
	_ =	sdelay $0x1  }
0x30f: {  	v57 =	vperm.xlane v27, v3;
	v58 =	vperm.xlane v23, v1;
	_ =	sdelay $0x1  }
0x310: {  	v24 =	vadd.f32 v27, v57;
	v23 =	vadd.f32 v23, v58;
	_ =	sdelay $0x1  }
0x311: {  	v59 =	vperm.xlane v24, v4;
	v60 =	vperm.xlane v23, v2;
	_ =	sdelay $0x1  }
0x312: {  	v24 =	vadd.f32 v24, v59;
	v23 =	vadd.f32 v23, v60  }
0x313: {  	[tilespmem:s20+$0xFFFFFFD0] =	vst v25  }
0x314: {  	[tilespmem:s20+$0xFFFFFFE0] =	vst v19;
	v18 =	vmul.f32 v24, v18;
	v61 =	vperm.xlane v23, v3  }
0x315: {  	[tilespmem:s20+$0xFFFFFFF0] =	vst v20;
	v5 =	vmul.f32 v24, v5  }
0x316: {  	v7 =	vmul.f32 v24, v7;
	[tilespmem:s21+$0x70] =	vst v18;
	v62 =	vadd.f32 v23, v61  }
0x317: {  	[tilespmem:s21+$0x0] =	vst v5;
	v5 =	vmul.f32 v24, v6  }
0x318: {  	v6 =	vmul.f32 v24, v11;
	[tilespmem:s21+$0x10] =	vst v7;
	v7 =	vperm.xlane v62, v4  }
0x319: {  	v8 =	vmul.f32 v24, v8;
	[tilespmem:s21+$0x20] =	vst v5  }
0x31a: {  	v5 =	vmul.f32 v24, v9;
	[tilespmem:s21+$0x30] =	vst v6;
	v6 =	vadd.f32 v62, v7  }
0x31b: {  	[tilespmem:s21+$0x40] =	vst v8;
	v7 =	vmul.f32 v24, v13  }
0x31c: {  	[tilespmem:s21+$0x50] =	vst v5;
	v5 =	vmul.f32 v6, v10  }
0x31d: {  	[tilespmem:s21+$0x60] =	vst v7;
	v7 =	vmul.f32 v6, v12  }
0x31e: {  	[tilespmem:s21+$0xFFFFFF80] =	vst v5;
	v5 =	vmul.f32 v6, v14  }
0x31f: {  	v63 =	vmul.f32 v6, v15;
	[tilespmem:s21+$0xFFFFFF90] =	vst v7  }
0x320: {  	[tilespmem:s21+$0xFFFFFFA0] =	vst v5;
	v5 =	vmul.f32 v6, v16  }
0x321: {  	v7 =	vmul.f32 v6, v17;
	[tilespmem:s21+$0xFFFFFFB0] =	vst v63  }
0x322: {  	[tilespmem:s21+$0xFFFFFFC0] =	vst v5;
	v5 =	vmul.f32 v6, v21  }
0x323: {  	[tilespmem:s21+$0xFFFFFFD0] =	vst v7;
	v6 =	vmul.f32 v6, v22  }
0x324: {  	[tilespmem:s21+$0xFFFFFFE0] =	vst v5  }
0x325: {  	[tilespmem:s21+$0xFFFFFFF0] =	vst v6  }
0x326: {  	[spmem:s2] =	stream.indirect.scatter.add.f32 [tilespmem:s25], [sflag:$0x5], $0x80, s28, s31, $0xb8;
	[tilespmem:$0x1E200] =	vst v63  }
0x327: {  	_ =	swait.ge [sflag:s17], $0x2800  }
0x328: {  	[sflag:s17] =	ssyncset.done $0x0  }
0x329: {  	[sflag:s17] =	ssyncadd.s32 $0xFFFFD800  }
0x32a: {  	s7 =	stileid.u32;
	[bflag:$0x0] =	sbarrier.arrive $0xFFFF  }
0x32b: {  	s7 =	sshll.u32 s7, $0x6;
	s20 =	rddreg [dreg:$0x4]  }
0x32c: {  	s7 =	sor.u32 $0x1C09, s7;
	s22 =	rddreg [dreg:$0x12];
	s19 =	sshrl.u32 s20, $0x3  }
0x32d: {  	[hbm:s22], [sflag:s7] =	dma.local [spmem:s19], $0x2800  }
0x32e: {  	_ =	swait.ge [sflag:s26], $0x2800  }
0x32f: {  	s23 =	rddreg [dreg:$0x14]  }
0x330: {  	s24 =	rddreg [dreg:$0x13];
	s19 =	sadd.s32 $0x1, s23  }
0x331: {  	p0 =	sne.s32 s19, s24  }
.Ltmp7:
0x332: {  	_ = 	snop;
	(pc) =	sbr.rel @p0 .LBB2_1-.Ltmp7, $3  }
0x333: {  	_ =	sdelay $0x1  }
0x334: {  	[sflag:s26] =	ssyncset.done $0x0  }
0x335: {  	[sflag:s26] =	ssyncadd.s32 $0xFFFFD800  }
0x336: {  	_ =	sfence.sel $0x180000  }
0x337: {  	[bflag:$0x0] =	sbarrier.arrive $0xFFFF  }
0x338: {  	_ =	strace $0x90000047  }
0x339: {  	s0 =	stileid.u32;
	[bflag:$0x2] =	sbarrier.arrive $0xFFFF  }
0x33a: {  	p0 =	sne.s32 s0, $0x0;
	s0 =	rddreg [dreg:$0x3]  }
0x33b: {  	s0 =	sadd.s32 @!p0 $0x100000, s0  }
0x33c: {  	[sflag:s0] =	ssyncadd.tile.s32 @!p0 $0x1;
	_ =	shalt  }
.Lfunc_end2:
_tile_overlayer_lowered:
.L_overlay_start_2:
0x33d: {  	(tag) =	ssettag $0x2  }
0x33e: {  	s0 =	rddreg [dreg:$0x0];
	s2 =	stileid.u32  }
0x33f: {  	s1 =	rddreg [dreg:$0x1];
	p0 =	sne.s32 s2, $0x0  }
0x340: {  	s3 =	rddreg [dreg:$0x2];
	[bflag:$0x3] =	sbarrier.arrive $0xFFFF;
	s2 =	simm.s32 @!p0 $0x1C09  }
0x341: {  	[timem:s3], [sflag:s2] =	dma.local @!p0 [hbm:s0], s1  }
0x342: {  	s0 =	simm.s32 @!p0 $0x9  }
0x343: {  	_ =	swait.ge @!p0 [sflag:s0], s1  }
0x344: {  	s1 =	ssub.s32 @!p0 $0x0, s1;
	[sflag:s0] =	ssyncset.done @!p0 $0x0  }
0x345: {  	[sflag:s0] =	ssyncadd.s32 @!p0 s1  }
0x346: {  	[bflag:$0x3] =	sbarrier.arrive $0xFFFF  }
0x347: {  	_ =	shalt  }

// kernel: kernel.8.cloned.1.call-start
scs
__scs_entry_jumppad:
0x0: {  	(pc) =	sbr.rel $0x88, $3  }
0x1: {  	(tag) =	ssettag $0x0;
	lr =	simm.s32 $0x1  }
0x2: {  	[smem:$0x3F9D] =	sst lr;
	_ =	strace $0xD0000000  }
0x3: {  	_ = 	snop  }
0x4: {  	_ = 	snop  }
0x5: {  	_ = 	snop  }
0x6: {  	_ = 	snop  }
0x7: {  	_ = 	snop  }
__scs_overlays_trampoline_lowered:
0x8: {  	[smem:$0x3FAC] =	sst s0  }
0x9: {  	[smem:$0x3FAD] =	sst s1  }
0xa: {  	[smem:$0x3FAE] =	sst s2  }
0xb: {  	[smem:$0x3FAF] =	sst s3  }
0xc: {  	[smem:$0x3FB0] =	sst s4  }
0xd: {  	[smem:$0x3FB1] =	sst s5  }
0xe: {  	[smem:$0x3FB2] =	sst s6  }
0xf: {  	[smem:$0x3FB3] =	sst s7  }
0x10: {  	[smem:$0x3FB4] =	sst s8  }
0x11: {  	[smem:$0x3FB5] =	sst s9;
	s0 =	simm.s32 @!p0 $0x0  }
0x12: {  	s1 =	sld [smem:$0x3F9B];
	s0 =	simm.s32 @p0 $0x1  }
0x13: {  	[smem:$0x3FB6] =	sst s0;
	s0 =	simm.s32 @!p1 $0x0  }
0x14: {  	s2 =	sld [smem:$0x3F9A];
	s0 =	simm.s32 @p1 $0x1  }
0x15: {  	[smem:$0x3FB7] =	sst s0;
	s0 =	simm.s32 @!p2 $0x0  }
0x16: {  	s3 =	sld [smem:$0x3FDB];
	s0 =	simm.s32 @p2 $0x1  }
0x17: {  	s4 =	simm.s32 $0x1BF5;
	[smem:$0x3FB9] =	sst s0  }
0x18: {  	s0 =	sld [smem:$0x3F9C];
	_ =	swait.ge [sflag:s4], $0x0  }
0x19: {  	s7 =	sld [smem:$0x3F9D]  }
0x1a: {  	s8 =	sadd.s32 $0xFFFFE003, lr  }
0x1b: {  	s9 =	sadd.s32 $0xFFFFFEF7, lr;
	s5 =	simm.s32 $0xFFFFFFFF;
	p2 =	slt.u32 s8, $0xFFFFF086  }
0x1c: {  	p1 =	slt.u32 s9, $0xF7A;
	s5 =	simm.s32 @!p2 $0x0  }
0x1d: {  	s5 =	simm.s32 @p1 $0x1;
	p0 =	seq.s32 s7, s2  }
0x1e: {  	s7 =	smul.u32 @!p0 $0xF7A, s2;
	p2 =	seq.s32 @!p0 s5, $0x0  }
0x1f: {  	s9 =	smul.u32 $0xF7A, s1;
	s8 =	simm.s32 @!p0 $0x1BF5;
	p2 =	por !p2, p0  }
0x20: {  	[sflag:s8] =	ssyncset.s32 @!p0 $0xFFFFF086;
	s6 =	sadd.s32 @!p0 s3, s7;
	s7 =	simm.s32 @!p0 $0x108  }
0x21: {  	s3 =	sadd.s32 s3, s9;
	s6 =	sadd.s32 @!p0 $0x88, s6;
	s7 =	simm.s32 @p2 $0x1082  }
0x22: {  	[simem:s7], [sflag:s8] =	dma.local @!p0 [hbm:s6], $0xF7A  }
0x23: {  	s9 =	sor.u32 $0xD0000000, s2;
	s6 =	simm.s32 $0x108;
	_ =	swait.ge @!p0 [sflag:s8], $0x0  }
0x24: {  	s3 =	sadd.s32 $0x88, s3;
	s6 =	simm.s32 @!p1 $0x1082;
	[sflag:s4] =	ssyncset.s32 $0xFFFFF086  }
0x25: {  	[simem:s6], [sflag:s4] =	dma.local [hbm:s3], $0xF7A  }
0x26: {  	[smem:$0x3F9D] =	sst s1;
	(tag) =	ssettag s2;
	_ =	strace s9  }
0x27: {  	s1 =	sld [smem:$0x3FAD]  }
0x28: {  	s2 =	sld [smem:$0x3FAE]  }
0x29: {  	s4 =	sld [smem:$0x3FB0]  }
0x2a: {  	p0 =	seq.s32 s5, $0x0;
	s5 =	sld [smem:$0x3FB1]  }
0x2b: {  	s6 =	sld [smem:$0x3FB2]  }
0x2c: {  	s7 =	sld [smem:$0x3FB3]  }
0x2d: {  	s3 =	simm.s32 $0x108;
	s8 =	sld [smem:$0x3FB4]  }
0x2e: {  	s3 =	simm.s32 @!p0 $0x1082;
	s9 =	sld [smem:$0x3FB5]  }
0x2f: {  	lr =	sadd.s32 s0, s3;
	s0 =	sld [smem:$0x3FAC]  }
0x30: {  	s3 =	sld [smem:$0x3FAF]  }
0x31: {  	[smem:$0x3FB8] =	sst s10  }
0x32: {  	s10 =	sld [smem:$0x3FB6];
	_ =	sdelay $0x3  }
0x33: {  	p0 =	seq.s32 s10, $0x1;
	s10 =	sld [smem:$0x3FB8];
	_ =	sdelay $0x3  }
0x34: {  	[smem:$0x3FB8] =	sst s10  }
0x35: {  	s10 =	sld [smem:$0x3FB7];
	_ =	sdelay $0x3  }
0x36: {  	p1 =	seq.s32 s10, $0x1;
	s10 =	sld [smem:$0x3FB8];
	_ =	sdelay $0x3  }
0x37: {  	[smem:$0x3FB8] =	sst s10  }
0x38: {  	s10 =	sld [smem:$0x3FB9]  }
0x39: {  	_ = 	snop;
	(pc) =	sbr.ind lr, $3  }
0x3a: {  	_ = 	snop  }
0x3b: {  	_ = 	snop  }
0x3c: {  	p2 =	seq.s32 s10, $0x1;
	s10 =	sld [smem:$0x3FB8]  }
0x3d: {  	_ =	shalt  }
0x3e: {  	_ =	shalt  }
0x3f: {  	_ =	shalt  }
0x40: {  	_ =	shalt  }
0x41: {  	_ =	shalt  }
0x42: {  	_ =	shalt  }
0x43: {  	_ =	shalt  }
0x44: {  	_ =	shalt  }
0x45: {  	_ =	shalt  }
0x46: {  	_ =	shalt  }
0x47: {  	_ =	shalt  }
0x48: {  	_ =	shalt  }
0x49: {  	_ =	shalt  }
0x4a: {  	_ =	shalt  }
0x4b: {  	_ =	shalt  }
0x4c: {  	_ =	shalt  }
0x4d: {  	_ =	shalt  }
0x4e: {  	_ =	shalt  }
0x4f: {  	_ =	shalt  }
0x50: {  	_ =	shalt  }
0x51: {  	_ =	shalt  }
0x52: {  	_ =	shalt  }
0x53: {  	_ =	shalt  }
0x54: {  	_ =	shalt  }
0x55: {  	_ =	shalt  }
0x56: {  	_ =	shalt  }
0x57: {  	_ =	shalt  }
0x58: {  	_ =	shalt  }
0x59: {  	_ =	shalt  }
0x5a: {  	_ =	shalt  }
0x5b: {  	_ =	shalt  }
0x5c: {  	_ =	shalt  }
0x5d: {  	_ =	shalt  }
0x5e: {  	_ =	shalt  }
0x5f: {  	_ =	shalt  }
0x60: {  	_ =	shalt  }
0x61: {  	_ =	shalt  }
0x62: {  	_ =	shalt  }
0x63: {  	_ =	shalt  }
0x64: {  	_ =	shalt  }
0x65: {  	_ =	shalt  }
0x66: {  	_ =	shalt  }
0x67: {  	_ =	shalt  }
0x68: {  	_ =	shalt  }
0x69: {  	_ =	shalt  }
0x6a: {  	_ =	shalt  }
0x6b: {  	_ =	shalt  }
0x6c: {  	_ =	shalt  }
0x6d: {  	_ =	shalt  }
0x6e: {  	_ =	shalt  }
0x6f: {  	_ =	shalt  }
0x70: {  	_ =	shalt  }
0x71: {  	_ =	shalt  }
0x72: {  	_ =	shalt  }
0x73: {  	_ =	shalt  }
0x74: {  	_ =	shalt  }
0x75: {  	_ =	shalt  }
0x76: {  	_ =	shalt  }
0x77: {  	_ =	shalt  }
0x78: {  	_ =	shalt  }
0x79: {  	_ =	shalt  }
0x7a: {  	_ =	shalt  }
0x7b: {  	_ =	shalt  }
0x7c: {  	_ =	shalt  }
0x7d: {  	_ =	shalt  }
0x7e: {  	_ =	shalt  }
0x7f: {  	_ =	shalt  }
0x80: {  	_ =	shalt  }
0x81: {  	_ =	shalt  }
0x82: {  	_ =	shalt  }
0x83: {  	_ =	shalt  }
0x84: {  	_ =	shalt  }
0x85: {  	_ =	shalt  }
0x86: {  	_ =	shalt  }
0x87: {  	_ =	shalt  }
.Lfunc_end0:
.L_simem_size_0:
called_computation.1_lowered:
.L_overlay_start_0:
0x88: {  	s2 =	sld [smem:$0x3FD9]  }
0x89: {  	s3 =	sld [smem:$0x3FFE];
	_ =	sdelay $0x1  }
0x8a: {  	s1 =	srdreg.scid  }
0x8b: {  	s0 =	sand.u32 $0x1, s1  }
0x8c: {  	s17 =	sshll.u32 s0, $0xA;
	s2 =	sadd.s32 s3, s2  }
0x8d: {  	s2 =	sadd.s32 s2, s17  }
0x8e: {  	[smem:$0x3FC4] =	sst s2  }
0x8f: {  	_ = 	snop  }
0x90: {  	s2 =	sld [smem:$0x3FD0];
	(tm) =	ssettm $0x1  }
0x91: {  	s18 =	sld [smem:$0x3FFB];
	_ =	sdelay $0x3  }
0x92: {  	_ =	strace s18  }
0x93: {  	s3 =	sld [smem:$0x3FFC];
	_ =	sdelay $0x3  }
0x94: {  	_ =	strace s3  }
0x95: {  	s3 =	sld [smem:$0x3FFD];
	_ =	sdelay $0x3  }
0x96: {  	_ =	strace s3  }
0x97: {  	_ =	strace $0x8FFFFFFF  }
0x98: {  	s19 =	sld [smem:$0x3FDB];
	_ =	sdelay $0x1  }
0x99: {  	s4 =	simm.s32 $_scs_section_size  }
0x9a: {  	s5 =	simm.s32 $_size__tile_overlayer_lowered;
	s6 =	simm.s32 $_tile_overlayer_lowered  }
0x9b: {  	s22 =	simm.s32 $0x1BFF;
	s21 =	sshll.u32 s6, $0x1;
	s3 =	sadd.s32 s4, s19  }
0x9c: {  	s7 =	simm.s32 $0x0;
	s20 =	sshll.u32 s5, $0x1;
	s5 =	sadd.s32 s21, s3  }
0x9d: {  	[timem:s7], [sflag:s22] =	dma.local [hbm:s5], s20  }
0x9e: {  	_ =	swait.ge [sflag:s22], s20  }
0x9f: {  	s4 =	ssub.s32 $0x0, s20;
	[sflag:s22] =	ssyncset.done $0x0  }
0xa0: {  	[sflag:s22] =	ssyncadd.s32 s4;
	_ =	sdelay $0x1  }
0xa1: {  	s23 =	simm.s32 $0x1B8B  }
0xa2: {  	_ =	swait.ge [sflag:s23], $0x1  }
0xa3: {  	[sflag:s23] =	ssyncset.done $0x0  }
0xa4: {  	s25 =	simm.s32 $0x1B8E;
	s24 =	sld [smem:$0x3FFE];
	[sflag:s23] =	ssyncadd.s32 $0xFFFFFFFF  }
0xa5: {  	s26 =	simm.s32 $execute0_lowered;
	[smem:$0x3FD2] =	sst s25  }
0xa6: {  	s5 =	sshll.u32 s26, $0x1;
	_ =	strace $0x80000049;
	[dreg:$0x1] =	wrdreg $0xFFFFFFFF  }
0xa7: {  	s28 =	simm.s32 $_size_execute0_lowered;
	s3 =	sadd.s32 s3, s5;
	[dreg:$0x0] =	wrdreg $0x0  }
0xa8: {  	s5 =	sshll.u32 s28, $0x1;
	[dreg:$0x2] =	wrdreg s3  }
0xa9: {  	[dreg:$0x3] =	wrdreg s5  }
0xaa: {  	[dreg:$0x4] =	wrdreg $0xC0  }
0xab: {  	_ =	task [dreg:s7], $0x5FFFF  }
0xac: {  	[dreg:$0x1] =	wrdreg $0xFFFFFFFF  }
0xad: {  	[dreg:$0x0] =	wrdreg $0x60  }
0xae: {  	[dreg:$0x2] =	wrdreg s24  }
0xaf: {  	[dreg:$0x3] =	wrdreg s2  }
0xb0: {  	[dreg:$0x4] =	wrdreg $0x9  }
0xb1: {  	_ =	task.clear_ibuf [dreg:s7], $0x5FFFF;
	_ =	strace $0x90000049  }
0xb2: {  	s29 =	simm.s32 $0x9;
	_ =	strace $0x8000004B  }
0xb3: {  	_ =	swait.ge [sflag:s29], $0x1  }
0xb4: {  	[sflag:s29] =	ssyncadd.s32 $0xFFFFFFFF  }
0xb5: {  	_ =	strace $0x9000004B  }
0xb6: {  	_ =	sfence  }
0xb7: {  	s30 =	sld [smem:$0x0];
	_ =	sdelay $0x2  }
0xb8: {  	s31 =	sshll.u32 s1, $0xD;
	s1 =	sshrl.u32 s1, $0x2  }
0xb9: {  	s3 =	sand.u32 $0x4000, s31;
	s1 =	sadd.s32 s1, s30  }
0xba: {  	s0 =	sor.u32 s3, s0;
	s1 =	sshll.u32 s1, $0x11  }
0xbb: {  	s0 =	sor.u32 s1, s0  }
0xbc: {  	s0 =	sadd.s32 $0x8F2B, s0  }
0xbd: {  	[sflag:s0] =	ssyncadd.remote.s32 $0x1  }
0xbe: {  	_ =	sfence.sel $0xFFFF  }
0xbf: {  	[dreg:$0x0] =	wrdreg $0xFFFFFFFF;
	(pc) =	sbr.abs _section_cstart, $3  }
0xc0: {  	[dreg:$0x1] =	wrdreg $0xFFFFFFFF  }
0xc1: {  	_ =	task.clear_ibuf [dreg:s7], $0x2FFFF;
	_ =	strace $0x9FFFFFFF  }
0xc2: {  	(tm) =	ssettm $0x7FFFFFFF  }
0xc3: {  	_ =	shalt  }
tec
execute0_lowered:
.L_overlay_start_1:
0x0: {  	(tag) =	ssettag $0x1  }
0x1: {  	s7 =	rddreg [dreg:$0x0]  }
0x2: {  	s1 =	rddreg [dreg:$0x1]  }
0x3: {  	s0 =	rddreg [dreg:$0x2];
	s2 =	simm.s32 $0x0;
	s3 =	srdreg.scid  }
0x4: {  	s10 =	simm.s32 $0x1;
	s11 =	simm.s32 $0x2800;
	s12 =	simm.s32 $0x0  }
0x5: {  	[smem:$0x7FF] =	sst s2;
	s4 =	sand.u32 $0x1, s3;
	s3 =	stileid.u32  }
0x6: {  	_ =	strace $0x8000004A;
	s6 =	ssub.s32 $0x2, s4;
	s5 =	sshll.u32 s4, $0x4  }
0x7: {  	s4 =	sadd.s32 $0x32400, s7;
	s8 =	sshrl.u32 s6, $0x1;
	s9 =	sor.u32 s3, s5  }
0x8: {  	s5 =	sadd.s32 $0x600, s7;
	s7 =	sadd.s32 $0x5A400, s7;
	s8 =	ssub.s32 s6, s8  }
0x9: {  	s6 =	smul.u32 $0x140, s9;
	s9 =	simm.s32 $0x5000;
	s8 =	smax.u32 s8, $0x1  }
.LBB2_1:
0xa: {  	[tilespmem:s9], [sflag:$0x1] =	stream.linear.gather [hbm4b:s1+s2], $0x80, $0x38;
	[tilespmem:$0x5080] =	vst v63  }
0xb: {  	_ =	swait.ge [sflag:s10], $0x80  }
0xc: {  	[sflag:s10] =	ssyncset.done $0x0  }
0xd: {  	[sflag:s10] =	ssyncadd.s32 $0xFFFFFF80  }
0xe: {  	v0 =	vld [tilespmem:$0x5000];
	_ =	sdelay $0x3  }
0xf: {  	s13 =	simm.s32 $0x0  }
.LBB2_2:
0x10: {  	s14 =	smul.u32 $0x50, s13;
	_ =	sdelay $0x1  }
0x11: {  	s14 =	sadd.s32 s6, s14  }
0x12: {  	s14 =	sshll.u32 s14, $0x4  }
0x13: {  	s16 =	simm.s32 $0x0;
	s15 =	sadd.s32 s4, s14  }
0x14: {  	[tilespmem:s16], [sflag:$0x1] =	stream.linear.gather [hbm4b:s15+s16], $0x2800, $0x38;
	[tilespmem:$0x5080] =	vst v63  }
0x15: {  	_ =	swait.ge [sflag:s10], $0x2800  }
0x16: {  	[sflag:s10] =	ssyncset.done $0x0  }
0x17: {  	s31 =	sadd.s32 s14, s7;
	[sflag:s10] =	ssyncadd.s32 $0xFFFFD800  }
0x18: {  	[tilespmem:s11], [sflag:$0x1] =	stream.linear.gather [hbm4b:s31+s16], $0x2800, $0x38;
	[tilespmem:$0x5080] =	vst v63  }
0x19: {  	_ =	swait.ge [sflag:s10], $0x2800  }
0x1a: {  	[sflag:s10] =	ssyncset.done $0x0  }
0x1b: {  	s15 =	simm.s32 $0x0;
	[sflag:s10] =	ssyncadd.s32 $0xFFFFD800  }
0x1c: {  	v7 =	vld [tilespmem:s15+$0x2800]  }
0x1d: {  	v12 =	vld [tilespmem:s15+$0x2810]  }
0x1e: {  	v6 =	vld [tilespmem:s15+$0x2820]  }
0x1f: {  	v5 =	vld [tilespmem:s15+$0x2830]  }
0x20: {  	v4 =	vld [tilespmem:s15+$0x2840]  }
0x21: {  	v3 =	vld [tilespmem:s15+$0x2850]  }
0x22: {  	v2 =	vld [tilespmem:s15+$0x2860]  }
0x23: {  	v1 =	vld [tilespmem:s15+$0x2870]  }
0x24: {  	v13 =	vld [tilespmem:s15+$0x0]  }
0x25: {  	v14 =	vld [tilespmem:s15+$0x10]  }
0x26: {  	v11 =	vld [tilespmem:s15+$0x20]  }
0x27: {  	v10 =	vld [tilespmem:s15+$0x30]  }
0x28: {  	v9 =	vld [tilespmem:s15+$0x40]  }
0x29: {  	v8 =	vld [tilespmem:s15+$0x50];
	v13 =	vadd.f32 v7, v13  }
0x2a: {  	s16 =	simm.s32 $0x200;
	v12 =	vadd.f32 v12, v14;
	v7 =	vld [tilespmem:s15+$0x60]  }
.LBB2_3:
0x2b: {  	s17 =	sshra.s32 s16, $0x2;
	p0 =	sne.s32 s16, $0x9E00;
	v13 =	vmul.f32 v13, v0;
	v6 =	vadd.f32 v6, v11;
	v11 =	vld [tilespmem:s15+$0x70]  }
0x2c: {  	v14 =	vld [tilespmem:s17+$0x2800];
	v12 =	vmul.f32 v12, v0;
	v5 =	vadd.f32 v5, v10  }
0x2d: {  	v15 =	vld [tilespmem:s17+$0x2810];
	[tilespmem:s15+$0x0] =	vst v13;
	v10 =	vmul.f32 v6, v0;
	v4 =	vadd.f32 v4, v9  }
0x2e: {  	v6 =	vld [tilespmem:s17+$0x2820];
	[tilespmem:s15+$0x10] =	vst v12;
	v9 =	vmul.f32 v5, v0;
	v3 =	vadd.f32 v3, v8  }
0x2f: {  	v5 =	vld [tilespmem:s17+$0x2830];
	[tilespmem:s15+$0x20] =	vst v10;
	v8 =	vmul.f32 v4, v0;
	v2 =	vadd.f32 v2, v7  }
0x30: {  	v4 =	vld [tilespmem:s17+$0x2840];
	[tilespmem:s15+$0x30] =	vst v9;
	v7 =	vmul.f32 v3, v0;
	v1 =	vadd.f32 v1, v11  }
0x31: {  	v3 =	vld [tilespmem:s17+$0x2850];
	[tilespmem:s15+$0x40] =	vst v8;
	v8 =	vmul.f32 v2, v0  }
0x32: {  	v2 =	vld [tilespmem:s17+$0x2860];
	[tilespmem:s15+$0x50] =	vst v7;
	v7 =	vmul.f32 v1, v0  }
0x33: {  	v1 =	vld [tilespmem:s17+$0x2870];
	[tilespmem:s15+$0x60] =	vst v8  }
0x34: {  	v8 =	vld [tilespmem:s17+$0x0];
	[tilespmem:s15+$0x70] =	vst v7;
	s15 =	smov.u32 s17  }
0x35: {  	v7 =	vld [tilespmem:s15+$0x10]  }
.Ltmp0:
0x36: {  	v11 =	vld [tilespmem:s15+$0x20];
	(pc) =	sbr.rel @p0 .LBB2_3-.Ltmp0, $4  }
0x37: {  	v10 =	vld [tilespmem:s15+$0x30]  }
0x38: {  	v9 =	vld [tilespmem:s15+$0x40]  }
0x39: {  	v13 =	vadd.f32 v14, v8;
	v8 =	vld [tilespmem:s15+$0x50]  }
0x3a: {  	s16 =	sadd.s32 $0x200, s16;
	v12 =	vadd.f32 v15, v7;
	v7 =	vld [tilespmem:s15+$0x60]  }
0x3b: {  	v13 =	vmul.f32 v13, v0;
	v6 =	vadd.f32 v6, v11;
	v63 =	vld [tilespmem:s15+$0x70]  }
0x3c: {  	v12 =	vmul.f32 v12, v0;
	v5 =	vadd.f32 v5, v10  }
0x3d: {  	[tilespmem:s15+$0x0] =	vst v13;
	v6 =	vmul.f32 v6, v0;
	v4 =	vadd.f32 v4, v9  }
0x3e: {  	[tilespmem:s15+$0x10] =	vst v12;
	v5 =	vmul.f32 v5, v0;
	v3 =	vadd.f32 v3, v8  }
0x3f: {  	[tilespmem:s15+$0x20] =	vst v6;
	v4 =	vmul.f32 v4, v0;
	v2 =	vadd.f32 v2, v7  }
0x40: {  	[tilespmem:s15+$0x30] =	vst v5;
	v3 =	vmul.f32 v3, v0;
	v1 =	vadd.f32 v1, v63  }
0x41: {  	[tilespmem:s15+$0x40] =	vst v4;
	v2 =	vmul.f32 v2, v0  }
0x42: {  	s13 =	sadd.s32 $0x1, s13;
	[tilespmem:s15+$0x50] =	vst v3;
	v1 =	vmul.f32 v1, v0  }
0x43: {  	p0 =	sne.s32 s13, $0x4;
	[tilespmem:s15+$0x60] =	vst v2  }
.Ltmp1:
0x44: {  	s14 =	sadd.s32 s5, s14;
	[tilespmem:s15+$0x70] =	vst v1;
	(pc) =	sbr.rel @p0 .LBB2_2-.Ltmp1, $4  }
0x45: {  	[hbm4b:s14+s2] =	stream.linear.scatter [tilespmem:s2], [sflag:$0x1], $0x2800, $0x38;
	[tilespmem:$0x5080] =	vst v63  }
0x46: {  	_ =	swait.ge [sflag:s10], $0x2800  }
0x47: {  	[sflag:s10] =	ssyncset.done $0x0  }
0x48: {  	[sflag:s10] =	ssyncadd.s32 $0xFFFFD800  }
0x49: {  	s12 =	sadd.s32 $0x1, s12  }
0x4a: {  	p0 =	sne.s32 s12, s8  }
.Ltmp2:
0x4b: {  	_ = 	snop;
	(pc) =	sbr.rel @p0 .LBB2_1-.Ltmp2, $1  }
0x4c: {  	_ =	sdelay $0x3  }
0x4d: {  	_ =	sfence.sel $0x180000  }
0x4e: {  	[bflag:$0x0] =	sbarrier.arrive $0xFFFF  }
0x4f: {  	p0 =	sne.s32 s3, $0x0;
	_ =	strace $0x9000004A  }
0x50: {  	s0 =	sadd.s32 @!p0 $0x100000, s0;
	[bflag:$0x2] =	sbarrier.arrive $0xFFFF  }
0x51: {  	[sflag:s0] =	ssyncadd.tile.s32 @!p0 $0x1;
	_ =	shalt  }
.Lfunc_end2:
_tile_overlayer_lowered:
.L_overlay_start_2:
0x52: {  	(tag) =	ssettag $0x2  }
0x53: {  	s0 =	rddreg [dreg:$0x0];
	s2 =	stileid.u32  }
0x54: {  	s1 =	rddreg [dreg:$0x1];
	p0 =	sne.s32 s2, $0x0  }
0x55: {  	s3 =	rddreg [dreg:$0x2];
	[bflag:$0x3] =	sbarrier.arrive $0xFFFF;
	s2 =	simm.s32 @!p0 $0x1C01  }
0x56: {  	[timem:s3], [sflag:s2] =	dma.local @!p0 [hbm:s0], s1  }
0x57: {  	s0 =	simm.s32 @!p0 $0x1  }
0x58: {  	_ =	swait.ge @!p0 [sflag:s0], s1  }
0x59: {  	s1 =	ssub.s32 @!p0 $0x0, s1;
	[sflag:s0] =	ssyncset.done @!p0 $0x0  }
0x5a: {  	[sflag:s0] =	ssyncadd.s32 @!p0 s1  }
0x5b: {  	[bflag:$0x3] =	sbarrier.arrive $0xFFFF  }
0x5c: {  	_ =	shalt  }

</sc_bundles>
